<compile_context>
chip_gen: v7x
topology: tpu7x:2x2x1
jax: 0.10.2.dev20260603
libtpu: 0.0.44.dev20260713+nightly
codegen_flags: <defaults>
</compile_context>

<pallas_src>
import functools
import math

import jax
import jax.numpy as jnp
from jax import lax
from jax.experimental import pallas as pl
from jax.experimental.pallas import tpu as pltpu
from jax.experimental.pallas import tpu_sc as plsc

_N = 10000
_E = 320000
_D = 128
_OUT = 128
_T = 3
_H = 8
_DK = _OUT // _H

_TI_W = 208
_TJ_W = 192
_RC_W = 224
_ACC_W = 144

_NB = 400
_C = 25
_NW = 32
_EPW = _E // _NW
_NCH = _EPW // _C
_K = 20
_NBLK = _NCH // _K
_RPT = _N // 16



def _tables_body(x_ref, oh_ref, h_ref, ws_ref, bs_ref, wn_ref, bn_ref,
                 whs_ref, bhs_ref, whn_ref, bhn_ref, ti_ref, tj_ref):
    x = x_ref[...]
    oh = oh_ref[...]
    q = oh @ bs_ref[...]
    k = oh @ bn_ref[...]
    for t in range(_T):
        xt = x * oh[:, t][:, None]
        q += lax.dot(xt, ws_ref[t], preferred_element_type=jnp.float32)
        k += lax.dot(xt, wn_ref[t], preferred_element_type=jnp.float32)
    h = h_ref[...]
    hs = lax.dot(h, whs_ref[...], preferred_element_type=jnp.float32) + bhs_ref[...]
    hn = lax.dot(h, whn_ref[...], preferred_element_type=jnp.float32) + bhn_ref[...]
    tcol = oh @ lax.broadcasted_iota(jnp.int32, (_T, 16), 0).astype(jnp.float32)
    ti_ref[...] = jnp.concatenate([q, hs, tcol], axis=1)
    tj_ref[...] = jnp.concatenate([k, hn], axis=1)


def _build_tables(node_inp, onehot, h_mat, W_sub, b_sub, W_neigh, b_neigh,
                  W_hsub, b_hsub, W_hneigh, b_hneigh):
    full = lambda shape: pl.BlockSpec(shape, lambda i: tuple(0 for _ in shape))
    return pl.pallas_call(
        _tables_body,
        grid=(_N // _NB,),
        in_specs=[
            pl.BlockSpec((_NB, _D), lambda i: (i, 0)),
            pl.BlockSpec((_NB, _T), lambda i: (i, 0)),
            pl.BlockSpec((_NB, 8), lambda i: (i, 0)),
            full((_T, _D, _OUT)), full((_T, _OUT)),
            full((_T, _D, _OUT)), full((_T, _OUT)),
            full((8, 64)), full((1, 64)),
            full((8, 64)), full((1, 64)),
        ],
        out_specs=[
            pl.BlockSpec((_NB, _TI_W), lambda i: (i, 0)),
            pl.BlockSpec((_NB, _TJ_W), lambda i: (i, 0)),
        ],
        out_shape=[
            jax.ShapeDtypeStruct((_N, _TI_W), jnp.float32),
            jax.ShapeDtypeStruct((_N, _TJ_W), jnp.float32),
        ],
    )(node_inp, onehot, h_mat, W_sub, b_sub, W_neigh, b_neigh,
      W_hsub, b_hsub.reshape(1, 64), W_hneigh, b_hneigh.reshape(1, 64))



def _edge_body(ei_hbm, ej_hbm, ti_hbm, tj_hbm, rc_hbm, zeros_hbm, out_hbm,
               eib_v, ejb_v, ti_a, ti_b, tj_a, tj_b, msg_a, msg_b, rc_v,
               acc_sh, gat_a, gat_b, sct_a, sct_b):
    cid = lax.axis_index("c")
    sid = lax.axis_index("s")
    wid = sid * 2 + cid

    pltpu.sync_copy(zeros_hbm, acc_sh.at[pl.ds(sid * _RPT, _RPT)])
    pltpu.sync_copy(rc_hbm, rc_v)
    plsc.subcore_barrier()

    lane = lax.iota(jnp.int32, 16)
    lo8 = lane < 8

    def edge_one(ti_v, tj_v, msg_v):
        def one(e):
            t_i = ti_v[e, pl.ds(192, 16)][0].astype(jnp.int32)
            acch = jnp.zeros((16,), jnp.float32)
            for v in range(4):
                hs = ti_v[e, pl.ds(128 + 16 * v, 16)]
                hn = tj_v[e, pl.ds(128 + 16 * v, 16)]
                rha2 = rc_v[t_i, pl.ds(128 + 16 * v, 16)]
                t = jnp.exp(hs * hn)
                acch = acch + rha2 / (t + 1.0)
            s2v = rc_v[t_i, pl.ds(208, 16)] - (acch + lax.rev(acch, (0,)))
            accq = jnp.zeros((16,), jnp.float32)
            ks = []
            for h in range(_H):
                q = ti_v[e, pl.ds(16 * h, 16)]
                k = tj_v[e, pl.ds(16 * h, 16)]
                ra2 = rc_v[t_i, pl.ds(16 * h, 16)]
                t = jnp.exp(q * k)
                accq = accq + ra2 / (t + 1.0)
                ks.append(k)
            s1v = rc_v[t_i, pl.ds(192, 16)] - (accq + lax.rev(accq, (0,)))
            exv = jnp.exp(jnp.clip(s1v * s2v, -60.0, 60.0))
            e0 = jnp.where(lo8, exv, 0.0)
            exd = e0 + lax.rev(e0, (0,))
            for h in range(_H):
                msg_v[e, pl.ds(16 * h, 16)] = ks[h] * exd
            msg_v[e, pl.ds(128, 16)] = e0

        def body(e, _):
            one(e)
            return 0
        lax.fori_loop(0, _C, body, 0)

    def issue_gat(r, ti_x, tj_x, sem):
        pltpu.async_copy(ti_hbm.at[eib_v.at[r]], ti_x, sem)
        pltpu.async_copy(tj_hbm.at[ejb_v.at[r]], tj_x, sem)

    def wait_gat(ti_x, tj_x, sem):
        pltpu.make_async_copy(ti_hbm.at[pl.ds(0, _C)], ti_x, sem).wait()
        pltpu.make_async_copy(tj_hbm.at[pl.ds(0, _C)], tj_x, sem).wait()

    def issue_sct(r, msg_x, sem):
        pltpu.async_copy(msg_x, acc_sh.at[eib_v.at[r]], sem, add=True)

    def wait_sct(msg_x, sem):
        pltpu.make_async_copy(msg_x, acc_sh.at[pl.ds(0, _C)], sem).wait()

    def block(bi, _):
        @pl.when(bi > 0)
        def _():
            wait_sct(msg_a, sct_a)
            wait_sct(msg_b, sct_b)
        row0 = wid * _NCH + bi * _K
        pltpu.sync_copy(ei_hbm.at[pl.ds(row0, _K)], eib_v)
        pltpu.sync_copy(ej_hbm.at[pl.ds(row0, _K)], ejb_v)
        issue_gat(0, ti_a, tj_a, gat_a)
        wait_gat(ti_a, tj_a, gat_a)
        issue_gat(1, ti_b, tj_b, gat_b)
        edge_one(ti_a, tj_a, msg_a)
        issue_sct(0, msg_a, sct_a)
        wait_gat(ti_b, tj_b, gat_b)
        issue_gat(2, ti_a, tj_a, gat_a)
        edge_one(ti_b, tj_b, msg_b)
        issue_sct(1, msg_b, sct_b)

        def pair(u, _):
            t = 2 * u
            wait_gat(ti_a, tj_a, gat_a)
            issue_gat(t + 1, ti_b, tj_b, gat_b)
            wait_sct(msg_a, sct_a)
            edge_one(ti_a, tj_a, msg_a)
            issue_sct(t, msg_a, sct_a)
            wait_gat(ti_b, tj_b, gat_b)

            @pl.when(u < _K // 2 - 1)
            def _():
                issue_gat(t + 2, ti_a, tj_a, gat_a)
            wait_sct(msg_b, sct_b)
            edge_one(ti_b, tj_b, msg_b)
            issue_sct(t + 1, msg_b, sct_b)
            return 0

        lax.fori_loop(1, _K // 2, pair, 0)
        return 0

    lax.fori_loop(0, _NBLK, block, 0)
    wait_sct(msg_a, sct_a)
    wait_sct(msg_b, sct_b)
    plsc.subcore_barrier()
    pltpu.sync_copy(acc_sh.at[pl.ds(sid * _RPT, _RPT)],
                    out_hbm.at[cid, pl.ds(sid * _RPT, _RPT)])


def _edge_phase(ei, ej, ti, tj, rc):
    mesh = plsc.VectorSubcoreMesh(core_axis_name="c", subcore_axis_name="s",
                                  num_cores=2, num_subcores=16)
    zeros = jnp.zeros((_RPT, _ACC_W), jnp.float32)
    fn = pl.kernel(
        _edge_body,
        out_type=jax.ShapeDtypeStruct((2, _N, _ACC_W), jnp.float32),
        mesh=mesh,
        compiler_params=pltpu.CompilerParams(use_tc_tiling_on_sc=False,
                                             needs_layout_passes=False),
        scratch_types=[
            pltpu.VMEM((_K, _C), jnp.int32),
            pltpu.VMEM((_K, _C), jnp.int32),
            pltpu.VMEM((_C, _TI_W), jnp.float32),
            pltpu.VMEM((_C, _TI_W), jnp.float32),
            pltpu.VMEM((_C, _TJ_W), jnp.float32),
            pltpu.VMEM((_C, _TJ_W), jnp.float32),
            pltpu.VMEM((_C, _ACC_W), jnp.float32),
            pltpu.VMEM((_C, _ACC_W), jnp.float32),
            pltpu.VMEM((_T, _RC_W), jnp.float32),
            pltpu.VMEM_SHARED((_N, _ACC_W), jnp.float32),
            pltpu.SemaphoreType.DMA,
            pltpu.SemaphoreType.DMA,
            pltpu.SemaphoreType.DMA,
            pltpu.SemaphoreType.DMA,
        ],
    )
    return fn(ei.reshape(_E // _C, _C), ej.reshape(_E // _C, _C), ti, tj,
              rc, zeros)



def _finish_body(acc_ref, g_ref, b_ref, o_ref):
    a = acc_ref[0] + acc_ref[1]
    r = jax.lax.broadcasted_iota(jnp.int32, (_OUT, _OUT), 0)
    c = jax.lax.broadcasted_iota(jnp.int32, (_OUT, _OUT), 1)
    l = r % 16
    dk = 2 * (r // 16) + (l >= 8).astype(jnp.int32)
    h = jnp.where(l < 8, l, 15 - l)
    perm = (c == h * 16 + dk)
    num = lax.dot(a[:, :_OUT], perm.astype(jnp.float32),
                  preferred_element_type=jnp.float32)
    sel = (jax.lax.broadcasted_iota(jnp.int32, (_ACC_W, _OUT), 0)
           == _OUT + jax.lax.broadcasted_iota(jnp.int32, (_ACC_W, _OUT), 1) // _DK)
    den = lax.dot(a, sel.astype(jnp.float32), preferred_element_type=jnp.float32)
    x = num / (den + 1e-16)
    g = 0.5 * x * (1.0 + lax.erf(x * (1.0 / math.sqrt(2.0))))
    mu = jnp.mean(g, axis=-1, keepdims=True)
    var = jnp.mean((g - mu) ** 2, axis=-1, keepdims=True)
    o_ref[...] = (g - mu) / jnp.sqrt(var + 1e-5) * g_ref[...] + b_ref[...]


def _finish(acc, gamma, beta):
    return pl.pallas_call(
        _finish_body,
        grid=(_N // _NB,),
        in_specs=[
            pl.BlockSpec((2, _NB, _ACC_W), lambda i: (0, i, 0)),
            pl.BlockSpec((1, _OUT), lambda i: (0, 0)),
            pl.BlockSpec((1, _OUT), lambda i: (0, 0)),
        ],
        out_specs=pl.BlockSpec((_NB, _OUT), lambda i: (i, 0)),
        out_shape=jax.ShapeDtypeStruct((_N, _OUT), jnp.float32),
    )(acc, gamma.reshape(1, _OUT), beta.reshape(1, _OUT))



def _fold_perm(width):
    p = []
    for pos in range(_H * width):
        m, l = divmod(pos, 16)
        mn = 2 * m + (1 if l >= 8 else 0)
        h = l if l < 8 else 15 - l
        p.append(h * width + mn)
    return jnp.asarray(p, dtype=jnp.int32)


def kernel(node_inp, node_type, edge_index, h_mat, W_sub, b_sub, W_neigh,
           b_neigh, W_hsub, b_hsub, W_hneigh, b_hneigh, relation_att,
           relation_h_att, ln_gamma, ln_beta):
    pq = _fold_perm(_DK)
    ph = _fold_perm(8)
    onehot = (node_type[:, None] == jnp.arange(_T)[None, :]).astype(jnp.float32)
    ti, tj = _build_tables(
        node_inp, onehot, h_mat, 2.0 * W_sub[:, :, pq], 2.0 * b_sub[:, pq],
        W_neigh[:, :, pq], b_neigh[:, pq],
        2.0 * W_hsub[:, ph], 2.0 * b_hsub[ph], W_hneigh[:, ph], b_hneigh[ph])
    ra_s = relation_att.reshape(_T, _OUT) * (1.0 / math.sqrt(float(_DK)))
    rha_s = relation_h_att.reshape(_T, _H * 8) * (1.0 / math.sqrt(float(_H)))
    pad8 = jnp.zeros((_T, 8), jnp.float32)
    rc = jnp.concatenate(
        [2.0 * ra_s[:, pq], 2.0 * rha_s[:, ph],
         jnp.concatenate([ra_s.reshape(_T, _H, _DK).sum(-1), pad8], axis=1),
         jnp.concatenate([rha_s.reshape(_T, _H, 8).sum(-1), pad8], axis=1)],
        axis=1)
    ej = edge_index[0]
    ei = edge_index[1]
    acc = _edge_phase(ei, ej, ti, tj, rc)
    return _finish(acc, ln_gamma, ln_beta)

# --- scband reference (transcript-rebuilt; emitter-appended) ---
"""Pipeline reference for scband-general-conv-43370579755358 (READ-ONLY COPY).

The authoritative reference and input builder live on the scoring server;
editing this copy changes nothing except your own understanding.
"""

import jax, jax.numpy as jnp
import numpy as np
import math

N = 10000
E = 320000
D = 128
OUT = 128
T = 3
H = 8
DK = OUT // H


def setup_inputs(seed: int = 0) -> dict:
    key = jax.random.key(seed)
    ks = jax.random.split(key, 12)
    node_inp = jax.random.normal(ks[0], (N, D), dtype=jnp.float32)
    node_type = jax.random.randint(ks[1], (N,), 0, T)
    edge_index = jax.random.randint(ks[2], (2, E), 0, N)
    h_mat = jax.random.normal(ks[3], (N, 8), dtype=jnp.float32)
    W_sub = jax.random.normal(ks[4], (T, D, OUT), dtype=jnp.float32) * (1.0 / math.sqrt(D))
    b_sub = jnp.zeros((T, OUT), dtype=jnp.float32)
    W_neigh = jax.random.normal(ks[5], (T, D, OUT), dtype=jnp.float32) * (1.0 / math.sqrt(D))
    b_neigh = jnp.zeros((T, OUT), dtype=jnp.float32)
    W_hsub = jax.random.normal(ks[6], (8, 64), dtype=jnp.float32) * (1.0 / math.sqrt(8.0))
    b_hsub = jnp.zeros((64,), dtype=jnp.float32)
    W_hneigh = jax.random.normal(ks[7], (8, 64), dtype=jnp.float32) * (1.0 / math.sqrt(8.0))
    b_hneigh = jnp.zeros((64,), dtype=jnp.float32)
    relation_att = jax.random.normal(ks[8], (T, H, DK), dtype=jnp.float32) * math.sqrt(2.0 / (H + DK))
    relation_h_att = jax.random.normal(ks[9], (T, H, 8), dtype=jnp.float32) * math.sqrt(2.0 / (H + 8))
    ln_gamma = jnp.ones((OUT,), dtype=jnp.float32)
    ln_beta = jnp.zeros((OUT,), dtype=jnp.float32)
    return {
        'node_inp': node_inp, 'node_type': node_type, 'edge_index': edge_index, 'h_mat': h_mat,
        'W_sub': W_sub, 'b_sub': b_sub, 'W_neigh': W_neigh, 'b_neigh': b_neigh,
        'W_hsub': W_hsub, 'b_hsub': b_hsub, 'W_hneigh': W_hneigh, 'b_hneigh': b_hneigh,
        'relation_att': relation_att, 'relation_h_att': relation_h_att,
        'ln_gamma': ln_gamma, 'ln_beta': ln_beta,
    }


def reference(node_inp, node_type, edge_index, h_mat, W_sub, b_sub, W_neigh, b_neigh,
              W_hsub, b_hsub, W_hneigh, b_hneigh, relation_att, relation_h_att,
              ln_gamma, ln_beta):
    # PyG convention: edge_index[0] = source (j), edge_index[1] = target (i)
    ej = edge_index[0]
    ei = edge_index[1]
    ti = node_type[ei]
    tj = node_type[ej]
    # Type-conditional linear layers, vectorized over types (equivalent to masked loop)
    proj_sub = jnp.einsum('nd,tdo->tno', node_inp, W_sub) + b_sub[:, None, :]
    proj_neigh = jnp.einsum('nd,tdo->tno', node_inp, W_neigh) + b_neigh[:, None, :]
    q_mat = proj_sub[ti, ei].reshape(E, H, DK)
    k_mat = proj_neigh[tj, ej].reshape(E, H, DK)
    h_sub = (h_mat[ei] @ W_hsub + b_hsub).reshape(E, H, 8)
    h_neigh = (h_mat[ej] @ W_hneigh + b_hneigh).reshape(E, H, 8)
    res_att_h = jnp.sum(jnp.tanh(h_sub * h_neigh) * relation_h_att[ti], axis=-1) / math.sqrt(float(H))
    res_att = jnp.sum(jnp.tanh(q_mat * k_mat) * relation_att[ti], axis=-1) / math.sqrt(float(DK)) * res_att_h
    # segment softmax over destination node (edge_index_i)
    seg_max = jax.ops.segment_max(res_att, ei, num_segments=N)
    seg_max = jnp.where(jnp.isfinite(seg_max), seg_max, 0.0)
    ex = jnp.exp(res_att - seg_max[ei])
    denom = jax.ops.segment_sum(ex, ei, num_segments=N)
    att = ex / (denom[ei] + 1e-16)
    msg = (k_mat * att[:, :, None]).reshape(E, OUT)
    aggr = jax.ops.segment_sum(msg, ei, num_segments=N)
    # update: gelu (exact, matching torch default) -> layernorm; dropout is identity in eval
    out = jax.nn.gelu(aggr, approximate=False)
    mu = jnp.mean(out, axis=-1, keepdims=True)
    var = jnp.var(out, axis=-1, keepdims=True)
    out = (out - mu) / jnp.sqrt(var + 1e-5) * ln_gamma + ln_beta
    return out

if __name__ == "__main__":
    import jax
    _d = setup_inputs()
    print(jax.jit(kernel)(*tuple(_d.values())))

</pallas_src>

<mosaic_0001>
#map = affine_map<(d0, d1) -> (0, 0)>
#map1 = affine_map<(d0, d1) -> (0, 0, 0)>
module attributes {stable_mosaic.version = 14 : i64} {
  func.func @_edge_body(%arg0: i32, %arg1: i32, %arg2: memref<12800x25xi32, #tpu.memory_space<hbm>>, %arg3: memref<12800x25xi32, #tpu.memory_space<hbm>>, %arg4: memref<10000x208xf32, #tpu.memory_space<hbm>>, %arg5: memref<10000x192xf32, #tpu.memory_space<hbm>>, %arg6: memref<3x224xf32, #tpu.memory_space<hbm>>, %arg7: memref<625x144xf32, #tpu.memory_space<hbm>>, %arg8: memref<2x10000x144xf32, #tpu.memory_space<hbm>>, %arg9: memref<20x25xi32, #tpu.memory_space<vmem>>, %arg10: memref<20x25xi32, #tpu.memory_space<vmem>>, %arg11: memref<25x208xf32, #tpu.memory_space<vmem>>, %arg12: memref<25x208xf32, #tpu.memory_space<vmem>>, %arg13: memref<25x192xf32, #tpu.memory_space<vmem>>, %arg14: memref<25x192xf32, #tpu.memory_space<vmem>>, %arg15: memref<25x144xf32, #tpu.memory_space<vmem>>, %arg16: memref<25x144xf32, #tpu.memory_space<vmem>>, %arg17: memref<3x224xf32, #tpu.memory_space<vmem>>, %arg18: memref<10000x144xf32, #tpu.memory_space<vmem_shared>>, %arg19: memref<!tpu.dma_semaphore, #tpu.memory_space<semaphore_mem>>, %arg20: memref<!tpu.dma_semaphore, #tpu.memory_space<semaphore_mem>>, %arg21: memref<!tpu.dma_semaphore, #tpu.memory_space<semaphore_mem>>, %arg22: memref<!tpu.dma_semaphore, #tpu.memory_space<semaphore_mem>>) attributes {dimension_semantics = [#tpu.dimension_semantics<core_parallel>, #tpu.dimension_semantics<subcore_parallel>], iteration_bounds = array<i64: 2, 16>, scalar_prefetch = 0 : i64, scratch_operands = 14 : i64, tpu.core_type = #tpu.core_type<sc_vector_subcore>, window_params = [{transform_indices = #map}, {transform_indices = #map}, {transform_indices = #map}, {transform_indices = #map}, {transform_indices = #map}, {transform_indices = #map}, {transform_indices = #map1}]} {
    %mul3A = arith.constant 2 : i32
    %mul3A_0 = arith.muli %arg1, %mul3A : i32
    %add3A = arith.addi %mul3A_0, %arg0 : i32
    %mul3A_1 = arith.constant 625 : i32
    %mul3A_2 = arith.muli %arg1, %mul3A_1 : i32
    "tpu.region"() ({
      %run_scoped3A = tpu.sem_alloc : memref<!tpu.dma_semaphore, #tpu.memory_space<semaphore_mem>>
      %dma_start3A = arith.constant 0 : i32
      %dma_start3A_27 = tpu.memref_slice %arg18[%mul3A_2, %dma_start3A] : memref<10000x144xf32, #tpu.memory_space<vmem_shared>> -> memref<625x144xf32, #tpu.memory_space<vmem_shared>>
      tpu.enqueue_dma source(%arg7 : memref<625x144xf32, #tpu.memory_space<hbm>>) target(%dma_start3A_27 : memref<625x144xf32, #tpu.memory_space<vmem_shared>>) target_semaphore(%run_scoped3A : memref<!tpu.dma_semaphore, #tpu.memory_space<semaphore_mem>>)
      %dma_wait3A_28 = arith.constant 0 : i32
      %dma_wait3A_29 = tpu.memref_slice %arg18[%mul3A_2, %dma_wait3A_28] : memref<10000x144xf32, #tpu.memory_space<vmem_shared>> -> memref<625x144xf32, #tpu.memory_space<vmem_shared>>
      tpu.wait_dma2 semaphore(%run_scoped3A : memref<!tpu.dma_semaphore, #tpu.memory_space<semaphore_mem>>) src(%arg7 : memref<625x144xf32, #tpu.memory_space<hbm>>) dst(%dma_wait3A_29 : memref<625x144xf32, #tpu.memory_space<vmem_shared>>)
      tpu.yield
    }) : () -> ()
    "tpu.region"() ({
      %run_scoped3A = tpu.sem_alloc : memref<!tpu.dma_semaphore, #tpu.memory_space<semaphore_mem>>
      tpu.enqueue_dma source(%arg6 : memref<3x224xf32, #tpu.memory_space<hbm>>) target(%arg17 : memref<3x224xf32, #tpu.memory_space<vmem>>) target_semaphore(%run_scoped3A : memref<!tpu.dma_semaphore, #tpu.memory_space<semaphore_mem>>)
      tpu.wait_dma2 semaphore(%run_scoped3A : memref<!tpu.dma_semaphore, #tpu.memory_space<semaphore_mem>>) src(%arg6 : memref<3x224xf32, #tpu.memory_space<hbm>>) dst(%arg17 : memref<3x224xf32, #tpu.memory_space<vmem>>)
      tpu.yield
    }) : () -> ()
    %barrier3A = arith.constant 0 : index
    tpu.barrier barrier_id(%barrier3A)
    %iota3A = tpu.iota {dimensions = array<i32: 0>} : vector<16xi32>
    %lt3A = arith.constant 8 : i32
    %lt3A_3 = vector.broadcast %lt3A : i32 to vector<16xi32>
    %lt3A_4 = arith.cmpi slt, %iota3A, %lt3A_3 : vector<16xi32>
    %scan3A = arith.constant 0 : i32
    %scan3A_5 = arith.constant 0 : i32
    %scan3A_6 = arith.constant 20 : i32
    %scan3A_7 = arith.addi %scan3A_5, %scan3A_6 : i32
    %scan3A_8 = arith.constant 1 : i32
    %scan3A_9 = scf.for %scan3A_27 = %scan3A_5 to %scan3A_7 step %scan3A_8 iter_args(%scan3A_28 = %scan3A) -> (i32)  : i32 {
      %gt3A = arith.constant 0 : i32
      %gt3A_29 = arith.cmpi sgt, %scan3A_27, %gt3A : i32
      %convert_element_type3A = arith.extui %gt3A_29 : i1 to i32
      %cond3A = arith.constant 0 : i32
      %cond3A_30 = arith.cmpi ne, %convert_element_type3A, %cond3A : i32
      scf.if %cond3A_30 {
        %dma_wait3A_137 = arith.constant 0 : i32
        %dma_wait3A_138 = arith.constant 0 : i32
        %dma_wait3A_139 = tpu.memref_slice %arg18[%dma_wait3A_137, %dma_wait3A_138] : memref<10000x144xf32, #tpu.memory_space<vmem_shared>> -> memref<25x144xf32, #tpu.memory_space<vmem_shared>>
        %dma_wait3A_140 = arith.constant 0 : i32
        %dma_wait3A_141 = arith.constant 0 : i32
        %dma_wait3A_142 = tpu.memref_slice %arg18[%dma_wait3A_140, %dma_wait3A_141] : memref<10000x144xf32, #tpu.memory_space<vmem_shared>> -> memref<25x144xf32, #tpu.memory_space<vmem_shared>>
        tpu.wait_dma2 semaphore(%arg21 : memref<!tpu.dma_semaphore, #tpu.memory_space<semaphore_mem>>) src(%arg15 : memref<25x144xf32, #tpu.memory_space<vmem>>) dst(%dma_wait3A_142 : memref<25x144xf32, #tpu.memory_space<vmem_shared>>)
        %dma_wait3A_143 = arith.constant 0 : i32
        %dma_wait3A_144 = arith.constant 0 : i32
        %dma_wait3A_145 = tpu.memref_slice %arg18[%dma_wait3A_143, %dma_wait3A_144] : memref<10000x144xf32, #tpu.memory_space<vmem_shared>> -> memref<25x144xf32, #tpu.memory_space<vmem_shared>>
        %dma_wait3A_146 = arith.constant 0 : i32
        %dma_wait3A_147 = arith.constant 0 : i32
        %dma_wait3A_148 = tpu.memref_slice %arg18[%dma_wait3A_146, %dma_wait3A_147] : memref<10000x144xf32, #tpu.memory_space<vmem_shared>> -> memref<25x144xf32, #tpu.memory_space<vmem_shared>>
        tpu.wait_dma2 semaphore(%arg22 : memref<!tpu.dma_semaphore, #tpu.memory_space<semaphore_mem>>) src(%arg16 : memref<25x144xf32, #tpu.memory_space<vmem>>) dst(%dma_wait3A_148 : memref<25x144xf32, #tpu.memory_space<vmem_shared>>)
      } else {
      }
      %mul3A_31 = arith.constant 400 : i32
      %mul3A_32 = arith.muli %add3A, %mul3A_31 : i32
      %mul3A_33 = arith.constant 20 : i32
      %mul3A_34 = arith.muli %scan3A_27, %mul3A_33 : i32
      %add3A_35 = arith.addi %mul3A_32, %mul3A_34 : i32
      "tpu.region"() ({
        %run_scoped3A = tpu.sem_alloc : memref<!tpu.dma_semaphore, #tpu.memory_space<semaphore_mem>>
        %dma_start3A_137 = arith.constant 0 : i32
        %dma_start3A_138 = tpu.memref_slice %arg2[%add3A_35, %dma_start3A_137] : memref<12800x25xi32, #tpu.memory_space<hbm>> -> memref<20x25xi32, #tpu.memory_space<hbm>>
        %dma_start3A_139 = arith.constant 0 : i32
        %dma_start3A_140 = tpu.memref_slice %arg2[%add3A_35, %dma_start3A_139] : memref<12800x25xi32, #tpu.memory_space<hbm>> -> memref<20x25xi32, #tpu.memory_space<hbm>>
        tpu.enqueue_dma source(%dma_start3A_140 : memref<20x25xi32, #tpu.memory_space<hbm>>) target(%arg9 : memref<20x25xi32, #tpu.memory_space<vmem>>) target_semaphore(%run_scoped3A : memref<!tpu.dma_semaphore, #tpu.memory_space<semaphore_mem>>)
        %dma_wait3A_141 = arith.constant 0 : i32
        %dma_wait3A_142 = tpu.memref_slice %arg2[%add3A_35, %dma_wait3A_141] : memref<12800x25xi32, #tpu.memory_space<hbm>> -> memref<20x25xi32, #tpu.memory_space<hbm>>
        %dma_wait3A_143 = arith.constant 0 : i32
        %dma_wait3A_144 = tpu.memref_slice %arg2[%add3A_35, %dma_wait3A_143] : memref<12800x25xi32, #tpu.memory_space<hbm>> -> memref<20x25xi32, #tpu.memory_space<hbm>>
        tpu.wait_dma2 semaphore(%run_scoped3A : memref<!tpu.dma_semaphore, #tpu.memory_space<semaphore_mem>>) src(%dma_wait3A_144 : memref<20x25xi32, #tpu.memory_space<hbm>>) dst(%arg9 : memref<20x25xi32, #tpu.memory_space<vmem>>)
        tpu.yield
      }) : () -> ()
      "tpu.region"() ({
        %run_scoped3A = tpu.sem_alloc : memref<!tpu.dma_semaphore, #tpu.memory_space<semaphore_mem>>
        %dma_start3A_137 = arith.constant 0 : i32
        %dma_start3A_138 = tpu.memref_slice %arg3[%add3A_35, %dma_start3A_137] : memref<12800x25xi32, #tpu.memory_space<hbm>> -> memref<20x25xi32, #tpu.memory_space<hbm>>
        %dma_start3A_139 = arith.constant 0 : i32
        %dma_start3A_140 = tpu.memref_slice %arg3[%add3A_35, %dma_start3A_139] : memref<12800x25xi32, #tpu.memory_space<hbm>> -> memref<20x25xi32, #tpu.memory_space<hbm>>
        tpu.enqueue_dma source(%dma_start3A_140 : memref<20x25xi32, #tpu.memory_space<hbm>>) target(%arg10 : memref<20x25xi32, #tpu.memory_space<vmem>>) target_semaphore(%run_scoped3A : memref<!tpu.dma_semaphore, #tpu.memory_space<semaphore_mem>>)
        %dma_wait3A_141 = arith.constant 0 : i32
        %dma_wait3A_142 = tpu.memref_slice %arg3[%add3A_35, %dma_wait3A_141] : memref<12800x25xi32, #tpu.memory_space<hbm>> -> memref<20x25xi32, #tpu.memory_space<hbm>>
        %dma_wait3A_143 = arith.constant 0 : i32
        %dma_wait3A_144 = tpu.memref_slice %arg3[%add3A_35, %dma_wait3A_143] : memref<12800x25xi32, #tpu.memory_space<hbm>> -> memref<20x25xi32, #tpu.memory_space<hbm>>
        tpu.wait_dma2 semaphore(%run_scoped3A : memref<!tpu.dma_semaphore, #tpu.memory_space<semaphore_mem>>) src(%dma_wait3A_144 : memref<20x25xi32, #tpu.memory_space<hbm>>) dst(%arg10 : memref<20x25xi32, #tpu.memory_space<vmem>>)
        tpu.yield
      }) : () -> ()
      %dma_start3A = arith.constant 0 : i32
      %dma_start3A_36 = arith.constant 0 : i32
      %dma_start3A_37 = tpu.memref_slice %arg9[%dma_start3A, %dma_start3A_36] : memref<20x25xi32, #tpu.memory_space<vmem>> -> memref<1x25xi32, #tpu.memory_space<vmem>>
      %dma_start3A_38 = tpu.memref_squeeze %dma_start3A_37 : memref<1x25xi32, #tpu.memory_space<vmem>> -> memref<25xi32, #tpu.memory_space<vmem>>
      %dma_start3A_39 = arith.constant 0 : i32
      %dma_start3A_40 = arith.constant 0 : i32
      %dma_start3A_41 = tpu.memref_slice %arg4[%dma_start3A_39, %dma_start3A_40] : memref<10000x208xf32, #tpu.memory_space<hbm>> -> memref<10000x208xf32, #tpu.memory_space<hbm>>
      tpu.enqueue_indirect_dma source(%dma_start3A_41 : memref<10000x208xf32, #tpu.memory_space<hbm>>) target(%arg11 : memref<25x208xf32, #tpu.memory_space<vmem>>) offsets(%dma_start3A_38 : memref<25xi32, #tpu.memory_space<vmem>>) semaphore(%arg19 : memref<!tpu.dma_semaphore, #tpu.memory_space<semaphore_mem>>)
      %dma_start3A_42 = arith.constant 0 : i32
      %dma_start3A_43 = arith.constant 0 : i32
      %dma_start3A_44 = tpu.memref_slice %arg10[%dma_start3A_42, %dma_start3A_43] : memref<20x25xi32, #tpu.memory_space<vmem>> -> memref<1x25xi32, #tpu.memory_space<vmem>>
      %dma_start3A_45 = tpu.memref_squeeze %dma_start3A_44 : memref<1x25xi32, #tpu.memory_space<vmem>> -> memref<25xi32, #tpu.memory_space<vmem>>
      %dma_start3A_46 = arith.constant 0 : i32
      %dma_start3A_47 = arith.constant 0 : i32
      %dma_start3A_48 = tpu.memref_slice %arg5[%dma_start3A_46, %dma_start3A_47] : memref<10000x192xf32, #tpu.memory_space<hbm>> -> memref<10000x192xf32, #tpu.memory_space<hbm>>
      tpu.enqueue_indirect_dma source(%dma_start3A_48 : memref<10000x192xf32, #tpu.memory_space<hbm>>) target(%arg13 : memref<25x192xf32, #tpu.memory_space<vmem>>) offsets(%dma_start3A_45 : memref<25xi32, #tpu.memory_space<vmem>>) semaphore(%arg19 : memref<!tpu.dma_semaphore, #tpu.memory_space<semaphore_mem>>)
      %dma_wait3A_49 = arith.constant 0 : i32
      %dma_wait3A_50 = arith.constant 0 : i32
      %dma_wait3A_51 = tpu.memref_slice %arg4[%dma_wait3A_49, %dma_wait3A_50] : memref<10000x208xf32, #tpu.memory_space<hbm>> -> memref<25x208xf32, #tpu.memory_space<hbm>>
      %dma_wait3A_52 = arith.constant 0 : i32
      %dma_wait3A_53 = arith.constant 0 : i32
      %dma_wait3A_54 = tpu.memref_slice %arg4[%dma_wait3A_52, %dma_wait3A_53] : memref<10000x208xf32, #tpu.memory_space<hbm>> -> memref<25x208xf32, #tpu.memory_space<hbm>>
      tpu.wait_dma2 semaphore(%arg19 : memref<!tpu.dma_semaphore, #tpu.memory_space<semaphore_mem>>) src(%dma_wait3A_54 : memref<25x208xf32, #tpu.memory_space<hbm>>) dst(%arg11 : memref<25x208xf32, #tpu.memory_space<vmem>>)
      %dma_wait3A_55 = arith.constant 0 : i32
      %dma_wait3A_56 = arith.constant 0 : i32
      %dma_wait3A_57 = tpu.memref_slice %arg5[%dma_wait3A_55, %dma_wait3A_56] : memref<10000x192xf32, #tpu.memory_space<hbm>> -> memref<25x192xf32, #tpu.memory_space<hbm>>
      %dma_wait3A_58 = arith.constant 0 : i32
      %dma_wait3A_59 = arith.constant 0 : i32
      %dma_wait3A_60 = tpu.memref_slice %arg5[%dma_wait3A_58, %dma_wait3A_59] : memref<10000x192xf32, #tpu.memory_space<hbm>> -> memref<25x192xf32, #tpu.memory_space<hbm>>
      tpu.wait_dma2 semaphore(%arg19 : memref<!tpu.dma_semaphore, #tpu.memory_space<semaphore_mem>>) src(%dma_wait3A_60 : memref<25x192xf32, #tpu.memory_space<hbm>>) dst(%arg13 : memref<25x192xf32, #tpu.memory_space<vmem>>)
      %dma_start3A_61 = arith.constant 1 : i32
      %dma_start3A_62 = arith.constant 0 : i32
      %dma_start3A_63 = tpu.memref_slice %arg9[%dma_start3A_61, %dma_start3A_62] : memref<20x25xi32, #tpu.memory_space<vmem>> -> memref<1x25xi32, #tpu.memory_space<vmem>>
      %dma_start3A_64 = tpu.memref_squeeze %dma_start3A_63 : memref<1x25xi32, #tpu.memory_space<vmem>> -> memref<25xi32, #tpu.memory_space<vmem>>
      %dma_start3A_65 = arith.constant 0 : i32
      %dma_start3A_66 = arith.constant 0 : i32
      %dma_start3A_67 = tpu.memref_slice %arg4[%dma_start3A_65, %dma_start3A_66] : memref<10000x208xf32, #tpu.memory_space<hbm>> -> memref<10000x208xf32, #tpu.memory_space<hbm>>
      tpu.enqueue_indirect_dma source(%dma_start3A_67 : memref<10000x208xf32, #tpu.memory_space<hbm>>) target(%arg12 : memref<25x208xf32, #tpu.memory_space<vmem>>) offsets(%dma_start3A_64 : memref<25xi32, #tpu.memory_space<vmem>>) semaphore(%arg20 : memref<!tpu.dma_semaphore, #tpu.memory_space<semaphore_mem>>)
      %dma_start3A_68 = arith.constant 1 : i32
      %dma_start3A_69 = arith.constant 0 : i32
      %dma_start3A_70 = tpu.memref_slice %arg10[%dma_start3A_68, %dma_start3A_69] : memref<20x25xi32, #tpu.memory_space<vmem>> -> memref<1x25xi32, #tpu.memory_space<vmem>>
      %dma_start3A_71 = tpu.memref_squeeze %dma_start3A_70 : memref<1x25xi32, #tpu.memory_space<vmem>> -> memref<25xi32, #tpu.memory_space<vmem>>
      %dma_start3A_72 = arith.constant 0 : i32
      %dma_start3A_73 = arith.constant 0 : i32
      %dma_start3A_74 = tpu.memref_slice %arg5[%dma_start3A_72, %dma_start3A_73] : memref<10000x192xf32, #tpu.memory_space<hbm>> -> memref<10000x192xf32, #tpu.memory_space<hbm>>
      tpu.enqueue_indirect_dma source(%dma_start3A_74 : memref<10000x192xf32, #tpu.memory_space<hbm>>) target(%arg14 : memref<25x192xf32, #tpu.memory_space<vmem>>) offsets(%dma_start3A_71 : memref<25xi32, #tpu.memory_space<vmem>>) semaphore(%arg20 : memref<!tpu.dma_semaphore, #tpu.memory_space<semaphore_mem>>)
      %scan3A_75 = arith.constant 0 : i32
      %scan3A_76 = arith.constant 0 : i32
      %scan3A_77 = arith.constant 25 : i32
      %scan3A_78 = arith.addi %scan3A_76, %scan3A_77 : i32
      %scan3A_79 = arith.constant 1 : i32
      %scan3A_80 = scf.for %scan3A_137 = %scan3A_76 to %scan3A_78 step %scan3A_79 iter_args(%scan3A_138 = %scan3A_75) -> (i32)  : i32 {
        %get3A = arith.index_cast %scan3A_137 : i32 to index
        %get3A_139 = arith.constant 192 : index
        %get3A_140 = tpu.vector_load %arg11[%get3A, %get3A_139] {strides = array<i32>} : memref<25x208xf32, #tpu.memory_space<vmem>>, vector<16xf32>,
        %slice3A = vector.extract_strided_slice %get3A_140 {offsets = [0], sizes = [1], strides = [1]} : vector<16xf32> to vector<1xf32>
        %squeeze3A = vector.extract %slice3A[0] : f32 from vector<1xf32>
        %convert_element_type3A_141 = arith.fptosi %squeeze3A : f32 to i32
        %broadcast_in_dim3A = arith.constant 0.000000e+00 : f32
        %broadcast_in_dim3A_142 = vector.broadcast %broadcast_in_dim3A : f32 to vector<16xf32>
        %get3A_143 = arith.index_cast %scan3A_137 : i32 to index
        %get3A_144 = arith.constant 128 : index
        %get3A_145 = tpu.vector_load %arg11[%get3A_143, %get3A_144] {strides = array<i32>} : memref<25x208xf32, #tpu.memory_space<vmem>>, vector<16xf32>,
        %get3A_146 = arith.index_cast %scan3A_137 : i32 to index
        %get3A_147 = arith.constant 128 : index
        %get3A_148 = tpu.vector_load %arg13[%get3A_146, %get3A_147] {strides = array<i32>} : memref<25x192xf32, #tpu.memory_space<vmem>>, vector<16xf32>,
        %get3A_149 = arith.index_cast %convert_element_type3A_141 : i32 to index
        %get3A_150 = arith.constant 128 : index
        %get3A_151 = tpu.vector_load %arg17[%get3A_149, %get3A_150] {strides = array<i32>} : memref<3x224xf32, #tpu.memory_space<vmem>>, vector<16xf32>,
        %mul3A_152 = arith.mulf %get3A_145, %get3A_148 : vector<16xf32>
        %exp3A = math.exp %mul3A_152 : vector<16xf32>
        %add3A_153 = arith.constant 1.000000e+00 : f32
        %add3A_154 = vector.broadcast %add3A_153 : f32 to vector<16xf32>
        %add3A_155 = arith.addf %exp3A, %add3A_154 : vector<16xf32>
        %div3A = arith.divf %get3A_151, %add3A_155 : vector<16xf32>
        %add3A_156 = arith.addf %broadcast_in_dim3A_142, %div3A : vector<16xf32>
        %get3A_157 = arith.index_cast %scan3A_137 : i32 to index
        %get3A_158 = arith.constant 144 : index
        %get3A_159 = tpu.vector_load %arg11[%get3A_157, %get3A_158] {strides = array<i32>} : memref<25x208xf32, #tpu.memory_space<vmem>>, vector<16xf32>,
        %get3A_160 = arith.index_cast %scan3A_137 : i32 to index
        %get3A_161 = arith.constant 144 : index
        %get3A_162 = tpu.vector_load %arg13[%get3A_160, %get3A_161] {strides = array<i32>} : memref<25x192xf32, #tpu.memory_space<vmem>>, vector<16xf32>,
        %get3A_163 = arith.index_cast %convert_element_type3A_141 : i32 to index
        %get3A_164 = arith.constant 144 : index
        %get3A_165 = tpu.vector_load %arg17[%get3A_163, %get3A_164] {strides = array<i32>} : memref<3x224xf32, #tpu.memory_space<vmem>>, vector<16xf32>,
        %mul3A_166 = arith.mulf %get3A_159, %get3A_162 : vector<16xf32>
        %exp3A_167 = math.exp %mul3A_166 : vector<16xf32>
        %add3A_168 = arith.constant 1.000000e+00 : f32
        %add3A_169 = vector.broadcast %add3A_168 : f32 to vector<16xf32>
        %add3A_170 = arith.addf %exp3A_167, %add3A_169 : vector<16xf32>
        %div3A_171 = arith.divf %get3A_165, %add3A_170 : vector<16xf32>
        %add3A_172 = arith.addf %add3A_156, %div3A_171 : vector<16xf32>
        %get3A_173 = arith.index_cast %scan3A_137 : i32 to index
        %get3A_174 = arith.constant 160 : index
        %get3A_175 = tpu.vector_load %arg11[%get3A_173, %get3A_174] {strides = array<i32>} : memref<25x208xf32, #tpu.memory_space<vmem>>, vector<16xf32>,
        %get3A_176 = arith.index_cast %scan3A_137 : i32 to index
        %get3A_177 = arith.constant 160 : index
        %get3A_178 = tpu.vector_load %arg13[%get3A_176, %get3A_177] {strides = array<i32>} : memref<25x192xf32, #tpu.memory_space<vmem>>, vector<16xf32>,
        %get3A_179 = arith.index_cast %convert_element_type3A_141 : i32 to index
        %get3A_180 = arith.constant 160 : index
        %get3A_181 = tpu.vector_load %arg17[%get3A_179, %get3A_180] {strides = array<i32>} : memref<3x224xf32, #tpu.memory_space<vmem>>, vector<16xf32>,
        %mul3A_182 = arith.mulf %get3A_175, %get3A_178 : vector<16xf32>
        %exp3A_183 = math.exp %mul3A_182 : vector<16xf32>
        %add3A_184 = arith.constant 1.000000e+00 : f32
        %add3A_185 = vector.broadcast %add3A_184 : f32 to vector<16xf32>
        %add3A_186 = arith.addf %exp3A_183, %add3A_185 : vector<16xf32>
        %div3A_187 = arith.divf %get3A_181, %add3A_186 : vector<16xf32>
        %add3A_188 = arith.addf %add3A_172, %div3A_187 : vector<16xf32>
        %get3A_189 = arith.index_cast %scan3A_137 : i32 to index
        %get3A_190 = arith.constant 176 : index
        %get3A_191 = tpu.vector_load %arg11[%get3A_189, %get3A_190] {strides = array<i32>} : memref<25x208xf32, #tpu.memory_space<vmem>>, vector<16xf32>,
        %get3A_192 = arith.index_cast %scan3A_137 : i32 to index
        %get3A_193 = arith.constant 176 : index
        %get3A_194 = tpu.vector_load %arg13[%get3A_192, %get3A_193] {strides = array<i32>} : memref<25x192xf32, #tpu.memory_space<vmem>>, vector<16xf32>,
        %get3A_195 = arith.index_cast %convert_element_type3A_141 : i32 to index
        %get3A_196 = arith.constant 176 : index
        %get3A_197 = tpu.vector_load %arg17[%get3A_195, %get3A_196] {strides = array<i32>} : memref<3x224xf32, #tpu.memory_space<vmem>>, vector<16xf32>,
        %mul3A_198 = arith.mulf %get3A_191, %get3A_194 : vector<16xf32>
        %exp3A_199 = math.exp %mul3A_198 : vector<16xf32>
        %add3A_200 = arith.constant 1.000000e+00 : f32
        %add3A_201 = vector.broadcast %add3A_200 : f32 to vector<16xf32>
        %add3A_202 = arith.addf %exp3A_199, %add3A_201 : vector<16xf32>
        %div3A_203 = arith.divf %get3A_197, %add3A_202 : vector<16xf32>
        %add3A_204 = arith.addf %add3A_188, %div3A_203 : vector<16xf32>
        %get3A_205 = arith.index_cast %convert_element_type3A_141 : i32 to index
        %get3A_206 = arith.constant 208 : index
        %get3A_207 = tpu.vector_load %arg17[%get3A_205, %get3A_206] {strides = array<i32>} : memref<3x224xf32, #tpu.memory_space<vmem>>, vector<16xf32>,
        %rev3A = arith.constant 15 : i32
        %rev3A_208 = vector.broadcast %rev3A : i32 to vector<16xi32>
        %rev3A_209 = tpu.iota {dimensions = array<i32: 0>} : vector<16xi32>
        %rev3A_210 = arith.subi %rev3A_208, %rev3A_209 : vector<16xi32>
        %rev3A_211 = tpu.dynamic_gather %add3A_204[%rev3A_210] in [0] : vector<16xf32>, vector<16xi32> -> vector<16xf32>
        %add3A_212 = arith.addf %add3A_204, %rev3A_211 : vector<16xf32>
        %sub3A = arith.subf %get3A_207, %add3A_212 : vector<16xf32>
        %broadcast_in_dim3A_213 = arith.constant 0.000000e+00 : f32
        %broadcast_in_dim3A_214 = vector.broadcast %broadcast_in_dim3A_213 : f32 to vector<16xf32>
        %get3A_215 = arith.index_cast %scan3A_137 : i32 to index
        %get3A_216 = arith.constant 0 : index
        %get3A_217 = tpu.vector_load %arg11[%get3A_215, %get3A_216] {strides = array<i32>} : memref<25x208xf32, #tpu.memory_space<vmem>>, vector<16xf32>,
        %get3A_218 = arith.index_cast %scan3A_137 : i32 to index
        %get3A_219 = arith.constant 0 : index
        %get3A_220 = tpu.vector_load %arg13[%get3A_218, %get3A_219] {strides = array<i32>} : memref<25x192xf32, #tpu.memory_space<vmem>>, vector<16xf32>,
        %get3A_221 = arith.index_cast %convert_element_type3A_141 : i32 to index
        %get3A_222 = arith.constant 0 : index
        %get3A_223 = tpu.vector_load %arg17[%get3A_221, %get3A_222] {strides = array<i32>} : memref<3x224xf32, #tpu.memory_space<vmem>>, vector<16xf32>,
        %mul3A_224 = arith.mulf %get3A_217, %get3A_220 : vector<16xf32>
        %exp3A_225 = math.exp %mul3A_224 : vector<16xf32>
        %add3A_226 = arith.constant 1.000000e+00 : f32
        %add3A_227 = vector.broadcast %add3A_226 : f32 to vector<16xf32>
        %add3A_228 = arith.addf %exp3A_225, %add3A_227 : vector<16xf32>
        %div3A_229 = arith.divf %get3A_223, %add3A_228 : vector<16xf32>
        %add3A_230 = arith.addf %broadcast_in_dim3A_214, %div3A_229 : vector<16xf32>
        %get3A_231 = arith.index_cast %scan3A_137 : i32 to index
        %get3A_232 = arith.constant 16 : index
        %get3A_233 = tpu.vector_load %arg11[%get3A_231, %get3A_232] {strides = array<i32>} : memref<25x208xf32, #tpu.memory_space<vmem>>, vector<16xf32>,
        %get3A_234 = arith.index_cast %scan3A_137 : i32 to index
        %get3A_235 = arith.constant 16 : index
        %get3A_236 = tpu.vector_load %arg13[%get3A_234, %get3A_235] {strides = array<i32>} : memref<25x192xf32, #tpu.memory_space<vmem>>, vector<16xf32>,
        %get3A_237 = arith.index_cast %convert_element_type3A_141 : i32 to index
        %get3A_238 = arith.constant 16 : index
        %get3A_239 = tpu.vector_load %arg17[%get3A_237, %get3A_238] {strides = array<i32>} : memref<3x224xf32, #tpu.memory_space<vmem>>, vector<16xf32>,
        %mul3A_240 = arith.mulf %get3A_233, %get3A_236 : vector<16xf32>
        %exp3A_241 = math.exp %mul3A_240 : vector<16xf32>
        %add3A_242 = arith.constant 1.000000e+00 : f32
        %add3A_243 = vector.broadcast %add3A_242 : f32 to vector<16xf32>
        %add3A_244 = arith.addf %exp3A_241, %add3A_243 : vector<16xf32>
        %div3A_245 = arith.divf %get3A_239, %add3A_244 : vector<16xf32>
        %add3A_246 = arith.addf %add3A_230, %div3A_245 : vector<16xf32>
        %get3A_247 = arith.index_cast %scan3A_137 : i32 to index
        %get3A_248 = arith.constant 32 : index
        %get3A_249 = tpu.vector_load %arg11[%get3A_247, %get3A_248] {strides = array<i32>} : memref<25x208xf32, #tpu.memory_space<vmem>>, vector<16xf32>,
        %get3A_250 = arith.index_cast %scan3A_137 : i32 to index
        %get3A_251 = arith.constant 32 : index
        %get3A_252 = tpu.vector_load %arg13[%get3A_250, %get3A_251] {strides = array<i32>} : memref<25x192xf32, #tpu.memory_space<vmem>>, vector<16xf32>,
        %get3A_253 = arith.index_cast %convert_element_type3A_141 : i32 to index
        %get3A_254 = arith.constant 32 : index
        %get3A_255 = tpu.vector_load %arg17[%get3A_253, %get3A_254] {strides = array<i32>} : memref<3x224xf32, #tpu.memory_space<vmem>>, vector<16xf32>,
        %mul3A_256 = arith.mulf %get3A_249, %get3A_252 : vector<16xf32>
        %exp3A_257 = math.exp %mul3A_256 : vector<16xf32>
        %add3A_258 = arith.constant 1.000000e+00 : f32
        %add3A_259 = vector.broadcast %add3A_258 : f32 to vector<16xf32>
        %add3A_260 = arith.addf %exp3A_257, %add3A_259 : vector<16xf32>
        %div3A_261 = arith.divf %get3A_255, %add3A_260 : vector<16xf32>
        %add3A_262 = arith.addf %add3A_246, %div3A_261 : vector<16xf32>
        %get3A_263 = arith.index_cast %scan3A_137 : i32 to index
        %get3A_264 = arith.constant 48 : index
        %get3A_265 = tpu.vector_load %arg11[%get3A_263, %get3A_264] {strides = array<i32>} : memref<25x208xf32, #tpu.memory_space<vmem>>, vector<16xf32>,
        %get3A_266 = arith.index_cast %scan3A_137 : i32 to index
        %get3A_267 = arith.constant 48 : index
        %get3A_268 = tpu.vector_load %arg13[%get3A_266, %get3A_267] {strides = array<i32>} : memref<25x192xf32, #tpu.memory_space<vmem>>, vector<16xf32>,
        %get3A_269 = arith.index_cast %convert_element_type3A_141 : i32 to index
        %get3A_270 = arith.constant 48 : index
        %get3A_271 = tpu.vector_load %arg17[%get3A_269, %get3A_270] {strides = array<i32>} : memref<3x224xf32, #tpu.memory_space<vmem>>, vector<16xf32>,
        %mul3A_272 = arith.mulf %get3A_265, %get3A_268 : vector<16xf32>
        %exp3A_273 = math.exp %mul3A_272 : vector<16xf32>
        %add3A_274 = arith.constant 1.000000e+00 : f32
        %add3A_275 = vector.broadcast %add3A_274 : f32 to vector<16xf32>
        %add3A_276 = arith.addf %exp3A_273, %add3A_275 : vector<16xf32>
        %div3A_277 = arith.divf %get3A_271, %add3A_276 : vector<16xf32>
        %add3A_278 = arith.addf %add3A_262, %div3A_277 : vector<16xf32>
        %get3A_279 = arith.index_cast %scan3A_137 : i32 to index
        %get3A_280 = arith.constant 64 : index
        %get3A_281 = tpu.vector_load %arg11[%get3A_279, %get3A_280] {strides = array<i32>} : memref<25x208xf32, #tpu.memory_space<vmem>>, vector<16xf32>,
        %get3A_282 = arith.index_cast %scan3A_137 : i32 to index
        %get3A_283 = arith.constant 64 : index
        %get3A_284 = tpu.vector_load %arg13[%get3A_282, %get3A_283] {strides = array<i32>} : memref<25x192xf32, #tpu.memory_space<vmem>>, vector<16xf32>,
        %get3A_285 = arith.index_cast %convert_element_type3A_141 : i32 to index
        %get3A_286 = arith.constant 64 : index
        %get3A_287 = tpu.vector_load %arg17[%get3A_285, %get3A_286] {strides = array<i32>} : memref<3x224xf32, #tpu.memory_space<vmem>>, vector<16xf32>,
        %mul3A_288 = arith.mulf %get3A_281, %get3A_284 : vector<16xf32>
        %exp3A_289 = math.exp %mul3A_288 : vector<16xf32>
        %add3A_290 = arith.constant 1.000000e+00 : f32
        %add3A_291 = vector.broadcast %add3A_290 : f32 to vector<16xf32>
        %add3A_292 = arith.addf %exp3A_289, %add3A_291 : vector<16xf32>
        %div3A_293 = arith.divf %get3A_287, %add3A_292 : vector<16xf32>
        %add3A_294 = arith.addf %add3A_278, %div3A_293 : vector<16xf32>
        %get3A_295 = arith.index_cast %scan3A_137 : i32 to index
        %get3A_296 = arith.constant 80 : index
        %get3A_297 = tpu.vector_load %arg11[%get3A_295, %get3A_296] {strides = array<i32>} : memref<25x208xf32, #tpu.memory_space<vmem>>, vector<16xf32>,
        %get3A_298 = arith.index_cast %scan3A_137 : i32 to index
        %get3A_299 = arith.constant 80 : index
        %get3A_300 = tpu.vector_load %arg13[%get3A_298, %get3A_299] {strides = array<i32>} : memref<25x192xf32, #tpu.memory_space<vmem>>, vector<16xf32>,
        %get3A_301 = arith.index_cast %convert_element_type3A_141 : i32 to index
        %get3A_302 = arith.constant 80 : index
        %get3A_303 = tpu.vector_load %arg17[%get3A_301, %get3A_302] {strides = array<i32>} : memref<3x224xf32, #tpu.memory_space<vmem>>, vector<16xf32>,
        %mul3A_304 = arith.mulf %get3A_297, %get3A_300 : vector<16xf32>
        %exp3A_305 = math.exp %mul3A_304 : vector<16xf32>
        %add3A_306 = arith.constant 1.000000e+00 : f32
        %add3A_307 = vector.broadcast %add3A_306 : f32 to vector<16xf32>
        %add3A_308 = arith.addf %exp3A_305, %add3A_307 : vector<16xf32>
        %div3A_309 = arith.divf %get3A_303, %add3A_308 : vector<16xf32>
        %add3A_310 = arith.addf %add3A_294, %div3A_309 : vector<16xf32>
        %get3A_311 = arith.index_cast %scan3A_137 : i32 to index
        %get3A_312 = arith.constant 96 : index
        %get3A_313 = tpu.vector_load %arg11[%get3A_311, %get3A_312] {strides = array<i32>} : memref<25x208xf32, #tpu.memory_space<vmem>>, vector<16xf32>,
        %get3A_314 = arith.index_cast %scan3A_137 : i32 to index
        %get3A_315 = arith.constant 96 : index
        %get3A_316 = tpu.vector_load %arg13[%get3A_314, %get3A_315] {strides = array<i32>} : memref<25x192xf32, #tpu.memory_space<vmem>>, vector<16xf32>,
        %get3A_317 = arith.index_cast %convert_element_type3A_141 : i32 to index
        %get3A_318 = arith.constant 96 : index
        %get3A_319 = tpu.vector_load %arg17[%get3A_317, %get3A_318] {strides = array<i32>} : memref<3x224xf32, #tpu.memory_space<vmem>>, vector<16xf32>,
        %mul3A_320 = arith.mulf %get3A_313, %get3A_316 : vector<16xf32>
        %exp3A_321 = math.exp %mul3A_320 : vector<16xf32>
        %add3A_322 = arith.constant 1.000000e+00 : f32
        %add3A_323 = vector.broadcast %add3A_322 : f32 to vector<16xf32>
        %add3A_324 = arith.addf %exp3A_321, %add3A_323 : vector<16xf32>
        %div3A_325 = arith.divf %get3A_319, %add3A_324 : vector<16xf32>
        %add3A_326 = arith.addf %add3A_310, %div3A_325 : vector<16xf32>
        %get3A_327 = arith.index_cast %scan3A_137 : i32 to index
        %get3A_328 = arith.constant 112 : index
        %get3A_329 = tpu.vector_load %arg11[%get3A_327, %get3A_328] {strides = array<i32>} : memref<25x208xf32, #tpu.memory_space<vmem>>, vector<16xf32>,
        %get3A_330 = arith.index_cast %scan3A_137 : i32 to index
        %get3A_331 = arith.constant 112 : index
        %get3A_332 = tpu.vector_load %arg13[%get3A_330, %get3A_331] {strides = array<i32>} : memref<25x192xf32, #tpu.memory_space<vmem>>, vector<16xf32>,
        %get3A_333 = arith.index_cast %convert_element_type3A_141 : i32 to index
        %get3A_334 = arith.constant 112 : index
        %get3A_335 = tpu.vector_load %arg17[%get3A_333, %get3A_334] {strides = array<i32>} : memref<3x224xf32, #tpu.memory_space<vmem>>, vector<16xf32>,
        %mul3A_336 = arith.mulf %get3A_329, %get3A_332 : vector<16xf32>
        %exp3A_337 = math.exp %mul3A_336 : vector<16xf32>
        %add3A_338 = arith.constant 1.000000e+00 : f32
        %add3A_339 = vector.broadcast %add3A_338 : f32 to vector<16xf32>
        %add3A_340 = arith.addf %exp3A_337, %add3A_339 : vector<16xf32>
        %div3A_341 = arith.divf %get3A_335, %add3A_340 : vector<16xf32>
        %add3A_342 = arith.addf %add3A_326, %div3A_341 : vector<16xf32>
        %get3A_343 = arith.index_cast %convert_element_type3A_141 : i32 to index
        %get3A_344 = arith.constant 192 : index
        %get3A_345 = tpu.vector_load %arg17[%get3A_343, %get3A_344] {strides = array<i32>} : memref<3x224xf32, #tpu.memory_space<vmem>>, vector<16xf32>,
        %rev3A_346 = arith.constant 15 : i32
        %rev3A_347 = vector.broadcast %rev3A_346 : i32 to vector<16xi32>
        %rev3A_348 = tpu.iota {dimensions = array<i32: 0>} : vector<16xi32>
        %rev3A_349 = arith.subi %rev3A_347, %rev3A_348 : vector<16xi32>
        %rev3A_350 = tpu.dynamic_gather %add3A_342[%rev3A_349] in [0] : vector<16xf32>, vector<16xi32> -> vector<16xf32>
        %add3A_351 = arith.addf %add3A_342, %rev3A_350 : vector<16xf32>
        %sub3A_352 = arith.subf %get3A_345, %add3A_351 : vector<16xf32>
        %mul3A_353 = arith.mulf %sub3A_352, %sub3A : vector<16xf32>
        %jit3A = arith.constant -6.000000e+01 : f32
        %jit3A_354 = arith.constant 6.000000e+01 : f32
        %max3A = vector.broadcast %jit3A : f32 to vector<16xf32>
        %max3A_355 = arith.maximumf %max3A, %mul3A_353 : vector<16xf32>
        %min3A = vector.broadcast %jit3A_354 : f32 to vector<16xf32>
        %min3A_356 = arith.minimumf %min3A, %max3A_355 : vector<16xf32>
        %exp3A_357 = math.exp %min3A_356 : vector<16xf32>
        %jit3A_358 = arith.constant 0.000000e+00 : f32
        %broadcast_in_dim3A_359 = vector.broadcast %jit3A_358 : f32 to vector<16xf32>
        %select_n3A = arith.select %lt3A_4, %exp3A_357, %broadcast_in_dim3A_359 : vector<16xi1>, vector<16xf32>
        %rev3A_360 = arith.constant 15 : i32
        %rev3A_361 = vector.broadcast %rev3A_360 : i32 to vector<16xi32>
        %rev3A_362 = tpu.iota {dimensions = array<i32: 0>} : vector<16xi32>
        %rev3A_363 = arith.subi %rev3A_361, %rev3A_362 : vector<16xi32>
        %rev3A_364 = tpu.dynamic_gather %select_n3A[%rev3A_363] in [0] : vector<16xf32>, vector<16xi32> -> vector<16xf32>
        %add3A_365 = arith.addf %select_n3A, %rev3A_364 : vector<16xf32>
        %mul3A_366 = arith.mulf %get3A_220, %add3A_365 : vector<16xf32>
        %swap3A = arith.index_cast %scan3A_137 : i32 to index
        %swap3A_367 = arith.constant 0 : index
        %swap3A_368 = tpu.vector_load %arg15[%swap3A, %swap3A_367] {strides = array<i32>} : memref<25x144xf32, #tpu.memory_space<vmem>>, vector<16xf32>,
        tpu.vector_store %arg15[%swap3A, %swap3A_367], %mul3A_366 {strides = array<i32>} : memref<25x144xf32, #tpu.memory_space<vmem>>, vector<16xf32>,
        %mul3A_369 = arith.mulf %get3A_236, %add3A_365 : vector<16xf32>
        %swap3A_370 = arith.index_cast %scan3A_137 : i32 to index
        %swap3A_371 = arith.constant 16 : index
        %swap3A_372 = tpu.vector_load %arg15[%swap3A_370, %swap3A_371] {strides = array<i32>} : memref<25x144xf32, #tpu.memory_space<vmem>>, vector<16xf32>,
        tpu.vector_store %arg15[%swap3A_370, %swap3A_371], %mul3A_369 {strides = array<i32>} : memref<25x144xf32, #tpu.memory_space<vmem>>, vector<16xf32>,
        %mul3A_373 = arith.mulf %get3A_252, %add3A_365 : vector<16xf32>
        %swap3A_374 = arith.index_cast %scan3A_137 : i32 to index
        %swap3A_375 = arith.constant 32 : index
        %swap3A_376 = tpu.vector_load %arg15[%swap3A_374, %swap3A_375] {strides = array<i32>} : memref<25x144xf32, #tpu.memory_space<vmem>>, vector<16xf32>,
        tpu.vector_store %arg15[%swap3A_374, %swap3A_375], %mul3A_373 {strides = array<i32>} : memref<25x144xf32, #tpu.memory_space<vmem>>, vector<16xf32>,
        %mul3A_377 = arith.mulf %get3A_268, %add3A_365 : vector<16xf32>
        %swap3A_378 = arith.index_cast %scan3A_137 : i32 to index
        %swap3A_379 = arith.constant 48 : index
        %swap3A_380 = tpu.vector_load %arg15[%swap3A_378, %swap3A_379] {strides = array<i32>} : memref<25x144xf32, #tpu.memory_space<vmem>>, vector<16xf32>,
        tpu.vector_store %arg15[%swap3A_378, %swap3A_379], %mul3A_377 {strides = array<i32>} : memref<25x144xf32, #tpu.memory_space<vmem>>, vector<16xf32>,
        %mul3A_381 = arith.mulf %get3A_284, %add3A_365 : vector<16xf32>
        %swap3A_382 = arith.index_cast %scan3A_137 : i32 to index
        %swap3A_383 = arith.constant 64 : index
        %swap3A_384 = tpu.vector_load %arg15[%swap3A_382, %swap3A_383] {strides = array<i32>} : memref<25x144xf32, #tpu.memory_space<vmem>>, vector<16xf32>,
        tpu.vector_store %arg15[%swap3A_382, %swap3A_383], %mul3A_381 {strides = array<i32>} : memref<25x144xf32, #tpu.memory_space<vmem>>, vector<16xf32>,
        %mul3A_385 = arith.mulf %get3A_300, %add3A_365 : vector<16xf32>
        %swap3A_386 = arith.index_cast %scan3A_137 : i32 to index
        %swap3A_387 = arith.constant 80 : index
        %swap3A_388 = tpu.vector_load %arg15[%swap3A_386, %swap3A_387] {strides = array<i32>} : memref<25x144xf32, #tpu.memory_space<vmem>>, vector<16xf32>,
        tpu.vector_store %arg15[%swap3A_386, %swap3A_387], %mul3A_385 {strides = array<i32>} : memref<25x144xf32, #tpu.memory_space<vmem>>, vector<16xf32>,
        %mul3A_389 = arith.mulf %get3A_316, %add3A_365 : vector<16xf32>
        %swap3A_390 = arith.index_cast %scan3A_137 : i32 to index
        %swap3A_391 = arith.constant 96 : index
        %swap3A_392 = tpu.vector_load %arg15[%swap3A_390, %swap3A_391] {strides = array<i32>} : memref<25x144xf32, #tpu.memory_space<vmem>>, vector<16xf32>,
        tpu.vector_store %arg15[%swap3A_390, %swap3A_391], %mul3A_389 {strides = array<i32>} : memref<25x144xf32, #tpu.memory_space<vmem>>, vector<16xf32>,
        %mul3A_393 = arith.mulf %get3A_332, %add3A_365 : vector<16xf32>
        %swap3A_394 = arith.index_cast %scan3A_137 : i32 to index
        %swap3A_395 = arith.constant 112 : index
        %swap3A_396 = tpu.vector_load %arg15[%swap3A_394, %swap3A_395] {strides = array<i32>} : memref<25x144xf32, #tpu.memory_space<vmem>>, vector<16xf32>,
        tpu.vector_store %arg15[%swap3A_394, %swap3A_395], %mul3A_393 {strides = array<i32>} : memref<25x144xf32, #tpu.memory_space<vmem>>, vector<16xf32>,
        %swap3A_397 = arith.index_cast %scan3A_137 : i32 to index
        %swap3A_398 = arith.constant 128 : index
        %swap3A_399 = tpu.vector_load %arg15[%swap3A_397, %swap3A_398] {strides = array<i32>} : memref<25x144xf32, #tpu.memory_space<vmem>>, vector<16xf32>,
        tpu.vector_store %arg15[%swap3A_397, %swap3A_398], %select_n3A {strides = array<i32>} : memref<25x144xf32, #tpu.memory_space<vmem>>, vector<16xf32>,
        %scan3A_400 = arith.constant 0 : i32
        scf.yield %scan3A_400 : i32
      }
      %scan3A_81 = arith.constant 25 : i32
      %dma_start3A_82 = arith.constant 0 : i32
      %dma_start3A_83 = arith.constant 0 : i32
      %dma_start3A_84 = tpu.memref_slice %arg9[%dma_start3A_82, %dma_start3A_83] : memref<20x25xi32, #tpu.memory_space<vmem>> -> memref<1x25xi32, #tpu.memory_space<vmem>>
      %dma_start3A_85 = tpu.memref_squeeze %dma_start3A_84 : memref<1x25xi32, #tpu.memory_space<vmem>> -> memref<25xi32, #tpu.memory_space<vmem>>
      %dma_start3A_86 = arith.constant 0 : i32
      %dma_start3A_87 = arith.constant 0 : i32
      %dma_start3A_88 = tpu.memref_slice %arg18[%dma_start3A_86, %dma_start3A_87] : memref<10000x144xf32, #tpu.memory_space<vmem_shared>> -> memref<10000x144xf32, #tpu.memory_space<vmem_shared>>
      tpu.enqueue_indirect_dma source(%arg15 : memref<25x144xf32, #tpu.memory_space<vmem>>) target(%dma_start3A_88 : memref<10000x144xf32, #tpu.memory_space<vmem_shared>>) offsets(%dma_start3A_85 : memref<25xi32, #tpu.memory_space<vmem>>) semaphore(%arg21 : memref<!tpu.dma_semaphore, #tpu.memory_space<semaphore_mem>>) {add = true}
      %dma_wait3A_89 = arith.constant 0 : i32
      %dma_wait3A_90 = arith.constant 0 : i32
      %dma_wait3A_91 = tpu.memref_slice %arg4[%dma_wait3A_89, %dma_wait3A_90] : memref<10000x208xf32, #tpu.memory_space<hbm>> -> memref<25x208xf32, #tpu.memory_space<hbm>>
      %dma_wait3A_92 = arith.constant 0 : i32
      %dma_wait3A_93 = arith.constant 0 : i32
      %dma_wait3A_94 = tpu.memref_slice %arg4[%dma_wait3A_92, %dma_wait3A_93] : memref<10000x208xf32, #tpu.memory_space<hbm>> -> memref<25x208xf32, #tpu.memory_space<hbm>>
      tpu.wait_dma2 semaphore(%arg20 : memref<!tpu.dma_semaphore, #tpu.memory_space<semaphore_mem>>) src(%dma_wait3A_94 : memref<25x208xf32, #tpu.memory_space<hbm>>) dst(%arg12 : memref<25x208xf32, #tpu.memory_space<vmem>>)
      %dma_wait3A_95 = arith.constant 0 : i32
      %dma_wait3A_96 = arith.constant 0 : i32
      %dma_wait3A_97 = tpu.memref_slice %arg5[%dma_wait3A_95, %dma_wait3A_96] : memref<10000x192xf32, #tpu.memory_space<hbm>> -> memref<25x192xf32, #tpu.memory_space<hbm>>
      %dma_wait3A_98 = arith.constant 0 : i32
      %dma_wait3A_99 = arith.constant 0 : i32
      %dma_wait3A_100 = tpu.memref_slice %arg5[%dma_wait3A_98, %dma_wait3A_99] : memref<10000x192xf32, #tpu.memory_space<hbm>> -> memref<25x192xf32, #tpu.memory_space<hbm>>
      tpu.wait_dma2 semaphore(%arg20 : memref<!tpu.dma_semaphore, #tpu.memory_space<semaphore_mem>>) src(%dma_wait3A_100 : memref<25x192xf32, #tpu.memory_space<hbm>>) dst(%arg14 : memref<25x192xf32, #tpu.memory_space<vmem>>)
      %dma_start3A_101 = arith.constant 2 : i32
      %dma_start3A_102 = arith.constant 0 : i32
      %dma_start3A_103 = tpu.memref_slice %arg9[%dma_start3A_101, %dma_start3A_102] : memref<20x25xi32, #tpu.memory_space<vmem>> -> memref<1x25xi32, #tpu.memory_space<vmem>>
      %dma_start3A_104 = tpu.memref_squeeze %dma_start3A_103 : memref<1x25xi32, #tpu.memory_space<vmem>> -> memref<25xi32, #tpu.memory_space<vmem>>
      %dma_start3A_105 = arith.constant 0 : i32
      %dma_start3A_106 = arith.constant 0 : i32
      %dma_start3A_107 = tpu.memref_slice %arg4[%dma_start3A_105, %dma_start3A_106] : memref<10000x208xf32, #tpu.memory_space<hbm>> -> memref<10000x208xf32, #tpu.memory_space<hbm>>
      tpu.enqueue_indirect_dma source(%dma_start3A_107 : memref<10000x208xf32, #tpu.memory_space<hbm>>) target(%arg11 : memref<25x208xf32, #tpu.memory_space<vmem>>) offsets(%dma_start3A_104 : memref<25xi32, #tpu.memory_space<vmem>>) semaphore(%arg19 : memref<!tpu.dma_semaphore, #tpu.memory_space<semaphore_mem>>)
      %dma_start3A_108 = arith.constant 2 : i32
      %dma_start3A_109 = arith.constant 0 : i32
      %dma_start3A_110 = tpu.memref_slice %arg10[%dma_start3A_108, %dma_start3A_109] : memref<20x25xi32, #tpu.memory_space<vmem>> -> memref<1x25xi32, #tpu.memory_space<vmem>>
      %dma_start3A_111 = tpu.memref_squeeze %dma_start3A_110 : memref<1x25xi32, #tpu.memory_space<vmem>> -> memref<25xi32, #tpu.memory_space<vmem>>
      %dma_start3A_112 = arith.constant 0 : i32
      %dma_start3A_113 = arith.constant 0 : i32
      %dma_start3A_114 = tpu.memref_slice %arg5[%dma_start3A_112, %dma_start3A_113] : memref<10000x192xf32, #tpu.memory_space<hbm>> -> memref<10000x192xf32, #tpu.memory_space<hbm>>
      tpu.enqueue_indirect_dma source(%dma_start3A_114 : memref<10000x192xf32, #tpu.memory_space<hbm>>) target(%arg13 : memref<25x192xf32, #tpu.memory_space<vmem>>) offsets(%dma_start3A_111 : memref<25xi32, #tpu.memory_space<vmem>>) semaphore(%arg19 : memref<!tpu.dma_semaphore, #tpu.memory_space<semaphore_mem>>)
      %scan3A_115 = arith.constant 0 : i32
      %scan3A_116 = arith.constant 0 : i32
      %scan3A_117 = arith.constant 25 : i32
      %scan3A_118 = arith.addi %scan3A_116, %scan3A_117 : i32
      %scan3A_119 = arith.constant 1 : i32
      %scan3A_120 = scf.for %scan3A_137 = %scan3A_116 to %scan3A_118 step %scan3A_119 iter_args(%scan3A_138 = %scan3A_115) -> (i32)  : i32 {
        %get3A = arith.index_cast %scan3A_137 : i32 to index
        %get3A_139 = arith.constant 192 : index
        %get3A_140 = tpu.vector_load %arg12[%get3A, %get3A_139] {strides = array<i32>} : memref<25x208xf32, #tpu.memory_space<vmem>>, vector<16xf32>,
        %slice3A = vector.extract_strided_slice %get3A_140 {offsets = [0], sizes = [1], strides = [1]} : vector<16xf32> to vector<1xf32>
        %squeeze3A = vector.extract %slice3A[0] : f32 from vector<1xf32>
        %convert_element_type3A_141 = arith.fptosi %squeeze3A : f32 to i32
        %broadcast_in_dim3A = arith.constant 0.000000e+00 : f32
        %broadcast_in_dim3A_142 = vector.broadcast %broadcast_in_dim3A : f32 to vector<16xf32>
        %get3A_143 = arith.index_cast %scan3A_137 : i32 to index
        %get3A_144 = arith.constant 128 : index
        %get3A_145 = tpu.vector_load %arg12[%get3A_143, %get3A_144] {strides = array<i32>} : memref<25x208xf32, #tpu.memory_space<vmem>>, vector<16xf32>,
        %get3A_146 = arith.index_cast %scan3A_137 : i32 to index
        %get3A_147 = arith.constant 128 : index
        %get3A_148 = tpu.vector_load %arg14[%get3A_146, %get3A_147] {strides = array<i32>} : memref<25x192xf32, #tpu.memory_space<vmem>>, vector<16xf32>,
        %get3A_149 = arith.index_cast %convert_element_type3A_141 : i32 to index
        %get3A_150 = arith.constant 128 : index
        %get3A_151 = tpu.vector_load %arg17[%get3A_149, %get3A_150] {strides = array<i32>} : memref<3x224xf32, #tpu.memory_space<vmem>>, vector<16xf32>,
        %mul3A_152 = arith.mulf %get3A_145, %get3A_148 : vector<16xf32>
        %exp3A = math.exp %mul3A_152 : vector<16xf32>
        %add3A_153 = arith.constant 1.000000e+00 : f32
        %add3A_154 = vector.broadcast %add3A_153 : f32 to vector<16xf32>
        %add3A_155 = arith.addf %exp3A, %add3A_154 : vector<16xf32>
        %div3A = arith.divf %get3A_151, %add3A_155 : vector<16xf32>
        %add3A_156 = arith.addf %broadcast_in_dim3A_142, %div3A : vector<16xf32>
        %get3A_157 = arith.index_cast %scan3A_137 : i32 to index
        %get3A_158 = arith.constant 144 : index
        %get3A_159 = tpu.vector_load %arg12[%get3A_157, %get3A_158] {strides = array<i32>} : memref<25x208xf32, #tpu.memory_space<vmem>>, vector<16xf32>,
        %get3A_160 = arith.index_cast %scan3A_137 : i32 to index
        %get3A_161 = arith.constant 144 : index
        %get3A_162 = tpu.vector_load %arg14[%get3A_160, %get3A_161] {strides = array<i32>} : memref<25x192xf32, #tpu.memory_space<vmem>>, vector<16xf32>,
        %get3A_163 = arith.index_cast %convert_element_type3A_141 : i32 to index
        %get3A_164 = arith.constant 144 : index
        %get3A_165 = tpu.vector_load %arg17[%get3A_163, %get3A_164] {strides = array<i32>} : memref<3x224xf32, #tpu.memory_space<vmem>>, vector<16xf32>,
        %mul3A_166 = arith.mulf %get3A_159, %get3A_162 : vector<16xf32>
        %exp3A_167 = math.exp %mul3A_166 : vector<16xf32>
        %add3A_168 = arith.constant 1.000000e+00 : f32
        %add3A_169 = vector.broadcast %add3A_168 : f32 to vector<16xf32>
        %add3A_170 = arith.addf %exp3A_167, %add3A_169 : vector<16xf32>
        %div3A_171 = arith.divf %get3A_165, %add3A_170 : vector<16xf32>
        %add3A_172 = arith.addf %add3A_156, %div3A_171 : vector<16xf32>
        %get3A_173 = arith.index_cast %scan3A_137 : i32 to index
        %get3A_174 = arith.constant 160 : index
        %get3A_175 = tpu.vector_load %arg12[%get3A_173, %get3A_174] {strides = array<i32>} : memref<25x208xf32, #tpu.memory_space<vmem>>, vector<16xf32>,
        %get3A_176 = arith.index_cast %scan3A_137 : i32 to index
        %get3A_177 = arith.constant 160 : index
        %get3A_178 = tpu.vector_load %arg14[%get3A_176, %get3A_177] {strides = array<i32>} : memref<25x192xf32, #tpu.memory_space<vmem>>, vector<16xf32>,
        %get3A_179 = arith.index_cast %convert_element_type3A_141 : i32 to index
        %get3A_180 = arith.constant 160 : index
        %get3A_181 = tpu.vector_load %arg17[%get3A_179, %get3A_180] {strides = array<i32>} : memref<3x224xf32, #tpu.memory_space<vmem>>, vector<16xf32>,
        %mul3A_182 = arith.mulf %get3A_175, %get3A_178 : vector<16xf32>
        %exp3A_183 = math.exp %mul3A_182 : vector<16xf32>
        %add3A_184 = arith.constant 1.000000e+00 : f32
        %add3A_185 = vector.broadcast %add3A_184 : f32 to vector<16xf32>
        %add3A_186 = arith.addf %exp3A_183, %add3A_185 : vector<16xf32>
        %div3A_187 = arith.divf %get3A_181, %add3A_186 : vector<16xf32>
        %add3A_188 = arith.addf %add3A_172, %div3A_187 : vector<16xf32>
        %get3A_189 = arith.index_cast %scan3A_137 : i32 to index
        %get3A_190 = arith.constant 176 : index
        %get3A_191 = tpu.vector_load %arg12[%get3A_189, %get3A_190] {strides = array<i32>} : memref<25x208xf32, #tpu.memory_space<vmem>>, vector<16xf32>,
        %get3A_192 = arith.index_cast %scan3A_137 : i32 to index
        %get3A_193 = arith.constant 176 : index
        %get3A_194 = tpu.vector_load %arg14[%get3A_192, %get3A_193] {strides = array<i32>} : memref<25x192xf32, #tpu.memory_space<vmem>>, vector<16xf32>,
        %get3A_195 = arith.index_cast %convert_element_type3A_141 : i32 to index
        %get3A_196 = arith.constant 176 : index
        %get3A_197 = tpu.vector_load %arg17[%get3A_195, %get3A_196] {strides = array<i32>} : memref<3x224xf32, #tpu.memory_space<vmem>>, vector<16xf32>,
        %mul3A_198 = arith.mulf %get3A_191, %get3A_194 : vector<16xf32>
        %exp3A_199 = math.exp %mul3A_198 : vector<16xf32>
        %add3A_200 = arith.constant 1.000000e+00 : f32
        %add3A_201 = vector.broadcast %add3A_200 : f32 to vector<16xf32>
        %add3A_202 = arith.addf %exp3A_199, %add3A_201 : vector<16xf32>
        %div3A_203 = arith.divf %get3A_197, %add3A_202 : vector<16xf32>
        %add3A_204 = arith.addf %add3A_188, %div3A_203 : vector<16xf32>
        %get3A_205 = arith.index_cast %convert_element_type3A_141 : i32 to index
        %get3A_206 = arith.constant 208 : index
        %get3A_207 = tpu.vector_load %arg17[%get3A_205, %get3A_206] {strides = array<i32>} : memref<3x224xf32, #tpu.memory_space<vmem>>, vector<16xf32>,
        %rev3A = arith.constant 15 : i32
        %rev3A_208 = vector.broadcast %rev3A : i32 to vector<16xi32>
        %rev3A_209 = tpu.iota {dimensions = array<i32: 0>} : vector<16xi32>
        %rev3A_210 = arith.subi %rev3A_208, %rev3A_209 : vector<16xi32>
        %rev3A_211 = tpu.dynamic_gather %add3A_204[%rev3A_210] in [0] : vector<16xf32>, vector<16xi32> -> vector<16xf32>
        %add3A_212 = arith.addf %add3A_204, %rev3A_211 : vector<16xf32>
        %sub3A = arith.subf %get3A_207, %add3A_212 : vector<16xf32>
        %broadcast_in_dim3A_213 = arith.constant 0.000000e+00 : f32
        %broadcast_in_dim3A_214 = vector.broadcast %broadcast_in_dim3A_213 : f32 to vector<16xf32>
        %get3A_215 = arith.index_cast %scan3A_137 : i32 to index
        %get3A_216 = arith.constant 0 : index
        %get3A_217 = tpu.vector_load %arg12[%get3A_215, %get3A_216] {strides = array<i32>} : memref<25x208xf32, #tpu.memory_space<vmem>>, vector<16xf32>,
        %get3A_218 = arith.index_cast %scan3A_137 : i32 to index
        %get3A_219 = arith.constant 0 : index
        %get3A_220 = tpu.vector_load %arg14[%get3A_218, %get3A_219] {strides = array<i32>} : memref<25x192xf32, #tpu.memory_space<vmem>>, vector<16xf32>,
        %get3A_221 = arith.index_cast %convert_element_type3A_141 : i32 to index
        %get3A_222 = arith.constant 0 : index
        %get3A_223 = tpu.vector_load %arg17[%get3A_221, %get3A_222] {strides = array<i32>} : memref<3x224xf32, #tpu.memory_space<vmem>>, vector<16xf32>,
        %mul3A_224 = arith.mulf %get3A_217, %get3A_220 : vector<16xf32>
        %exp3A_225 = math.exp %mul3A_224 : vector<16xf32>
        %add3A_226 = arith.constant 1.000000e+00 : f32
        %add3A_227 = vector.broadcast %add3A_226 : f32 to vector<16xf32>
        %add3A_228 = arith.addf %exp3A_225, %add3A_227 : vector<16xf32>
        %div3A_229 = arith.divf %get3A_223, %add3A_228 : vector<16xf32>
        %add3A_230 = arith.addf %broadcast_in_dim3A_214, %div3A_229 : vector<16xf32>
        %get3A_231 = arith.index_cast %scan3A_137 : i32 to index
        %get3A_232 = arith.constant 16 : index
        %get3A_233 = tpu.vector_load %arg12[%get3A_231, %get3A_232] {strides = array<i32>} : memref<25x208xf32, #tpu.memory_space<vmem>>, vector<16xf32>,
        %get3A_234 = arith.index_cast %scan3A_137 : i32 to index
        %get3A_235 = arith.constant 16 : index
        %get3A_236 = tpu.vector_load %arg14[%get3A_234, %get3A_235] {strides = array<i32>} : memref<25x192xf32, #tpu.memory_space<vmem>>, vector<16xf32>,
        %get3A_237 = arith.index_cast %convert_element_type3A_141 : i32 to index
        %get3A_238 = arith.constant 16 : index
        %get3A_239 = tpu.vector_load %arg17[%get3A_237, %get3A_238] {strides = array<i32>} : memref<3x224xf32, #tpu.memory_space<vmem>>, vector<16xf32>,
        %mul3A_240 = arith.mulf %get3A_233, %get3A_236 : vector<16xf32>
        %exp3A_241 = math.exp %mul3A_240 : vector<16xf32>
        %add3A_242 = arith.constant 1.000000e+00 : f32
        %add3A_243 = vector.broadcast %add3A_242 : f32 to vector<16xf32>
        %add3A_244 = arith.addf %exp3A_241, %add3A_243 : vector<16xf32>
        %div3A_245 = arith.divf %get3A_239, %add3A_244 : vector<16xf32>
        %add3A_246 = arith.addf %add3A_230, %div3A_245 : vector<16xf32>
        %get3A_247 = arith.index_cast %scan3A_137 : i32 to index
        %get3A_248 = arith.constant 32 : index
        %get3A_249 = tpu.vector_load %arg12[%get3A_247, %get3A_248] {strides = array<i32>} : memref<25x208xf32, #tpu.memory_space<vmem>>, vector<16xf32>,
        %get3A_250 = arith.index_cast %scan3A_137 : i32 to index
        %get3A_251 = arith.constant 32 : index
        %get3A_252 = tpu.vector_load %arg14[%get3A_250, %get3A_251] {strides = array<i32>} : memref<25x192xf32, #tpu.memory_space<vmem>>, vector<16xf32>,
        %get3A_253 = arith.index_cast %convert_element_type3A_141 : i32 to index
        %get3A_254 = arith.constant 32 : index
        %get3A_255 = tpu.vector_load %arg17[%get3A_253, %get3A_254] {strides = array<i32>} : memref<3x224xf32, #tpu.memory_space<vmem>>, vector<16xf32>,
        %mul3A_256 = arith.mulf %get3A_249, %get3A_252 : vector<16xf32>
        %exp3A_257 = math.exp %mul3A_256 : vector<16xf32>
        %add3A_258 = arith.constant 1.000000e+00 : f32
        %add3A_259 = vector.broadcast %add3A_258 : f32 to vector<16xf32>
        %add3A_260 = arith.addf %exp3A_257, %add3A_259 : vector<16xf32>
        %div3A_261 = arith.divf %get3A_255, %add3A_260 : vector<16xf32>
        %add3A_262 = arith.addf %add3A_246, %div3A_261 : vector<16xf32>
        %get3A_263 = arith.index_cast %scan3A_137 : i32 to index
        %get3A_264 = arith.constant 48 : index
        %get3A_265 = tpu.vector_load %arg12[%get3A_263, %get3A_264] {strides = array<i32>} : memref<25x208xf32, #tpu.memory_space<vmem>>, vector<16xf32>,
        %get3A_266 = arith.index_cast %scan3A_137 : i32 to index
        %get3A_267 = arith.constant 48 : index
        %get3A_268 = tpu.vector_load %arg14[%get3A_266, %get3A_267] {strides = array<i32>} : memref<25x192xf32, #tpu.memory_space<vmem>>, vector<16xf32>,
        %get3A_269 = arith.index_cast %convert_element_type3A_141 : i32 to index
        %get3A_270 = arith.constant 48 : index
        %get3A_271 = tpu.vector_load %arg17[%get3A_269, %get3A_270] {strides = array<i32>} : memref<3x224xf32, #tpu.memory_space<vmem>>, vector<16xf32>,
        %mul3A_272 = arith.mulf %get3A_265, %get3A_268 : vector<16xf32>
        %exp3A_273 = math.exp %mul3A_272 : vector<16xf32>
        %add3A_274 = arith.constant 1.000000e+00 : f32
        %add3A_275 = vector.broadcast %add3A_274 : f32 to vector<16xf32>
        %add3A_276 = arith.addf %exp3A_273, %add3A_275 : vector<16xf32>
        %div3A_277 = arith.divf %get3A_271, %add3A_276 : vector<16xf32>
        %add3A_278 = arith.addf %add3A_262, %div3A_277 : vector<16xf32>
        %get3A_279 = arith.index_cast %scan3A_137 : i32 to index
        %get3A_280 = arith.constant 64 : index
        %get3A_281 = tpu.vector_load %arg12[%get3A_279, %get3A_280] {strides = array<i32>} : memref<25x208xf32, #tpu.memory_space<vmem>>, vector<16xf32>,
        %get3A_282 = arith.index_cast %scan3A_137 : i32 to index
        %get3A_283 = arith.constant 64 : index
        %get3A_284 = tpu.vector_load %arg14[%get3A_282, %get3A_283] {strides = array<i32>} : memref<25x192xf32, #tpu.memory_space<vmem>>, vector<16xf32>,
        %get3A_285 = arith.index_cast %convert_element_type3A_141 : i32 to index
        %get3A_286 = arith.constant 64 : index
        %get3A_287 = tpu.vector_load %arg17[%get3A_285, %get3A_286] {strides = array<i32>} : memref<3x224xf32, #tpu.memory_space<vmem>>, vector<16xf32>,
        %mul3A_288 = arith.mulf %get3A_281, %get3A_284 : vector<16xf32>
        %exp3A_289 = math.exp %mul3A_288 : vector<16xf32>
        %add3A_290 = arith.constant 1.000000e+00 : f32
        %add3A_291 = vector.broadcast %add3A_290 : f32 to vector<16xf32>
        %add3A_292 = arith.addf %exp3A_289, %add3A_291 : vector<16xf32>
        %div3A_293 = arith.divf %get3A_287, %add3A_292 : vector<16xf32>
        %add3A_294 = arith.addf %add3A_278, %div3A_293 : vector<16xf32>
        %get3A_295 = arith.index_cast %scan3A_137 : i32 to index
        %get3A_296 = arith.constant 80 : index
        %get3A_297 = tpu.vector_load %arg12[%get3A_295, %get3A_296] {strides = array<i32>} : memref<25x208xf32, #tpu.memory_space<vmem>>, vector<16xf32>,
        %get3A_298 = arith.index_cast %scan3A_137 : i32 to index
        %get3A_299 = arith.constant 80 : index
        %get3A_300 = tpu.vector_load %arg14[%get3A_298, %get3A_299] {strides = array<i32>} : memref<25x192xf32, #tpu.memory_space<vmem>>, vector<16xf32>,
        %get3A_301 = arith.index_cast %convert_element_type3A_141 : i32 to index
        %get3A_302 = arith.constant 80 : index
        %get3A_303 = tpu.vector_load %arg17[%get3A_301, %get3A_302] {strides = array<i32>} : memref<3x224xf32, #tpu.memory_space<vmem>>, vector<16xf32>,
        %mul3A_304 = arith.mulf %get3A_297, %get3A_300 : vector<16xf32>
        %exp3A_305 = math.exp %mul3A_304 : vector<16xf32>
        %add3A_306 = arith.constant 1.000000e+00 : f32
        %add3A_307 = vector.broadcast %add3A_306 : f32 to vector<16xf32>
        %add3A_308 = arith.addf %exp3A_305, %add3A_307 : vector<16xf32>
        %div3A_309 = arith.divf %get3A_303, %add3A_308 : vector<16xf32>
        %add3A_310 = arith.addf %add3A_294, %div3A_309 : vector<16xf32>
        %get3A_311 = arith.index_cast %scan3A_137 : i32 to index
        %get3A_312 = arith.constant 96 : index
        %get3A_313 = tpu.vector_load %arg12[%get3A_311, %get3A_312] {strides = array<i32>} : memref<25x208xf32, #tpu.memory_space<vmem>>, vector<16xf32>,
        %get3A_314 = arith.index_cast %scan3A_137 : i32 to index
        %get3A_315 = arith.constant 96 : index
        %get3A_316 = tpu.vector_load %arg14[%get3A_314, %get3A_315] {strides = array<i32>} : memref<25x192xf32, #tpu.memory_space<vmem>>, vector<16xf32>,
        %get3A_317 = arith.index_cast %convert_element_type3A_141 : i32 to index
        %get3A_318 = arith.constant 96 : index
        %get3A_319 = tpu.vector_load %arg17[%get3A_317, %get3A_318] {strides = array<i32>} : memref<3x224xf32, #tpu.memory_space<vmem>>, vector<16xf32>,
        %mul3A_320 = arith.mulf %get3A_313, %get3A_316 : vector<16xf32>
        %exp3A_321 = math.exp %mul3A_320 : vector<16xf32>
        %add3A_322 = arith.constant 1.000000e+00 : f32
        %add3A_323 = vector.broadcast %add3A_322 : f32 to vector<16xf32>
        %add3A_324 = arith.addf %exp3A_321, %add3A_323 : vector<16xf32>
        %div3A_325 = arith.divf %get3A_319, %add3A_324 : vector<16xf32>
        %add3A_326 = arith.addf %add3A_310, %div3A_325 : vector<16xf32>
        %get3A_327 = arith.index_cast %scan3A_137 : i32 to index
        %get3A_328 = arith.constant 112 : index
        %get3A_329 = tpu.vector_load %arg12[%get3A_327, %get3A_328] {strides = array<i32>} : memref<25x208xf32, #tpu.memory_space<vmem>>, vector<16xf32>,
        %get3A_330 = arith.index_cast %scan3A_137 : i32 to index
        %get3A_331 = arith.constant 112 : index
        %get3A_332 = tpu.vector_load %arg14[%get3A_330, %get3A_331] {strides = array<i32>} : memref<25x192xf32, #tpu.memory_space<vmem>>, vector<16xf32>,
        %get3A_333 = arith.index_cast %convert_element_type3A_141 : i32 to index
        %get3A_334 = arith.constant 112 : index
        %get3A_335 = tpu.vector_load %arg17[%get3A_333, %get3A_334] {strides = array<i32>} : memref<3x224xf32, #tpu.memory_space<vmem>>, vector<16xf32>,
        %mul3A_336 = arith.mulf %get3A_329, %get3A_332 : vector<16xf32>
        %exp3A_337 = math.exp %mul3A_336 : vector<16xf32>
        %add3A_338 = arith.constant 1.000000e+00 : f32
        %add3A_339 = vector.broadcast %add3A_338 : f32 to vector<16xf32>
        %add3A_340 = arith.addf %exp3A_337, %add3A_339 : vector<16xf32>
        %div3A_341 = arith.divf %get3A_335, %add3A_340 : vector<16xf32>
        %add3A_342 = arith.addf %add3A_326, %div3A_341 : vector<16xf32>
        %get3A_343 = arith.index_cast %convert_element_type3A_141 : i32 to index
        %get3A_344 = arith.constant 192 : index
        %get3A_345 = tpu.vector_load %arg17[%get3A_343, %get3A_344] {strides = array<i32>} : memref<3x224xf32, #tpu.memory_space<vmem>>, vector<16xf32>,
        %rev3A_346 = arith.constant 15 : i32
        %rev3A_347 = vector.broadcast %rev3A_346 : i32 to vector<16xi32>
        %rev3A_348 = tpu.iota {dimensions = array<i32: 0>} : vector<16xi32>
        %rev3A_349 = arith.subi %rev3A_347, %rev3A_348 : vector<16xi32>
        %rev3A_350 = tpu.dynamic_gather %add3A_342[%rev3A_349] in [0] : vector<16xf32>, vector<16xi32> -> vector<16xf32>
        %add3A_351 = arith.addf %add3A_342, %rev3A_350 : vector<16xf32>
        %sub3A_352 = arith.subf %get3A_345, %add3A_351 : vector<16xf32>
        %mul3A_353 = arith.mulf %sub3A_352, %sub3A : vector<16xf32>
        %jit3A = arith.constant -6.000000e+01 : f32
        %jit3A_354 = arith.constant 6.000000e+01 : f32
        %max3A = vector.broadcast %jit3A : f32 to vector<16xf32>
        %max3A_355 = arith.maximumf %max3A, %mul3A_353 : vector<16xf32>
        %min3A = vector.broadcast %jit3A_354 : f32 to vector<16xf32>
        %min3A_356 = arith.minimumf %min3A, %max3A_355 : vector<16xf32>
        %exp3A_357 = math.exp %min3A_356 : vector<16xf32>
        %jit3A_358 = arith.constant 0.000000e+00 : f32
        %broadcast_in_dim3A_359 = vector.broadcast %jit3A_358 : f32 to vector<16xf32>
        %select_n3A = arith.select %lt3A_4, %exp3A_357, %broadcast_in_dim3A_359 : vector<16xi1>, vector<16xf32>
        %rev3A_360 = arith.constant 15 : i32
        %rev3A_361 = vector.broadcast %rev3A_360 : i32 to vector<16xi32>
        %rev3A_362 = tpu.iota {dimensions = array<i32: 0>} : vector<16xi32>
        %rev3A_363 = arith.subi %rev3A_361, %rev3A_362 : vector<16xi32>
        %rev3A_364 = tpu.dynamic_gather %select_n3A[%rev3A_363] in [0] : vector<16xf32>, vector<16xi32> -> vector<16xf32>
        %add3A_365 = arith.addf %select_n3A, %rev3A_364 : vector<16xf32>
        %mul3A_366 = arith.mulf %get3A_220, %add3A_365 : vector<16xf32>
        %swap3A = arith.index_cast %scan3A_137 : i32 to index
        %swap3A_367 = arith.constant 0 : index
        %swap3A_368 = tpu.vector_load %arg16[%swap3A, %swap3A_367] {strides = array<i32>} : memref<25x144xf32, #tpu.memory_space<vmem>>, vector<16xf32>,
        tpu.vector_store %arg16[%swap3A, %swap3A_367], %mul3A_366 {strides = array<i32>} : memref<25x144xf32, #tpu.memory_space<vmem>>, vector<16xf32>,
        %mul3A_369 = arith.mulf %get3A_236, %add3A_365 : vector<16xf32>
        %swap3A_370 = arith.index_cast %scan3A_137 : i32 to index
        %swap3A_371 = arith.constant 16 : index
        %swap3A_372 = tpu.vector_load %arg16[%swap3A_370, %swap3A_371] {strides = array<i32>} : memref<25x144xf32, #tpu.memory_space<vmem>>, vector<16xf32>,
        tpu.vector_store %arg16[%swap3A_370, %swap3A_371], %mul3A_369 {strides = array<i32>} : memref<25x144xf32, #tpu.memory_space<vmem>>, vector<16xf32>,
        %mul3A_373 = arith.mulf %get3A_252, %add3A_365 : vector<16xf32>
        %swap3A_374 = arith.index_cast %scan3A_137 : i32 to index
        %swap3A_375 = arith.constant 32 : index
        %swap3A_376 = tpu.vector_load %arg16[%swap3A_374, %swap3A_375] {strides = array<i32>} : memref<25x144xf32, #tpu.memory_space<vmem>>, vector<16xf32>,
        tpu.vector_store %arg16[%swap3A_374, %swap3A_375], %mul3A_373 {strides = array<i32>} : memref<25x144xf32, #tpu.memory_space<vmem>>, vector<16xf32>,
        %mul3A_377 = arith.mulf %get3A_268, %add3A_365 : vector<16xf32>
        %swap3A_378 = arith.index_cast %scan3A_137 : i32 to index
        %swap3A_379 = arith.constant 48 : index
        %swap3A_380 = tpu.vector_load %arg16[%swap3A_378, %swap3A_379] {strides = array<i32>} : memref<25x144xf32, #tpu.memory_space<vmem>>, vector<16xf32>,
        tpu.vector_store %arg16[%swap3A_378, %swap3A_379], %mul3A_377 {strides = array<i32>} : memref<25x144xf32, #tpu.memory_space<vmem>>, vector<16xf32>,
        %mul3A_381 = arith.mulf %get3A_284, %add3A_365 : vector<16xf32>
        %swap3A_382 = arith.index_cast %scan3A_137 : i32 to index
        %swap3A_383 = arith.constant 64 : index
        %swap3A_384 = tpu.vector_load %arg16[%swap3A_382, %swap3A_383] {strides = array<i32>} : memref<25x144xf32, #tpu.memory_space<vmem>>, vector<16xf32>,
        tpu.vector_store %arg16[%swap3A_382, %swap3A_383], %mul3A_381 {strides = array<i32>} : memref<25x144xf32, #tpu.memory_space<vmem>>, vector<16xf32>,
        %mul3A_385 = arith.mulf %get3A_300, %add3A_365 : vector<16xf32>
        %swap3A_386 = arith.index_cast %scan3A_137 : i32 to index
        %swap3A_387 = arith.constant 80 : index
        %swap3A_388 = tpu.vector_load %arg16[%swap3A_386, %swap3A_387] {strides = array<i32>} : memref<25x144xf32, #tpu.memory_space<vmem>>, vector<16xf32>,
        tpu.vector_store %arg16[%swap3A_386, %swap3A_387], %mul3A_385 {strides = array<i32>} : memref<25x144xf32, #tpu.memory_space<vmem>>, vector<16xf32>,
        %mul3A_389 = arith.mulf %get3A_316, %add3A_365 : vector<16xf32>
        %swap3A_390 = arith.index_cast %scan3A_137 : i32 to index
        %swap3A_391 = arith.constant 96 : index
        %swap3A_392 = tpu.vector_load %arg16[%swap3A_390, %swap3A_391] {strides = array<i32>} : memref<25x144xf32, #tpu.memory_space<vmem>>, vector<16xf32>,
        tpu.vector_store %arg16[%swap3A_390, %swap3A_391], %mul3A_389 {strides = array<i32>} : memref<25x144xf32, #tpu.memory_space<vmem>>, vector<16xf32>,
        %mul3A_393 = arith.mulf %get3A_332, %add3A_365 : vector<16xf32>
        %swap3A_394 = arith.index_cast %scan3A_137 : i32 to index
        %swap3A_395 = arith.constant 112 : index
        %swap3A_396 = tpu.vector_load %arg16[%swap3A_394, %swap3A_395] {strides = array<i32>} : memref<25x144xf32, #tpu.memory_space<vmem>>, vector<16xf32>,
        tpu.vector_store %arg16[%swap3A_394, %swap3A_395], %mul3A_393 {strides = array<i32>} : memref<25x144xf32, #tpu.memory_space<vmem>>, vector<16xf32>,
        %swap3A_397 = arith.index_cast %scan3A_137 : i32 to index
        %swap3A_398 = arith.constant 128 : index
        %swap3A_399 = tpu.vector_load %arg16[%swap3A_397, %swap3A_398] {strides = array<i32>} : memref<25x144xf32, #tpu.memory_space<vmem>>, vector<16xf32>,
        tpu.vector_store %arg16[%swap3A_397, %swap3A_398], %select_n3A {strides = array<i32>} : memref<25x144xf32, #tpu.memory_space<vmem>>, vector<16xf32>,
        %scan3A_400 = arith.constant 0 : i32
        scf.yield %scan3A_400 : i32
      }
      %scan3A_121 = arith.constant 25 : i32
      %dma_start3A_122 = arith.constant 1 : i32
      %dma_start3A_123 = arith.constant 0 : i32
      %dma_start3A_124 = tpu.memref_slice %arg9[%dma_start3A_122, %dma_start3A_123] : memref<20x25xi32, #tpu.memory_space<vmem>> -> memref<1x25xi32, #tpu.memory_space<vmem>>
      %dma_start3A_125 = tpu.memref_squeeze %dma_start3A_124 : memref<1x25xi32, #tpu.memory_space<vmem>> -> memref<25xi32, #tpu.memory_space<vmem>>
      %dma_start3A_126 = arith.constant 0 : i32
      %dma_start3A_127 = arith.constant 0 : i32
      %dma_start3A_128 = tpu.memref_slice %arg18[%dma_start3A_126, %dma_start3A_127] : memref<10000x144xf32, #tpu.memory_space<vmem_shared>> -> memref<10000x144xf32, #tpu.memory_space<vmem_shared>>
      tpu.enqueue_indirect_dma source(%arg16 : memref<25x144xf32, #tpu.memory_space<vmem>>) target(%dma_start3A_128 : memref<10000x144xf32, #tpu.memory_space<vmem_shared>>) offsets(%dma_start3A_125 : memref<25xi32, #tpu.memory_space<vmem>>) semaphore(%arg22 : memref<!tpu.dma_semaphore, #tpu.memory_space<semaphore_mem>>) {add = true}
      %scan3A_129 = arith.constant 0 : i32
      %scan3A_130 = arith.constant 1 : i32
      %scan3A_131 = arith.constant 9 : i32
      %scan3A_132 = arith.addi %scan3A_130, %scan3A_131 : i32
      %scan3A_133 = arith.constant 1 : i32
      %scan3A_134 = scf.for %scan3A_137 = %scan3A_130 to %scan3A_132 step %scan3A_133 iter_args(%scan3A_138 = %scan3A_129) -> (i32)  : i32 {
        %mul3A_139 = arith.constant 2 : i32
        %mul3A_140 = arith.muli %mul3A_139, %scan3A_137 : i32
        %dma_wait3A_141 = arith.constant 0 : i32
        %dma_wait3A_142 = arith.constant 0 : i32
        %dma_wait3A_143 = tpu.memref_slice %arg4[%dma_wait3A_141, %dma_wait3A_142] : memref<10000x208xf32, #tpu.memory_space<hbm>> -> memref<25x208xf32, #tpu.memory_space<hbm>>
        %dma_wait3A_144 = arith.constant 0 : i32
        %dma_wait3A_145 = arith.constant 0 : i32
        %dma_wait3A_146 = tpu.memref_slice %arg4[%dma_wait3A_144, %dma_wait3A_145] : memref<10000x208xf32, #tpu.memory_space<hbm>> -> memref<25x208xf32, #tpu.memory_space<hbm>>
        tpu.wait_dma2 semaphore(%arg19 : memref<!tpu.dma_semaphore, #tpu.memory_space<semaphore_mem>>) src(%dma_wait3A_146 : memref<25x208xf32, #tpu.memory_space<hbm>>) dst(%arg11 : memref<25x208xf32, #tpu.memory_space<vmem>>)
        %dma_wait3A_147 = arith.constant 0 : i32
        %dma_wait3A_148 = arith.constant 0 : i32
        %dma_wait3A_149 = tpu.memref_slice %arg5[%dma_wait3A_147, %dma_wait3A_148] : memref<10000x192xf32, #tpu.memory_space<hbm>> -> memref<25x192xf32, #tpu.memory_space<hbm>>
        %dma_wait3A_150 = arith.constant 0 : i32
        %dma_wait3A_151 = arith.constant 0 : i32
        %dma_wait3A_152 = tpu.memref_slice %arg5[%dma_wait3A_150, %dma_wait3A_151] : memref<10000x192xf32, #tpu.memory_space<hbm>> -> memref<25x192xf32, #tpu.memory_space<hbm>>
        tpu.wait_dma2 semaphore(%arg19 : memref<!tpu.dma_semaphore, #tpu.memory_space<semaphore_mem>>) src(%dma_wait3A_152 : memref<25x192xf32, #tpu.memory_space<hbm>>) dst(%arg13 : memref<25x192xf32, #tpu.memory_space<vmem>>)
        %add3A_153 = arith.constant 1 : i32
        %add3A_154 = arith.addi %mul3A_140, %add3A_153 : i32
        %dma_start3A_155 = arith.constant 0 : i32
        %dma_start3A_156 = tpu.memref_slice %arg9[%add3A_154, %dma_start3A_155] : memref<20x25xi32, #tpu.memory_space<vmem>> -> memref<1x25xi32, #tpu.memory_space<vmem>>
        %dma_start3A_157 = tpu.memref_squeeze %dma_start3A_156 : memref<1x25xi32, #tpu.memory_space<vmem>> -> memref<25xi32, #tpu.memory_space<vmem>>
        %dma_start3A_158 = arith.constant 0 : i32
        %dma_start3A_159 = arith.constant 0 : i32
        %dma_start3A_160 = tpu.memref_slice %arg4[%dma_start3A_158, %dma_start3A_159] : memref<10000x208xf32, #tpu.memory_space<hbm>> -> memref<10000x208xf32, #tpu.memory_space<hbm>>
        tpu.enqueue_indirect_dma source(%dma_start3A_160 : memref<10000x208xf32, #tpu.memory_space<hbm>>) target(%arg12 : memref<25x208xf32, #tpu.memory_space<vmem>>) offsets(%dma_start3A_157 : memref<25xi32, #tpu.memory_space<vmem>>) semaphore(%arg20 : memref<!tpu.dma_semaphore, #tpu.memory_space<semaphore_mem>>)
        %dma_start3A_161 = arith.constant 0 : i32
        %dma_start3A_162 = tpu.memref_slice %arg10[%add3A_154, %dma_start3A_161] : memref<20x25xi32, #tpu.memory_space<vmem>> -> memref<1x25xi32, #tpu.memory_space<vmem>>
        %dma_start3A_163 = tpu.memref_squeeze %dma_start3A_162 : memref<1x25xi32, #tpu.memory_space<vmem>> -> memref<25xi32, #tpu.memory_space<vmem>>
        %dma_start3A_164 = arith.constant 0 : i32
        %dma_start3A_165 = arith.constant 0 : i32
        %dma_start3A_166 = tpu.memref_slice %arg5[%dma_start3A_164, %dma_start3A_165] : memref<10000x192xf32, #tpu.memory_space<hbm>> -> memref<10000x192xf32, #tpu.memory_space<hbm>>
        tpu.enqueue_indirect_dma source(%dma_start3A_166 : memref<10000x192xf32, #tpu.memory_space<hbm>>) target(%arg14 : memref<25x192xf32, #tpu.memory_space<vmem>>) offsets(%dma_start3A_163 : memref<25xi32, #tpu.memory_space<vmem>>) semaphore(%arg20 : memref<!tpu.dma_semaphore, #tpu.memory_space<semaphore_mem>>)
        %dma_wait3A_167 = arith.constant 0 : i32
        %dma_wait3A_168 = arith.constant 0 : i32
        %dma_wait3A_169 = tpu.memref_slice %arg18[%dma_wait3A_167, %dma_wait3A_168] : memref<10000x144xf32, #tpu.memory_space<vmem_shared>> -> memref<25x144xf32, #tpu.memory_space<vmem_shared>>
        %dma_wait3A_170 = arith.constant 0 : i32
        %dma_wait3A_171 = arith.constant 0 : i32
        %dma_wait3A_172 = tpu.memref_slice %arg18[%dma_wait3A_170, %dma_wait3A_171] : memref<10000x144xf32, #tpu.memory_space<vmem_shared>> -> memref<25x144xf32, #tpu.memory_space<vmem_shared>>
        tpu.wait_dma2 semaphore(%arg21 : memref<!tpu.dma_semaphore, #tpu.memory_space<semaphore_mem>>) src(%arg15 : memref<25x144xf32, #tpu.memory_space<vmem>>) dst(%dma_wait3A_172 : memref<25x144xf32, #tpu.memory_space<vmem_shared>>)
        %scan3A_173 = arith.constant 0 : i32
        %scan3A_174 = arith.constant 0 : i32
        %scan3A_175 = arith.constant 25 : i32
        %scan3A_176 = arith.addi %scan3A_174, %scan3A_175 : i32
        %scan3A_177 = arith.constant 1 : i32
        %scan3A_178 = scf.for %scan3A_225 = %scan3A_174 to %scan3A_176 step %scan3A_177 iter_args(%scan3A_226 = %scan3A_173) -> (i32)  : i32 {
          %get3A = arith.index_cast %scan3A_225 : i32 to index
          %get3A_227 = arith.constant 192 : index
          %get3A_228 = tpu.vector_load %arg11[%get3A, %get3A_227] {strides = array<i32>} : memref<25x208xf32, #tpu.memory_space<vmem>>, vector<16xf32>,
          %slice3A = vector.extract_strided_slice %get3A_228 {offsets = [0], sizes = [1], strides = [1]} : vector<16xf32> to vector<1xf32>
          %squeeze3A = vector.extract %slice3A[0] : f32 from vector<1xf32>
          %convert_element_type3A_229 = arith.fptosi %squeeze3A : f32 to i32
          %broadcast_in_dim3A = arith.constant 0.000000e+00 : f32
          %broadcast_in_dim3A_230 = vector.broadcast %broadcast_in_dim3A : f32 to vector<16xf32>
          %get3A_231 = arith.index_cast %scan3A_225 : i32 to index
          %get3A_232 = arith.constant 128 : index
          %get3A_233 = tpu.vector_load %arg11[%get3A_231, %get3A_232] {strides = array<i32>} : memref<25x208xf32, #tpu.memory_space<vmem>>, vector<16xf32>,
          %get3A_234 = arith.index_cast %scan3A_225 : i32 to index
          %get3A_235 = arith.constant 128 : index
          %get3A_236 = tpu.vector_load %arg13[%get3A_234, %get3A_235] {strides = array<i32>} : memref<25x192xf32, #tpu.memory_space<vmem>>, vector<16xf32>,
          %get3A_237 = arith.index_cast %convert_element_type3A_229 : i32 to index
          %get3A_238 = arith.constant 128 : index
          %get3A_239 = tpu.vector_load %arg17[%get3A_237, %get3A_238] {strides = array<i32>} : memref<3x224xf32, #tpu.memory_space<vmem>>, vector<16xf32>,
          %mul3A_240 = arith.mulf %get3A_233, %get3A_236 : vector<16xf32>
          %exp3A = math.exp %mul3A_240 : vector<16xf32>
          %add3A_241 = arith.constant 1.000000e+00 : f32
          %add3A_242 = vector.broadcast %add3A_241 : f32 to vector<16xf32>
          %add3A_243 = arith.addf %exp3A, %add3A_242 : vector<16xf32>
          %div3A = arith.divf %get3A_239, %add3A_243 : vector<16xf32>
          %add3A_244 = arith.addf %broadcast_in_dim3A_230, %div3A : vector<16xf32>
          %get3A_245 = arith.index_cast %scan3A_225 : i32 to index
          %get3A_246 = arith.constant 144 : index
          %get3A_247 = tpu.vector_load %arg11[%get3A_245, %get3A_246] {strides = array<i32>} : memref<25x208xf32, #tpu.memory_space<vmem>>, vector<16xf32>,
          %get3A_248 = arith.index_cast %scan3A_225 : i32 to index
          %get3A_249 = arith.constant 144 : index
          %get3A_250 = tpu.vector_load %arg13[%get3A_248, %get3A_249] {strides = array<i32>} : memref<25x192xf32, #tpu.memory_space<vmem>>, vector<16xf32>,
          %get3A_251 = arith.index_cast %convert_element_type3A_229 : i32 to index
          %get3A_252 = arith.constant 144 : index
          %get3A_253 = tpu.vector_load %arg17[%get3A_251, %get3A_252] {strides = array<i32>} : memref<3x224xf32, #tpu.memory_space<vmem>>, vector<16xf32>,
          %mul3A_254 = arith.mulf %get3A_247, %get3A_250 : vector<16xf32>
          %exp3A_255 = math.exp %mul3A_254 : vector<16xf32>
          %add3A_256 = arith.constant 1.000000e+00 : f32
          %add3A_257 = vector.broadcast %add3A_256 : f32 to vector<16xf32>
          %add3A_258 = arith.addf %exp3A_255, %add3A_257 : vector<16xf32>
          %div3A_259 = arith.divf %get3A_253, %add3A_258 : vector<16xf32>
          %add3A_260 = arith.addf %add3A_244, %div3A_259 : vector<16xf32>
          %get3A_261 = arith.index_cast %scan3A_225 : i32 to index
          %get3A_262 = arith.constant 160 : index
          %get3A_263 = tpu.vector_load %arg11[%get3A_261, %get3A_262] {strides = array<i32>} : memref<25x208xf32, #tpu.memory_space<vmem>>, vector<16xf32>,
          %get3A_264 = arith.index_cast %scan3A_225 : i32 to index
          %get3A_265 = arith.constant 160 : index
          %get3A_266 = tpu.vector_load %arg13[%get3A_264, %get3A_265] {strides = array<i32>} : memref<25x192xf32, #tpu.memory_space<vmem>>, vector<16xf32>,
          %get3A_267 = arith.index_cast %convert_element_type3A_229 : i32 to index
          %get3A_268 = arith.constant 160 : index
          %get3A_269 = tpu.vector_load %arg17[%get3A_267, %get3A_268] {strides = array<i32>} : memref<3x224xf32, #tpu.memory_space<vmem>>, vector<16xf32>,
          %mul3A_270 = arith.mulf %get3A_263, %get3A_266 : vector<16xf32>
          %exp3A_271 = math.exp %mul3A_270 : vector<16xf32>
          %add3A_272 = arith.constant 1.000000e+00 : f32
          %add3A_273 = vector.broadcast %add3A_272 : f32 to vector<16xf32>
          %add3A_274 = arith.addf %exp3A_271, %add3A_273 : vector<16xf32>
          %div3A_275 = arith.divf %get3A_269, %add3A_274 : vector<16xf32>
          %add3A_276 = arith.addf %add3A_260, %div3A_275 : vector<16xf32>
          %get3A_277 = arith.index_cast %scan3A_225 : i32 to index
          %get3A_278 = arith.constant 176 : index
          %get3A_279 = tpu.vector_load %arg11[%get3A_277, %get3A_278] {strides = array<i32>} : memref<25x208xf32, #tpu.memory_space<vmem>>, vector<16xf32>,
          %get3A_280 = arith.index_cast %scan3A_225 : i32 to index
          %get3A_281 = arith.constant 176 : index
          %get3A_282 = tpu.vector_load %arg13[%get3A_280, %get3A_281] {strides = array<i32>} : memref<25x192xf32, #tpu.memory_space<vmem>>, vector<16xf32>,
          %get3A_283 = arith.index_cast %convert_element_type3A_229 : i32 to index
          %get3A_284 = arith.constant 176 : index
          %get3A_285 = tpu.vector_load %arg17[%get3A_283, %get3A_284] {strides = array<i32>} : memref<3x224xf32, #tpu.memory_space<vmem>>, vector<16xf32>,
          %mul3A_286 = arith.mulf %get3A_279, %get3A_282 : vector<16xf32>
          %exp3A_287 = math.exp %mul3A_286 : vector<16xf32>
          %add3A_288 = arith.constant 1.000000e+00 : f32
          %add3A_289 = vector.broadcast %add3A_288 : f32 to vector<16xf32>
          %add3A_290 = arith.addf %exp3A_287, %add3A_289 : vector<16xf32>
          %div3A_291 = arith.divf %get3A_285, %add3A_290 : vector<16xf32>
          %add3A_292 = arith.addf %add3A_276, %div3A_291 : vector<16xf32>
          %get3A_293 = arith.index_cast %convert_element_type3A_229 : i32 to index
          %get3A_294 = arith.constant 208 : index
          %get3A_295 = tpu.vector_load %arg17[%get3A_293, %get3A_294] {strides = array<i32>} : memref<3x224xf32, #tpu.memory_space<vmem>>, vector<16xf32>,
          %rev3A = arith.constant 15 : i32
          %rev3A_296 = vector.broadcast %rev3A : i32 to vector<16xi32>
          %rev3A_297 = tpu.iota {dimensions = array<i32: 0>} : vector<16xi32>
          %rev3A_298 = arith.subi %rev3A_296, %rev3A_297 : vector<16xi32>
          %rev3A_299 = tpu.dynamic_gather %add3A_292[%rev3A_298] in [0] : vector<16xf32>, vector<16xi32> -> vector<16xf32>
          %add3A_300 = arith.addf %add3A_292, %rev3A_299 : vector<16xf32>
          %sub3A = arith.subf %get3A_295, %add3A_300 : vector<16xf32>
          %broadcast_in_dim3A_301 = arith.constant 0.000000e+00 : f32
          %broadcast_in_dim3A_302 = vector.broadcast %broadcast_in_dim3A_301 : f32 to vector<16xf32>
          %get3A_303 = arith.index_cast %scan3A_225 : i32 to index
          %get3A_304 = arith.constant 0 : index
          %get3A_305 = tpu.vector_load %arg11[%get3A_303, %get3A_304] {strides = array<i32>} : memref<25x208xf32, #tpu.memory_space<vmem>>, vector<16xf32>,
          %get3A_306 = arith.index_cast %scan3A_225 : i32 to index
          %get3A_307 = arith.constant 0 : index
          %get3A_308 = tpu.vector_load %arg13[%get3A_306, %get3A_307] {strides = array<i32>} : memref<25x192xf32, #tpu.memory_space<vmem>>, vector<16xf32>,
          %get3A_309 = arith.index_cast %convert_element_type3A_229 : i32 to index
          %get3A_310 = arith.constant 0 : index
          %get3A_311 = tpu.vector_load %arg17[%get3A_309, %get3A_310] {strides = array<i32>} : memref<3x224xf32, #tpu.memory_space<vmem>>, vector<16xf32>,
          %mul3A_312 = arith.mulf %get3A_305, %get3A_308 : vector<16xf32>
          %exp3A_313 = math.exp %mul3A_312 : vector<16xf32>
          %add3A_314 = arith.constant 1.000000e+00 : f32
          %add3A_315 = vector.broadcast %add3A_314 : f32 to vector<16xf32>
          %add3A_316 = arith.addf %exp3A_313, %add3A_315 : vector<16xf32>
          %div3A_317 = arith.divf %get3A_311, %add3A_316 : vector<16xf32>
          %add3A_318 = arith.addf %broadcast_in_dim3A_302, %div3A_317 : vector<16xf32>
          %get3A_319 = arith.index_cast %scan3A_225 : i32 to index
          %get3A_320 = arith.constant 16 : index
          %get3A_321 = tpu.vector_load %arg11[%get3A_319, %get3A_320] {strides = array<i32>} : memref<25x208xf32, #tpu.memory_space<vmem>>, vector<16xf32>,
          %get3A_322 = arith.index_cast %scan3A_225 : i32 to index
          %get3A_323 = arith.constant 16 : index
          %get3A_324 = tpu.vector_load %arg13[%get3A_322, %get3A_323] {strides = array<i32>} : memref<25x192xf32, #tpu.memory_space<vmem>>, vector<16xf32>,
          %get3A_325 = arith.index_cast %convert_element_type3A_229 : i32 to index
          %get3A_326 = arith.constant 16 : index
          %get3A_327 = tpu.vector_load %arg17[%get3A_325, %get3A_326] {strides = array<i32>} : memref<3x224xf32, #tpu.memory_space<vmem>>, vector<16xf32>,
          %mul3A_328 = arith.mulf %get3A_321, %get3A_324 : vector<16xf32>
          %exp3A_329 = math.exp %mul3A_328 : vector<16xf32>
          %add3A_330 = arith.constant 1.000000e+00 : f32
          %add3A_331 = vector.broadcast %add3A_330 : f32 to vector<16xf32>
          %add3A_332 = arith.addf %exp3A_329, %add3A_331 : vector<16xf32>
          %div3A_333 = arith.divf %get3A_327, %add3A_332 : vector<16xf32>
          %add3A_334 = arith.addf %add3A_318, %div3A_333 : vector<16xf32>
          %get3A_335 = arith.index_cast %scan3A_225 : i32 to index
          %get3A_336 = arith.constant 32 : index
          %get3A_337 = tpu.vector_load %arg11[%get3A_335, %get3A_336] {strides = array<i32>} : memref<25x208xf32, #tpu.memory_space<vmem>>, vector<16xf32>,
          %get3A_338 = arith.index_cast %scan3A_225 : i32 to index
          %get3A_339 = arith.constant 32 : index
          %get3A_340 = tpu.vector_load %arg13[%get3A_338, %get3A_339] {strides = array<i32>} : memref<25x192xf32, #tpu.memory_space<vmem>>, vector<16xf32>,
          %get3A_341 = arith.index_cast %convert_element_type3A_229 : i32 to index
          %get3A_342 = arith.constant 32 : index
          %get3A_343 = tpu.vector_load %arg17[%get3A_341, %get3A_342] {strides = array<i32>} : memref<3x224xf32, #tpu.memory_space<vmem>>, vector<16xf32>,
          %mul3A_344 = arith.mulf %get3A_337, %get3A_340 : vector<16xf32>
          %exp3A_345 = math.exp %mul3A_344 : vector<16xf32>
          %add3A_346 = arith.constant 1.000000e+00 : f32
          %add3A_347 = vector.broadcast %add3A_346 : f32 to vector<16xf32>
          %add3A_348 = arith.addf %exp3A_345, %add3A_347 : vector<16xf32>
          %div3A_349 = arith.divf %get3A_343, %add3A_348 : vector<16xf32>
          %add3A_350 = arith.addf %add3A_334, %div3A_349 : vector<16xf32>
          %get3A_351 = arith.index_cast %scan3A_225 : i32 to index
          %get3A_352 = arith.constant 48 : index
          %get3A_353 = tpu.vector_load %arg11[%get3A_351, %get3A_352] {strides = array<i32>} : memref<25x208xf32, #tpu.memory_space<vmem>>, vector<16xf32>,
          %get3A_354 = arith.index_cast %scan3A_225 : i32 to index
          %get3A_355 = arith.constant 48 : index
          %get3A_356 = tpu.vector_load %arg13[%get3A_354, %get3A_355] {strides = array<i32>} : memref<25x192xf32, #tpu.memory_space<vmem>>, vector<16xf32>,
          %get3A_357 = arith.index_cast %convert_element_type3A_229 : i32 to index
          %get3A_358 = arith.constant 48 : index
          %get3A_359 = tpu.vector_load %arg17[%get3A_357, %get3A_358] {strides = array<i32>} : memref<3x224xf32, #tpu.memory_space<vmem>>, vector<16xf32>,
          %mul3A_360 = arith.mulf %get3A_353, %get3A_356 : vector<16xf32>
          %exp3A_361 = math.exp %mul3A_360 : vector<16xf32>
          %add3A_362 = arith.constant 1.000000e+00 : f32
          %add3A_363 = vector.broadcast %add3A_362 : f32 to vector<16xf32>
          %add3A_364 = arith.addf %exp3A_361, %add3A_363 : vector<16xf32>
          %div3A_365 = arith.divf %get3A_359, %add3A_364 : vector<16xf32>
          %add3A_366 = arith.addf %add3A_350, %div3A_365 : vector<16xf32>
          %get3A_367 = arith.index_cast %scan3A_225 : i32 to index
          %get3A_368 = arith.constant 64 : index
          %get3A_369 = tpu.vector_load %arg11[%get3A_367, %get3A_368] {strides = array<i32>} : memref<25x208xf32, #tpu.memory_space<vmem>>, vector<16xf32>,
          %get3A_370 = arith.index_cast %scan3A_225 : i32 to index
          %get3A_371 = arith.constant 64 : index
          %get3A_372 = tpu.vector_load %arg13[%get3A_370, %get3A_371] {strides = array<i32>} : memref<25x192xf32, #tpu.memory_space<vmem>>, vector<16xf32>,
          %get3A_373 = arith.index_cast %convert_element_type3A_229 : i32 to index
          %get3A_374 = arith.constant 64 : index
          %get3A_375 = tpu.vector_load %arg17[%get3A_373, %get3A_374] {strides = array<i32>} : memref<3x224xf32, #tpu.memory_space<vmem>>, vector<16xf32>,
          %mul3A_376 = arith.mulf %get3A_369, %get3A_372 : vector<16xf32>
          %exp3A_377 = math.exp %mul3A_376 : vector<16xf32>
          %add3A_378 = arith.constant 1.000000e+00 : f32
          %add3A_379 = vector.broadcast %add3A_378 : f32 to vector<16xf32>
          %add3A_380 = arith.addf %exp3A_377, %add3A_379 : vector<16xf32>
          %div3A_381 = arith.divf %get3A_375, %add3A_380 : vector<16xf32>
          %add3A_382 = arith.addf %add3A_366, %div3A_381 : vector<16xf32>
          %get3A_383 = arith.index_cast %scan3A_225 : i32 to index
          %get3A_384 = arith.constant 80 : index
          %get3A_385 = tpu.vector_load %arg11[%get3A_383, %get3A_384] {strides = array<i32>} : memref<25x208xf32, #tpu.memory_space<vmem>>, vector<16xf32>,
          %get3A_386 = arith.index_cast %scan3A_225 : i32 to index
          %get3A_387 = arith.constant 80 : index
          %get3A_388 = tpu.vector_load %arg13[%get3A_386, %get3A_387] {strides = array<i32>} : memref<25x192xf32, #tpu.memory_space<vmem>>, vector<16xf32>,
          %get3A_389 = arith.index_cast %convert_element_type3A_229 : i32 to index
          %get3A_390 = arith.constant 80 : index
          %get3A_391 = tpu.vector_load %arg17[%get3A_389, %get3A_390] {strides = array<i32>} : memref<3x224xf32, #tpu.memory_space<vmem>>, vector<16xf32>,
          %mul3A_392 = arith.mulf %get3A_385, %get3A_388 : vector<16xf32>
          %exp3A_393 = math.exp %mul3A_392 : vector<16xf32>
          %add3A_394 = arith.constant 1.000000e+00 : f32
          %add3A_395 = vector.broadcast %add3A_394 : f32 to vector<16xf32>
          %add3A_396 = arith.addf %exp3A_393, %add3A_395 : vector<16xf32>
          %div3A_397 = arith.divf %get3A_391, %add3A_396 : vector<16xf32>
          %add3A_398 = arith.addf %add3A_382, %div3A_397 : vector<16xf32>
          %get3A_399 = arith.index_cast %scan3A_225 : i32 to index
          %get3A_400 = arith.constant 96 : index
          %get3A_401 = tpu.vector_load %arg11[%get3A_399, %get3A_400] {strides = array<i32>} : memref<25x208xf32, #tpu.memory_space<vmem>>, vector<16xf32>,
          %get3A_402 = arith.index_cast %scan3A_225 : i32 to index
          %get3A_403 = arith.constant 96 : index
          %get3A_404 = tpu.vector_load %arg13[%get3A_402, %get3A_403] {strides = array<i32>} : memref<25x192xf32, #tpu.memory_space<vmem>>, vector<16xf32>,
          %get3A_405 = arith.index_cast %convert_element_type3A_229 : i32 to index
          %get3A_406 = arith.constant 96 : index
          %get3A_407 = tpu.vector_load %arg17[%get3A_405, %get3A_406] {strides = array<i32>} : memref<3x224xf32, #tpu.memory_space<vmem>>, vector<16xf32>,
          %mul3A_408 = arith.mulf %get3A_401, %get3A_404 : vector<16xf32>
          %exp3A_409 = math.exp %mul3A_408 : vector<16xf32>
          %add3A_410 = arith.constant 1.000000e+00 : f32
          %add3A_411 = vector.broadcast %add3A_410 : f32 to vector<16xf32>
          %add3A_412 = arith.addf %exp3A_409, %add3A_411 : vector<16xf32>
          %div3A_413 = arith.divf %get3A_407, %add3A_412 : vector<16xf32>
          %add3A_414 = arith.addf %add3A_398, %div3A_413 : vector<16xf32>
          %get3A_415 = arith.index_cast %scan3A_225 : i32 to index
          %get3A_416 = arith.constant 112 : index
          %get3A_417 = tpu.vector_load %arg11[%get3A_415, %get3A_416] {strides = array<i32>} : memref<25x208xf32, #tpu.memory_space<vmem>>, vector<16xf32>,
          %get3A_418 = arith.index_cast %scan3A_225 : i32 to index
          %get3A_419 = arith.constant 112 : index
          %get3A_420 = tpu.vector_load %arg13[%get3A_418, %get3A_419] {strides = array<i32>} : memref<25x192xf32, #tpu.memory_space<vmem>>, vector<16xf32>,
          %get3A_421 = arith.index_cast %convert_element_type3A_229 : i32 to index
          %get3A_422 = arith.constant 112 : index
          %get3A_423 = tpu.vector_load %arg17[%get3A_421, %get3A_422] {strides = array<i32>} : memref<3x224xf32, #tpu.memory_space<vmem>>, vector<16xf32>,
          %mul3A_424 = arith.mulf %get3A_417, %get3A_420 : vector<16xf32>
          %exp3A_425 = math.exp %mul3A_424 : vector<16xf32>
          %add3A_426 = arith.constant 1.000000e+00 : f32
          %add3A_427 = vector.broadcast %add3A_426 : f32 to vector<16xf32>
          %add3A_428 = arith.addf %exp3A_425, %add3A_427 : vector<16xf32>
          %div3A_429 = arith.divf %get3A_423, %add3A_428 : vector<16xf32>
          %add3A_430 = arith.addf %add3A_414, %div3A_429 : vector<16xf32>
          %get3A_431 = arith.index_cast %convert_element_type3A_229 : i32 to index
          %get3A_432 = arith.constant 192 : index
          %get3A_433 = tpu.vector_load %arg17[%get3A_431, %get3A_432] {strides = array<i32>} : memref<3x224xf32, #tpu.memory_space<vmem>>, vector<16xf32>,
          %rev3A_434 = arith.constant 15 : i32
          %rev3A_435 = vector.broadcast %rev3A_434 : i32 to vector<16xi32>
          %rev3A_436 = tpu.iota {dimensions = array<i32: 0>} : vector<16xi32>
          %rev3A_437 = arith.subi %rev3A_435, %rev3A_436 : vector<16xi32>
          %rev3A_438 = tpu.dynamic_gather %add3A_430[%rev3A_437] in [0] : vector<16xf32>, vector<16xi32> -> vector<16xf32>
          %add3A_439 = arith.addf %add3A_430, %rev3A_438 : vector<16xf32>
          %sub3A_440 = arith.subf %get3A_433, %add3A_439 : vector<16xf32>
          %mul3A_441 = arith.mulf %sub3A_440, %sub3A : vector<16xf32>
          %jit3A = arith.constant -6.000000e+01 : f32
          %jit3A_442 = arith.constant 6.000000e+01 : f32
          %max3A = vector.broadcast %jit3A : f32 to vector<16xf32>
          %max3A_443 = arith.maximumf %max3A, %mul3A_441 : vector<16xf32>
          %min3A = vector.broadcast %jit3A_442 : f32 to vector<16xf32>
          %min3A_444 = arith.minimumf %min3A, %max3A_443 : vector<16xf32>
          %exp3A_445 = math.exp %min3A_444 : vector<16xf32>
          %jit3A_446 = arith.constant 0.000000e+00 : f32
          %broadcast_in_dim3A_447 = vector.broadcast %jit3A_446 : f32 to vector<16xf32>
          %select_n3A = arith.select %lt3A_4, %exp3A_445, %broadcast_in_dim3A_447 : vector<16xi1>, vector<16xf32>
          %rev3A_448 = arith.constant 15 : i32
          %rev3A_449 = vector.broadcast %rev3A_448 : i32 to vector<16xi32>
          %rev3A_450 = tpu.iota {dimensions = array<i32: 0>} : vector<16xi32>
          %rev3A_451 = arith.subi %rev3A_449, %rev3A_450 : vector<16xi32>
          %rev3A_452 = tpu.dynamic_gather %select_n3A[%rev3A_451] in [0] : vector<16xf32>, vector<16xi32> -> vector<16xf32>
          %add3A_453 = arith.addf %select_n3A, %rev3A_452 : vector<16xf32>
          %mul3A_454 = arith.mulf %get3A_308, %add3A_453 : vector<16xf32>
          %swap3A = arith.index_cast %scan3A_225 : i32 to index
          %swap3A_455 = arith.constant 0 : index
          %swap3A_456 = tpu.vector_load %arg15[%swap3A, %swap3A_455] {strides = array<i32>} : memref<25x144xf32, #tpu.memory_space<vmem>>, vector<16xf32>,
          tpu.vector_store %arg15[%swap3A, %swap3A_455], %mul3A_454 {strides = array<i32>} : memref<25x144xf32, #tpu.memory_space<vmem>>, vector<16xf32>,
          %mul3A_457 = arith.mulf %get3A_324, %add3A_453 : vector<16xf32>
          %swap3A_458 = arith.index_cast %scan3A_225 : i32 to index
          %swap3A_459 = arith.constant 16 : index
          %swap3A_460 = tpu.vector_load %arg15[%swap3A_458, %swap3A_459] {strides = array<i32>} : memref<25x144xf32, #tpu.memory_space<vmem>>, vector<16xf32>,
          tpu.vector_store %arg15[%swap3A_458, %swap3A_459], %mul3A_457 {strides = array<i32>} : memref<25x144xf32, #tpu.memory_space<vmem>>, vector<16xf32>,
          %mul3A_461 = arith.mulf %get3A_340, %add3A_453 : vector<16xf32>
          %swap3A_462 = arith.index_cast %scan3A_225 : i32 to index
          %swap3A_463 = arith.constant 32 : index
          %swap3A_464 = tpu.vector_load %arg15[%swap3A_462, %swap3A_463] {strides = array<i32>} : memref<25x144xf32, #tpu.memory_space<vmem>>, vector<16xf32>,
          tpu.vector_store %arg15[%swap3A_462, %swap3A_463], %mul3A_461 {strides = array<i32>} : memref<25x144xf32, #tpu.memory_space<vmem>>, vector<16xf32>,
          %mul3A_465 = arith.mulf %get3A_356, %add3A_453 : vector<16xf32>
          %swap3A_466 = arith.index_cast %scan3A_225 : i32 to index
          %swap3A_467 = arith.constant 48 : index
          %swap3A_468 = tpu.vector_load %arg15[%swap3A_466, %swap3A_467] {strides = array<i32>} : memref<25x144xf32, #tpu.memory_space<vmem>>, vector<16xf32>,
          tpu.vector_store %arg15[%swap3A_466, %swap3A_467], %mul3A_465 {strides = array<i32>} : memref<25x144xf32, #tpu.memory_space<vmem>>, vector<16xf32>,
          %mul3A_469 = arith.mulf %get3A_372, %add3A_453 : vector<16xf32>
          %swap3A_470 = arith.index_cast %scan3A_225 : i32 to index
          %swap3A_471 = arith.constant 64 : index
          %swap3A_472 = tpu.vector_load %arg15[%swap3A_470, %swap3A_471] {strides = array<i32>} : memref<25x144xf32, #tpu.memory_space<vmem>>, vector<16xf32>,
          tpu.vector_store %arg15[%swap3A_470, %swap3A_471], %mul3A_469 {strides = array<i32>} : memref<25x144xf32, #tpu.memory_space<vmem>>, vector<16xf32>,
          %mul3A_473 = arith.mulf %get3A_388, %add3A_453 : vector<16xf32>
          %swap3A_474 = arith.index_cast %scan3A_225 : i32 to index
          %swap3A_475 = arith.constant 80 : index
          %swap3A_476 = tpu.vector_load %arg15[%swap3A_474, %swap3A_475] {strides = array<i32>} : memref<25x144xf32, #tpu.memory_space<vmem>>, vector<16xf32>,
          tpu.vector_store %arg15[%swap3A_474, %swap3A_475], %mul3A_473 {strides = array<i32>} : memref<25x144xf32, #tpu.memory_space<vmem>>, vector<16xf32>,
          %mul3A_477 = arith.mulf %get3A_404, %add3A_453 : vector<16xf32>
          %swap3A_478 = arith.index_cast %scan3A_225 : i32 to index
          %swap3A_479 = arith.constant 96 : index
          %swap3A_480 = tpu.vector_load %arg15[%swap3A_478, %swap3A_479] {strides = array<i32>} : memref<25x144xf32, #tpu.memory_space<vmem>>, vector<16xf32>,
          tpu.vector_store %arg15[%swap3A_478, %swap3A_479], %mul3A_477 {strides = array<i32>} : memref<25x144xf32, #tpu.memory_space<vmem>>, vector<16xf32>,
          %mul3A_481 = arith.mulf %get3A_420, %add3A_453 : vector<16xf32>
          %swap3A_482 = arith.index_cast %scan3A_225 : i32 to index
          %swap3A_483 = arith.constant 112 : index
          %swap3A_484 = tpu.vector_load %arg15[%swap3A_482, %swap3A_483] {strides = array<i32>} : memref<25x144xf32, #tpu.memory_space<vmem>>, vector<16xf32>,
          tpu.vector_store %arg15[%swap3A_482, %swap3A_483], %mul3A_481 {strides = array<i32>} : memref<25x144xf32, #tpu.memory_space<vmem>>, vector<16xf32>,
          %swap3A_485 = arith.index_cast %scan3A_225 : i32 to index
          %swap3A_486 = arith.constant 128 : index
          %swap3A_487 = tpu.vector_load %arg15[%swap3A_485, %swap3A_486] {strides = array<i32>} : memref<25x144xf32, #tpu.memory_space<vmem>>, vector<16xf32>,
          tpu.vector_store %arg15[%swap3A_485, %swap3A_486], %select_n3A {strides = array<i32>} : memref<25x144xf32, #tpu.memory_space<vmem>>, vector<16xf32>,
          %scan3A_488 = arith.constant 0 : i32
          scf.yield %scan3A_488 : i32
        }
        %scan3A_179 = arith.constant 25 : i32
        %dma_start3A_180 = arith.constant 0 : i32
        %dma_start3A_181 = tpu.memref_slice %arg9[%mul3A_140, %dma_start3A_180] : memref<20x25xi32, #tpu.memory_space<vmem>> -> memref<1x25xi32, #tpu.memory_space<vmem>>
        %dma_start3A_182 = tpu.memref_squeeze %dma_start3A_181 : memref<1x25xi32, #tpu.memory_space<vmem>> -> memref<25xi32, #tpu.memory_space<vmem>>
        %dma_start3A_183 = arith.constant 0 : i32
        %dma_start3A_184 = arith.constant 0 : i32
        %dma_start3A_185 = tpu.memref_slice %arg18[%dma_start3A_183, %dma_start3A_184] : memref<10000x144xf32, #tpu.memory_space<vmem_shared>> -> memref<10000x144xf32, #tpu.memory_space<vmem_shared>>
        tpu.enqueue_indirect_dma source(%arg15 : memref<25x144xf32, #tpu.memory_space<vmem>>) target(%dma_start3A_185 : memref<10000x144xf32, #tpu.memory_space<vmem_shared>>) offsets(%dma_start3A_182 : memref<25xi32, #tpu.memory_space<vmem>>) semaphore(%arg21 : memref<!tpu.dma_semaphore, #tpu.memory_space<semaphore_mem>>) {add = true}
        %dma_wait3A_186 = arith.constant 0 : i32
        %dma_wait3A_187 = arith.constant 0 : i32
        %dma_wait3A_188 = tpu.memref_slice %arg4[%dma_wait3A_186, %dma_wait3A_187] : memref<10000x208xf32, #tpu.memory_space<hbm>> -> memref<25x208xf32, #tpu.memory_space<hbm>>
        %dma_wait3A_189 = arith.constant 0 : i32
        %dma_wait3A_190 = arith.constant 0 : i32
        %dma_wait3A_191 = tpu.memref_slice %arg4[%dma_wait3A_189, %dma_wait3A_190] : memref<10000x208xf32, #tpu.memory_space<hbm>> -> memref<25x208xf32, #tpu.memory_space<hbm>>
        tpu.wait_dma2 semaphore(%arg20 : memref<!tpu.dma_semaphore, #tpu.memory_space<semaphore_mem>>) src(%dma_wait3A_191 : memref<25x208xf32, #tpu.memory_space<hbm>>) dst(%arg12 : memref<25x208xf32, #tpu.memory_space<vmem>>)
        %dma_wait3A_192 = arith.constant 0 : i32
        %dma_wait3A_193 = arith.constant 0 : i32
        %dma_wait3A_194 = tpu.memref_slice %arg5[%dma_wait3A_192, %dma_wait3A_193] : memref<10000x192xf32, #tpu.memory_space<hbm>> -> memref<25x192xf32, #tpu.memory_space<hbm>>
        %dma_wait3A_195 = arith.constant 0 : i32
        %dma_wait3A_196 = arith.constant 0 : i32
        %dma_wait3A_197 = tpu.memref_slice %arg5[%dma_wait3A_195, %dma_wait3A_196] : memref<10000x192xf32, #tpu.memory_space<hbm>> -> memref<25x192xf32, #tpu.memory_space<hbm>>
        tpu.wait_dma2 semaphore(%arg20 : memref<!tpu.dma_semaphore, #tpu.memory_space<semaphore_mem>>) src(%dma_wait3A_197 : memref<25x192xf32, #tpu.memory_space<hbm>>) dst(%arg14 : memref<25x192xf32, #tpu.memory_space<vmem>>)
        %lt3A_198 = arith.constant 9 : i32
        %lt3A_199 = arith.cmpi slt, %scan3A_137, %lt3A_198 : i32
        %convert_element_type3A_200 = arith.extui %lt3A_199 : i1 to i32
        %cond3A_201 = arith.constant 0 : i32
        %cond3A_202 = arith.cmpi ne, %convert_element_type3A_200, %cond3A_201 : i32
        scf.if %cond3A_202 {
          %add3A_225 = arith.constant 2 : i32
          %add3A_226 = arith.addi %mul3A_140, %add3A_225 : i32
          %dma_start3A_227 = arith.constant 0 : i32
          %dma_start3A_228 = tpu.memref_slice %arg9[%add3A_226, %dma_start3A_227] : memref<20x25xi32, #tpu.memory_space<vmem>> -> memref<1x25xi32, #tpu.memory_space<vmem>>
          %dma_start3A_229 = tpu.memref_squeeze %dma_start3A_228 : memref<1x25xi32, #tpu.memory_space<vmem>> -> memref<25xi32, #tpu.memory_space<vmem>>
          %dma_start3A_230 = arith.constant 0 : i32
          %dma_start3A_231 = arith.constant 0 : i32
          %dma_start3A_232 = tpu.memref_slice %arg4[%dma_start3A_230, %dma_start3A_231] : memref<10000x208xf32, #tpu.memory_space<hbm>> -> memref<10000x208xf32, #tpu.memory_space<hbm>>
          tpu.enqueue_indirect_dma source(%dma_start3A_232 : memref<10000x208xf32, #tpu.memory_space<hbm>>) target(%arg11 : memref<25x208xf32, #tpu.memory_space<vmem>>) offsets(%dma_start3A_229 : memref<25xi32, #tpu.memory_space<vmem>>) semaphore(%arg19 : memref<!tpu.dma_semaphore, #tpu.memory_space<semaphore_mem>>)
          %dma_start3A_233 = arith.constant 0 : i32
          %dma_start3A_234 = tpu.memref_slice %arg10[%add3A_226, %dma_start3A_233] : memref<20x25xi32, #tpu.memory_space<vmem>> -> memref<1x25xi32, #tpu.memory_space<vmem>>
          %dma_start3A_235 = tpu.memref_squeeze %dma_start3A_234 : memref<1x25xi32, #tpu.memory_space<vmem>> -> memref<25xi32, #tpu.memory_space<vmem>>
          %dma_start3A_236 = arith.constant 0 : i32
          %dma_start3A_237 = arith.constant 0 : i32
          %dma_start3A_238 = tpu.memref_slice %arg5[%dma_start3A_236, %dma_start3A_237] : memref<10000x192xf32, #tpu.memory_space<hbm>> -> memref<10000x192xf32, #tpu.memory_space<hbm>>
          tpu.enqueue_indirect_dma source(%dma_start3A_238 : memref<10000x192xf32, #tpu.memory_space<hbm>>) target(%arg13 : memref<25x192xf32, #tpu.memory_space<vmem>>) offsets(%dma_start3A_235 : memref<25xi32, #tpu.memory_space<vmem>>) semaphore(%arg19 : memref<!tpu.dma_semaphore, #tpu.memory_space<semaphore_mem>>)
        } else {
        }
        %dma_wait3A_203 = arith.constant 0 : i32
        %dma_wait3A_204 = arith.constant 0 : i32
        %dma_wait3A_205 = tpu.memref_slice %arg18[%dma_wait3A_203, %dma_wait3A_204] : memref<10000x144xf32, #tpu.memory_space<vmem_shared>> -> memref<25x144xf32, #tpu.memory_space<vmem_shared>>
        %dma_wait3A_206 = arith.constant 0 : i32
        %dma_wait3A_207 = arith.constant 0 : i32
        %dma_wait3A_208 = tpu.memref_slice %arg18[%dma_wait3A_206, %dma_wait3A_207] : memref<10000x144xf32, #tpu.memory_space<vmem_shared>> -> memref<25x144xf32, #tpu.memory_space<vmem_shared>>
        tpu.wait_dma2 semaphore(%arg22 : memref<!tpu.dma_semaphore, #tpu.memory_space<semaphore_mem>>) src(%arg16 : memref<25x144xf32, #tpu.memory_space<vmem>>) dst(%dma_wait3A_208 : memref<25x144xf32, #tpu.memory_space<vmem_shared>>)
        %scan3A_209 = arith.constant 0 : i32
        %scan3A_210 = arith.constant 0 : i32
        %scan3A_211 = arith.constant 25 : i32
        %scan3A_212 = arith.addi %scan3A_210, %scan3A_211 : i32
        %scan3A_213 = arith.constant 1 : i32
        %scan3A_214 = scf.for %scan3A_225 = %scan3A_210 to %scan3A_212 step %scan3A_213 iter_args(%scan3A_226 = %scan3A_209) -> (i32)  : i32 {
          %get3A = arith.index_cast %scan3A_225 : i32 to index
          %get3A_227 = arith.constant 192 : index
          %get3A_228 = tpu.vector_load %arg12[%get3A, %get3A_227] {strides = array<i32>} : memref<25x208xf32, #tpu.memory_space<vmem>>, vector<16xf32>,
          %slice3A = vector.extract_strided_slice %get3A_228 {offsets = [0], sizes = [1], strides = [1]} : vector<16xf32> to vector<1xf32>
          %squeeze3A = vector.extract %slice3A[0] : f32 from vector<1xf32>
          %convert_element_type3A_229 = arith.fptosi %squeeze3A : f32 to i32
          %broadcast_in_dim3A = arith.constant 0.000000e+00 : f32
          %broadcast_in_dim3A_230 = vector.broadcast %broadcast_in_dim3A : f32 to vector<16xf32>
          %get3A_231 = arith.index_cast %scan3A_225 : i32 to index
          %get3A_232 = arith.constant 128 : index
          %get3A_233 = tpu.vector_load %arg12[%get3A_231, %get3A_232] {strides = array<i32>} : memref<25x208xf32, #tpu.memory_space<vmem>>, vector<16xf32>,
          %get3A_234 = arith.index_cast %scan3A_225 : i32 to index
          %get3A_235 = arith.constant 128 : index
          %get3A_236 = tpu.vector_load %arg14[%get3A_234, %get3A_235] {strides = array<i32>} : memref<25x192xf32, #tpu.memory_space<vmem>>, vector<16xf32>,
          %get3A_237 = arith.index_cast %convert_element_type3A_229 : i32 to index
          %get3A_238 = arith.constant 128 : index
          %get3A_239 = tpu.vector_load %arg17[%get3A_237, %get3A_238] {strides = array<i32>} : memref<3x224xf32, #tpu.memory_space<vmem>>, vector<16xf32>,
          %mul3A_240 = arith.mulf %get3A_233, %get3A_236 : vector<16xf32>
          %exp3A = math.exp %mul3A_240 : vector<16xf32>
          %add3A_241 = arith.constant 1.000000e+00 : f32
          %add3A_242 = vector.broadcast %add3A_241 : f32 to vector<16xf32>
          %add3A_243 = arith.addf %exp3A, %add3A_242 : vector<16xf32>
          %div3A = arith.divf %get3A_239, %add3A_243 : vector<16xf32>
          %add3A_244 = arith.addf %broadcast_in_dim3A_230, %div3A : vector<16xf32>
          %get3A_245 = arith.index_cast %scan3A_225 : i32 to index
          %get3A_246 = arith.constant 144 : index
          %get3A_247 = tpu.vector_load %arg12[%get3A_245, %get3A_246] {strides = array<i32>} : memref<25x208xf32, #tpu.memory_space<vmem>>, vector<16xf32>,
          %get3A_248 = arith.index_cast %scan3A_225 : i32 to index
          %get3A_249 = arith.constant 144 : index
          %get3A_250 = tpu.vector_load %arg14[%get3A_248, %get3A_249] {strides = array<i32>} : memref<25x192xf32, #tpu.memory_space<vmem>>, vector<16xf32>,
          %get3A_251 = arith.index_cast %convert_element_type3A_229 : i32 to index
          %get3A_252 = arith.constant 144 : index
          %get3A_253 = tpu.vector_load %arg17[%get3A_251, %get3A_252] {strides = array<i32>} : memref<3x224xf32, #tpu.memory_space<vmem>>, vector<16xf32>,
          %mul3A_254 = arith.mulf %get3A_247, %get3A_250 : vector<16xf32>
          %exp3A_255 = math.exp %mul3A_254 : vector<16xf32>
          %add3A_256 = arith.constant 1.000000e+00 : f32
          %add3A_257 = vector.broadcast %add3A_256 : f32 to vector<16xf32>
          %add3A_258 = arith.addf %exp3A_255, %add3A_257 : vector<16xf32>
          %div3A_259 = arith.divf %get3A_253, %add3A_258 : vector<16xf32>
          %add3A_260 = arith.addf %add3A_244, %div3A_259 : vector<16xf32>
          %get3A_261 = arith.index_cast %scan3A_225 : i32 to index
          %get3A_262 = arith.constant 160 : index
          %get3A_263 = tpu.vector_load %arg12[%get3A_261, %get3A_262] {strides = array<i32>} : memref<25x208xf32, #tpu.memory_space<vmem>>, vector<16xf32>,
          %get3A_264 = arith.index_cast %scan3A_225 : i32 to index
          %get3A_265 = arith.constant 160 : index
          %get3A_266 = tpu.vector_load %arg14[%get3A_264, %get3A_265] {strides = array<i32>} : memref<25x192xf32, #tpu.memory_space<vmem>>, vector<16xf32>,
          %get3A_267 = arith.index_cast %convert_element_type3A_229 : i32 to index
          %get3A_268 = arith.constant 160 : index
          %get3A_269 = tpu.vector_load %arg17[%get3A_267, %get3A_268] {strides = array<i32>} : memref<3x224xf32, #tpu.memory_space<vmem>>, vector<16xf32>,
          %mul3A_270 = arith.mulf %get3A_263, %get3A_266 : vector<16xf32>
          %exp3A_271 = math.exp %mul3A_270 : vector<16xf32>
          %add3A_272 = arith.constant 1.000000e+00 : f32
          %add3A_273 = vector.broadcast %add3A_272 : f32 to vector<16xf32>
          %add3A_274 = arith.addf %exp3A_271, %add3A_273 : vector<16xf32>
          %div3A_275 = arith.divf %get3A_269, %add3A_274 : vector<16xf32>
          %add3A_276 = arith.addf %add3A_260, %div3A_275 : vector<16xf32>
          %get3A_277 = arith.index_cast %scan3A_225 : i32 to index
          %get3A_278 = arith.constant 176 : index
          %get3A_279 = tpu.vector_load %arg12[%get3A_277, %get3A_278] {strides = array<i32>} : memref<25x208xf32, #tpu.memory_space<vmem>>, vector<16xf32>,
          %get3A_280 = arith.index_cast %scan3A_225 : i32 to index
          %get3A_281 = arith.constant 176 : index
          %get3A_282 = tpu.vector_load %arg14[%get3A_280, %get3A_281] {strides = array<i32>} : memref<25x192xf32, #tpu.memory_space<vmem>>, vector<16xf32>,
          %get3A_283 = arith.index_cast %convert_element_type3A_229 : i32 to index
          %get3A_284 = arith.constant 176 : index
          %get3A_285 = tpu.vector_load %arg17[%get3A_283, %get3A_284] {strides = array<i32>} : memref<3x224xf32, #tpu.memory_space<vmem>>, vector<16xf32>,
          %mul3A_286 = arith.mulf %get3A_279, %get3A_282 : vector<16xf32>
          %exp3A_287 = math.exp %mul3A_286 : vector<16xf32>
          %add3A_288 = arith.constant 1.000000e+00 : f32
          %add3A_289 = vector.broadcast %add3A_288 : f32 to vector<16xf32>
          %add3A_290 = arith.addf %exp3A_287, %add3A_289 : vector<16xf32>
          %div3A_291 = arith.divf %get3A_285, %add3A_290 : vector<16xf32>
          %add3A_292 = arith.addf %add3A_276, %div3A_291 : vector<16xf32>
          %get3A_293 = arith.index_cast %convert_element_type3A_229 : i32 to index
          %get3A_294 = arith.constant 208 : index
          %get3A_295 = tpu.vector_load %arg17[%get3A_293, %get3A_294] {strides = array<i32>} : memref<3x224xf32, #tpu.memory_space<vmem>>, vector<16xf32>,
          %rev3A = arith.constant 15 : i32
          %rev3A_296 = vector.broadcast %rev3A : i32 to vector<16xi32>
          %rev3A_297 = tpu.iota {dimensions = array<i32: 0>} : vector<16xi32>
          %rev3A_298 = arith.subi %rev3A_296, %rev3A_297 : vector<16xi32>
          %rev3A_299 = tpu.dynamic_gather %add3A_292[%rev3A_298] in [0] : vector<16xf32>, vector<16xi32> -> vector<16xf32>
          %add3A_300 = arith.addf %add3A_292, %rev3A_299 : vector<16xf32>
          %sub3A = arith.subf %get3A_295, %add3A_300 : vector<16xf32>
          %broadcast_in_dim3A_301 = arith.constant 0.000000e+00 : f32
          %broadcast_in_dim3A_302 = vector.broadcast %broadcast_in_dim3A_301 : f32 to vector<16xf32>
          %get3A_303 = arith.index_cast %scan3A_225 : i32 to index
          %get3A_304 = arith.constant 0 : index
          %get3A_305 = tpu.vector_load %arg12[%get3A_303, %get3A_304] {strides = array<i32>} : memref<25x208xf32, #tpu.memory_space<vmem>>, vector<16xf32>,
          %get3A_306 = arith.index_cast %scan3A_225 : i32 to index
          %get3A_307 = arith.constant 0 : index
          %get3A_308 = tpu.vector_load %arg14[%get3A_306, %get3A_307] {strides = array<i32>} : memref<25x192xf32, #tpu.memory_space<vmem>>, vector<16xf32>,
          %get3A_309 = arith.index_cast %convert_element_type3A_229 : i32 to index
          %get3A_310 = arith.constant 0 : index
          %get3A_311 = tpu.vector_load %arg17[%get3A_309, %get3A_310] {strides = array<i32>} : memref<3x224xf32, #tpu.memory_space<vmem>>, vector<16xf32>,
          %mul3A_312 = arith.mulf %get3A_305, %get3A_308 : vector<16xf32>
          %exp3A_313 = math.exp %mul3A_312 : vector<16xf32>
          %add3A_314 = arith.constant 1.000000e+00 : f32
          %add3A_315 = vector.broadcast %add3A_314 : f32 to vector<16xf32>
          %add3A_316 = arith.addf %exp3A_313, %add3A_315 : vector<16xf32>
          %div3A_317 = arith.divf %get3A_311, %add3A_316 : vector<16xf32>
          %add3A_318 = arith.addf %broadcast_in_dim3A_302, %div3A_317 : vector<16xf32>
          %get3A_319 = arith.index_cast %scan3A_225 : i32 to index
          %get3A_320 = arith.constant 16 : index
          %get3A_321 = tpu.vector_load %arg12[%get3A_319, %get3A_320] {strides = array<i32>} : memref<25x208xf32, #tpu.memory_space<vmem>>, vector<16xf32>,
          %get3A_322 = arith.index_cast %scan3A_225 : i32 to index
          %get3A_323 = arith.constant 16 : index
          %get3A_324 = tpu.vector_load %arg14[%get3A_322, %get3A_323] {strides = array<i32>} : memref<25x192xf32, #tpu.memory_space<vmem>>, vector<16xf32>,
          %get3A_325 = arith.index_cast %convert_element_type3A_229 : i32 to index
          %get3A_326 = arith.constant 16 : index
          %get3A_327 = tpu.vector_load %arg17[%get3A_325, %get3A_326] {strides = array<i32>} : memref<3x224xf32, #tpu.memory_space<vmem>>, vector<16xf32>,
          %mul3A_328 = arith.mulf %get3A_321, %get3A_324 : vector<16xf32>
          %exp3A_329 = math.exp %mul3A_328 : vector<16xf32>
          %add3A_330 = arith.constant 1.000000e+00 : f32
          %add3A_331 = vector.broadcast %add3A_330 : f32 to vector<16xf32>
          %add3A_332 = arith.addf %exp3A_329, %add3A_331 : vector<16xf32>
          %div3A_333 = arith.divf %get3A_327, %add3A_332 : vector<16xf32>
          %add3A_334 = arith.addf %add3A_318, %div3A_333 : vector<16xf32>
          %get3A_335 = arith.index_cast %scan3A_225 : i32 to index
          %get3A_336 = arith.constant 32 : index
          %get3A_337 = tpu.vector_load %arg12[%get3A_335, %get3A_336] {strides = array<i32>} : memref<25x208xf32, #tpu.memory_space<vmem>>, vector<16xf32>,
          %get3A_338 = arith.index_cast %scan3A_225 : i32 to index
          %get3A_339 = arith.constant 32 : index
          %get3A_340 = tpu.vector_load %arg14[%get3A_338, %get3A_339] {strides = array<i32>} : memref<25x192xf32, #tpu.memory_space<vmem>>, vector<16xf32>,
          %get3A_341 = arith.index_cast %convert_element_type3A_229 : i32 to index
          %get3A_342 = arith.constant 32 : index
          %get3A_343 = tpu.vector_load %arg17[%get3A_341, %get3A_342] {strides = array<i32>} : memref<3x224xf32, #tpu.memory_space<vmem>>, vector<16xf32>,
          %mul3A_344 = arith.mulf %get3A_337, %get3A_340 : vector<16xf32>
          %exp3A_345 = math.exp %mul3A_344 : vector<16xf32>
          %add3A_346 = arith.constant 1.000000e+00 : f32
          %add3A_347 = vector.broadcast %add3A_346 : f32 to vector<16xf32>
          %add3A_348 = arith.addf %exp3A_345, %add3A_347 : vector<16xf32>
          %div3A_349 = arith.divf %get3A_343, %add3A_348 : vector<16xf32>
          %add3A_350 = arith.addf %add3A_334, %div3A_349 : vector<16xf32>
          %get3A_351 = arith.index_cast %scan3A_225 : i32 to index
          %get3A_352 = arith.constant 48 : index
          %get3A_353 = tpu.vector_load %arg12[%get3A_351, %get3A_352] {strides = array<i32>} : memref<25x208xf32, #tpu.memory_space<vmem>>, vector<16xf32>,
          %get3A_354 = arith.index_cast %scan3A_225 : i32 to index
          %get3A_355 = arith.constant 48 : index
          %get3A_356 = tpu.vector_load %arg14[%get3A_354, %get3A_355] {strides = array<i32>} : memref<25x192xf32, #tpu.memory_space<vmem>>, vector<16xf32>,
          %get3A_357 = arith.index_cast %convert_element_type3A_229 : i32 to index
          %get3A_358 = arith.constant 48 : index
          %get3A_359 = tpu.vector_load %arg17[%get3A_357, %get3A_358] {strides = array<i32>} : memref<3x224xf32, #tpu.memory_space<vmem>>, vector<16xf32>,
          %mul3A_360 = arith.mulf %get3A_353, %get3A_356 : vector<16xf32>
          %exp3A_361 = math.exp %mul3A_360 : vector<16xf32>
          %add3A_362 = arith.constant 1.000000e+00 : f32
          %add3A_363 = vector.broadcast %add3A_362 : f32 to vector<16xf32>
          %add3A_364 = arith.addf %exp3A_361, %add3A_363 : vector<16xf32>
          %div3A_365 = arith.divf %get3A_359, %add3A_364 : vector<16xf32>
          %add3A_366 = arith.addf %add3A_350, %div3A_365 : vector<16xf32>
          %get3A_367 = arith.index_cast %scan3A_225 : i32 to index
          %get3A_368 = arith.constant 64 : index
          %get3A_369 = tpu.vector_load %arg12[%get3A_367, %get3A_368] {strides = array<i32>} : memref<25x208xf32, #tpu.memory_space<vmem>>, vector<16xf32>,
          %get3A_370 = arith.index_cast %scan3A_225 : i32 to index
          %get3A_371 = arith.constant 64 : index
          %get3A_372 = tpu.vector_load %arg14[%get3A_370, %get3A_371] {strides = array<i32>} : memref<25x192xf32, #tpu.memory_space<vmem>>, vector<16xf32>,
          %get3A_373 = arith.index_cast %convert_element_type3A_229 : i32 to index
          %get3A_374 = arith.constant 64 : index
          %get3A_375 = tpu.vector_load %arg17[%get3A_373, %get3A_374] {strides = array<i32>} : memref<3x224xf32, #tpu.memory_space<vmem>>, vector<16xf32>,
          %mul3A_376 = arith.mulf %get3A_369, %get3A_372 : vector<16xf32>
          %exp3A_377 = math.exp %mul3A_376 : vector<16xf32>
          %add3A_378 = arith.constant 1.000000e+00 : f32
          %add3A_379 = vector.broadcast %add3A_378 : f32 to vector<16xf32>
          %add3A_380 = arith.addf %exp3A_377, %add3A_379 : vector<16xf32>
          %div3A_381 = arith.divf %get3A_375, %add3A_380 : vector<16xf32>
          %add3A_382 = arith.addf %add3A_366, %div3A_381 : vector<16xf32>
          %get3A_383 = arith.index_cast %scan3A_225 : i32 to index
          %get3A_384 = arith.constant 80 : index
          %get3A_385 = tpu.vector_load %arg12[%get3A_383, %get3A_384] {strides = array<i32>} : memref<25x208xf32, #tpu.memory_space<vmem>>, vector<16xf32>,
          %get3A_386 = arith.index_cast %scan3A_225 : i32 to index
          %get3A_387 = arith.constant 80 : index
          %get3A_388 = tpu.vector_load %arg14[%get3A_386, %get3A_387] {strides = array<i32>} : memref<25x192xf32, #tpu.memory_space<vmem>>, vector<16xf32>,
          %get3A_389 = arith.index_cast %convert_element_type3A_229 : i32 to index
          %get3A_390 = arith.constant 80 : index
          %get3A_391 = tpu.vector_load %arg17[%get3A_389, %get3A_390] {strides = array<i32>} : memref<3x224xf32, #tpu.memory_space<vmem>>, vector<16xf32>,
          %mul3A_392 = arith.mulf %get3A_385, %get3A_388 : vector<16xf32>
          %exp3A_393 = math.exp %mul3A_392 : vector<16xf32>
          %add3A_394 = arith.constant 1.000000e+00 : f32
          %add3A_395 = vector.broadcast %add3A_394 : f32 to vector<16xf32>
          %add3A_396 = arith.addf %exp3A_393, %add3A_395 : vector<16xf32>
          %div3A_397 = arith.divf %get3A_391, %add3A_396 : vector<16xf32>
          %add3A_398 = arith.addf %add3A_382, %div3A_397 : vector<16xf32>
          %get3A_399 = arith.index_cast %scan3A_225 : i32 to index
          %get3A_400 = arith.constant 96 : index
          %get3A_401 = tpu.vector_load %arg12[%get3A_399, %get3A_400] {strides = array<i32>} : memref<25x208xf32, #tpu.memory_space<vmem>>, vector<16xf32>,
          %get3A_402 = arith.index_cast %scan3A_225 : i32 to index
          %get3A_403 = arith.constant 96 : index
          %get3A_404 = tpu.vector_load %arg14[%get3A_402, %get3A_403] {strides = array<i32>} : memref<25x192xf32, #tpu.memory_space<vmem>>, vector<16xf32>,
          %get3A_405 = arith.index_cast %convert_element_type3A_229 : i32 to index
          %get3A_406 = arith.constant 96 : index
          %get3A_407 = tpu.vector_load %arg17[%get3A_405, %get3A_406] {strides = array<i32>} : memref<3x224xf32, #tpu.memory_space<vmem>>, vector<16xf32>,
          %mul3A_408 = arith.mulf %get3A_401, %get3A_404 : vector<16xf32>
          %exp3A_409 = math.exp %mul3A_408 : vector<16xf32>
          %add3A_410 = arith.constant 1.000000e+00 : f32
          %add3A_411 = vector.broadcast %add3A_410 : f32 to vector<16xf32>
          %add3A_412 = arith.addf %exp3A_409, %add3A_411 : vector<16xf32>
          %div3A_413 = arith.divf %get3A_407, %add3A_412 : vector<16xf32>
          %add3A_414 = arith.addf %add3A_398, %div3A_413 : vector<16xf32>
          %get3A_415 = arith.index_cast %scan3A_225 : i32 to index
          %get3A_416 = arith.constant 112 : index
          %get3A_417 = tpu.vector_load %arg12[%get3A_415, %get3A_416] {strides = array<i32>} : memref<25x208xf32, #tpu.memory_space<vmem>>, vector<16xf32>,
          %get3A_418 = arith.index_cast %scan3A_225 : i32 to index
          %get3A_419 = arith.constant 112 : index
          %get3A_420 = tpu.vector_load %arg14[%get3A_418, %get3A_419] {strides = array<i32>} : memref<25x192xf32, #tpu.memory_space<vmem>>, vector<16xf32>,
          %get3A_421 = arith.index_cast %convert_element_type3A_229 : i32 to index
          %get3A_422 = arith.constant 112 : index
          %get3A_423 = tpu.vector_load %arg17[%get3A_421, %get3A_422] {strides = array<i32>} : memref<3x224xf32, #tpu.memory_space<vmem>>, vector<16xf32>,
          %mul3A_424 = arith.mulf %get3A_417, %get3A_420 : vector<16xf32>
          %exp3A_425 = math.exp %mul3A_424 : vector<16xf32>
          %add3A_426 = arith.constant 1.000000e+00 : f32
          %add3A_427 = vector.broadcast %add3A_426 : f32 to vector<16xf32>
          %add3A_428 = arith.addf %exp3A_425, %add3A_427 : vector<16xf32>
          %div3A_429 = arith.divf %get3A_423, %add3A_428 : vector<16xf32>
          %add3A_430 = arith.addf %add3A_414, %div3A_429 : vector<16xf32>
          %get3A_431 = arith.index_cast %convert_element_type3A_229 : i32 to index
          %get3A_432 = arith.constant 192 : index
          %get3A_433 = tpu.vector_load %arg17[%get3A_431, %get3A_432] {strides = array<i32>} : memref<3x224xf32, #tpu.memory_space<vmem>>, vector<16xf32>,
          %rev3A_434 = arith.constant 15 : i32
          %rev3A_435 = vector.broadcast %rev3A_434 : i32 to vector<16xi32>
          %rev3A_436 = tpu.iota {dimensions = array<i32: 0>} : vector<16xi32>
          %rev3A_437 = arith.subi %rev3A_435, %rev3A_436 : vector<16xi32>
          %rev3A_438 = tpu.dynamic_gather %add3A_430[%rev3A_437] in [0] : vector<16xf32>, vector<16xi32> -> vector<16xf32>
          %add3A_439 = arith.addf %add3A_430, %rev3A_438 : vector<16xf32>
          %sub3A_440 = arith.subf %get3A_433, %add3A_439 : vector<16xf32>
          %mul3A_441 = arith.mulf %sub3A_440, %sub3A : vector<16xf32>
          %jit3A = arith.constant -6.000000e+01 : f32
          %jit3A_442 = arith.constant 6.000000e+01 : f32
          %max3A = vector.broadcast %jit3A : f32 to vector<16xf32>
          %max3A_443 = arith.maximumf %max3A, %mul3A_441 : vector<16xf32>
          %min3A = vector.broadcast %jit3A_442 : f32 to vector<16xf32>
          %min3A_444 = arith.minimumf %min3A, %max3A_443 : vector<16xf32>
          %exp3A_445 = math.exp %min3A_444 : vector<16xf32>
          %jit3A_446 = arith.constant 0.000000e+00 : f32
          %broadcast_in_dim3A_447 = vector.broadcast %jit3A_446 : f32 to vector<16xf32>
          %select_n3A = arith.select %lt3A_4, %exp3A_445, %broadcast_in_dim3A_447 : vector<16xi1>, vector<16xf32>
          %rev3A_448 = arith.constant 15 : i32
          %rev3A_449 = vector.broadcast %rev3A_448 : i32 to vector<16xi32>
          %rev3A_450 = tpu.iota {dimensions = array<i32: 0>} : vector<16xi32>
          %rev3A_451 = arith.subi %rev3A_449, %rev3A_450 : vector<16xi32>
          %rev3A_452 = tpu.dynamic_gather %select_n3A[%rev3A_451] in [0] : vector<16xf32>, vector<16xi32> -> vector<16xf32>
          %add3A_453 = arith.addf %select_n3A, %rev3A_452 : vector<16xf32>
          %mul3A_454 = arith.mulf %get3A_308, %add3A_453 : vector<16xf32>
          %swap3A = arith.index_cast %scan3A_225 : i32 to index
          %swap3A_455 = arith.constant 0 : index
          %swap3A_456 = tpu.vector_load %arg16[%swap3A, %swap3A_455] {strides = array<i32>} : memref<25x144xf32, #tpu.memory_space<vmem>>, vector<16xf32>,
          tpu.vector_store %arg16[%swap3A, %swap3A_455], %mul3A_454 {strides = array<i32>} : memref<25x144xf32, #tpu.memory_space<vmem>>, vector<16xf32>,
          %mul3A_457 = arith.mulf %get3A_324, %add3A_453 : vector<16xf32>
          %swap3A_458 = arith.index_cast %scan3A_225 : i32 to index
          %swap3A_459 = arith.constant 16 : index
          %swap3A_460 = tpu.vector_load %arg16[%swap3A_458, %swap3A_459] {strides = array<i32>} : memref<25x144xf32, #tpu.memory_space<vmem>>, vector<16xf32>,
          tpu.vector_store %arg16[%swap3A_458, %swap3A_459], %mul3A_457 {strides = array<i32>} : memref<25x144xf32, #tpu.memory_space<vmem>>, vector<16xf32>,
          %mul3A_461 = arith.mulf %get3A_340, %add3A_453 : vector<16xf32>
          %swap3A_462 = arith.index_cast %scan3A_225 : i32 to index
          %swap3A_463 = arith.constant 32 : index
          %swap3A_464 = tpu.vector_load %arg16[%swap3A_462, %swap3A_463] {strides = array<i32>} : memref<25x144xf32, #tpu.memory_space<vmem>>, vector<16xf32>,
          tpu.vector_store %arg16[%swap3A_462, %swap3A_463], %mul3A_461 {strides = array<i32>} : memref<25x144xf32, #tpu.memory_space<vmem>>, vector<16xf32>,
          %mul3A_465 = arith.mulf %get3A_356, %add3A_453 : vector<16xf32>
          %swap3A_466 = arith.index_cast %scan3A_225 : i32 to index
          %swap3A_467 = arith.constant 48 : index
          %swap3A_468 = tpu.vector_load %arg16[%swap3A_466, %swap3A_467] {strides = array<i32>} : memref<25x144xf32, #tpu.memory_space<vmem>>, vector<16xf32>,
          tpu.vector_store %arg16[%swap3A_466, %swap3A_467], %mul3A_465 {strides = array<i32>} : memref<25x144xf32, #tpu.memory_space<vmem>>, vector<16xf32>,
          %mul3A_469 = arith.mulf %get3A_372, %add3A_453 : vector<16xf32>
          %swap3A_470 = arith.index_cast %scan3A_225 : i32 to index
          %swap3A_471 = arith.constant 64 : index
          %swap3A_472 = tpu.vector_load %arg16[%swap3A_470, %swap3A_471] {strides = array<i32>} : memref<25x144xf32, #tpu.memory_space<vmem>>, vector<16xf32>,
          tpu.vector_store %arg16[%swap3A_470, %swap3A_471], %mul3A_469 {strides = array<i32>} : memref<25x144xf32, #tpu.memory_space<vmem>>, vector<16xf32>,
          %mul3A_473 = arith.mulf %get3A_388, %add3A_453 : vector<16xf32>
          %swap3A_474 = arith.index_cast %scan3A_225 : i32 to index
          %swap3A_475 = arith.constant 80 : index
          %swap3A_476 = tpu.vector_load %arg16[%swap3A_474, %swap3A_475] {strides = array<i32>} : memref<25x144xf32, #tpu.memory_space<vmem>>, vector<16xf32>,
          tpu.vector_store %arg16[%swap3A_474, %swap3A_475], %mul3A_473 {strides = array<i32>} : memref<25x144xf32, #tpu.memory_space<vmem>>, vector<16xf32>,
          %mul3A_477 = arith.mulf %get3A_404, %add3A_453 : vector<16xf32>
          %swap3A_478 = arith.index_cast %scan3A_225 : i32 to index
          %swap3A_479 = arith.constant 96 : index
          %swap3A_480 = tpu.vector_load %arg16[%swap3A_478, %swap3A_479] {strides = array<i32>} : memref<25x144xf32, #tpu.memory_space<vmem>>, vector<16xf32>,
          tpu.vector_store %arg16[%swap3A_478, %swap3A_479], %mul3A_477 {strides = array<i32>} : memref<25x144xf32, #tpu.memory_space<vmem>>, vector<16xf32>,
          %mul3A_481 = arith.mulf %get3A_420, %add3A_453 : vector<16xf32>
          %swap3A_482 = arith.index_cast %scan3A_225 : i32 to index
          %swap3A_483 = arith.constant 112 : index
          %swap3A_484 = tpu.vector_load %arg16[%swap3A_482, %swap3A_483] {strides = array<i32>} : memref<25x144xf32, #tpu.memory_space<vmem>>, vector<16xf32>,
          tpu.vector_store %arg16[%swap3A_482, %swap3A_483], %mul3A_481 {strides = array<i32>} : memref<25x144xf32, #tpu.memory_space<vmem>>, vector<16xf32>,
          %swap3A_485 = arith.index_cast %scan3A_225 : i32 to index
          %swap3A_486 = arith.constant 128 : index
          %swap3A_487 = tpu.vector_load %arg16[%swap3A_485, %swap3A_486] {strides = array<i32>} : memref<25x144xf32, #tpu.memory_space<vmem>>, vector<16xf32>,
          tpu.vector_store %arg16[%swap3A_485, %swap3A_486], %select_n3A {strides = array<i32>} : memref<25x144xf32, #tpu.memory_space<vmem>>, vector<16xf32>,
          %scan3A_488 = arith.constant 0 : i32
          scf.yield %scan3A_488 : i32
        }
        %scan3A_215 = arith.constant 25 : i32
        %add3A_216 = arith.constant 1 : i32
        %add3A_217 = arith.addi %mul3A_140, %add3A_216 : i32
        %dma_start3A_218 = arith.constant 0 : i32
        %dma_start3A_219 = tpu.memref_slice %arg9[%add3A_217, %dma_start3A_218] : memref<20x25xi32, #tpu.memory_space<vmem>> -> memref<1x25xi32, #tpu.memory_space<vmem>>
        %dma_start3A_220 = tpu.memref_squeeze %dma_start3A_219 : memref<1x25xi32, #tpu.memory_space<vmem>> -> memref<25xi32, #tpu.memory_space<vmem>>
        %dma_start3A_221 = arith.constant 0 : i32
        %dma_start3A_222 = arith.constant 0 : i32
        %dma_start3A_223 = tpu.memref_slice %arg18[%dma_start3A_221, %dma_start3A_222] : memref<10000x144xf32, #tpu.memory_space<vmem_shared>> -> memref<10000x144xf32, #tpu.memory_space<vmem_shared>>
        tpu.enqueue_indirect_dma source(%arg16 : memref<25x144xf32, #tpu.memory_space<vmem>>) target(%dma_start3A_223 : memref<10000x144xf32, #tpu.memory_space<vmem_shared>>) offsets(%dma_start3A_220 : memref<25xi32, #tpu.memory_space<vmem>>) semaphore(%arg22 : memref<!tpu.dma_semaphore, #tpu.memory_space<semaphore_mem>>) {add = true}
        %scan3A_224 = arith.constant 0 : i32
        scf.yield %scan3A_224 : i32
      }
      %scan3A_135 = arith.constant 9 : i32
      %scan3A_136 = arith.constant 0 : i32
      scf.yield %scan3A_136 : i32
    }
    %scan3A_10 = arith.constant 20 : i32
    %dma_wait3A = arith.constant 0 : i32
    %dma_wait3A_11 = arith.constant 0 : i32
    %dma_wait3A_12 = tpu.memref_slice %arg18[%dma_wait3A, %dma_wait3A_11] : memref<10000x144xf32, #tpu.memory_space<vmem_shared>> -> memref<25x144xf32, #tpu.memory_space<vmem_shared>>
    %dma_wait3A_13 = arith.constant 0 : i32
    %dma_wait3A_14 = arith.constant 0 : i32
    %dma_wait3A_15 = tpu.memref_slice %arg18[%dma_wait3A_13, %dma_wait3A_14] : memref<10000x144xf32, #tpu.memory_space<vmem_shared>> -> memref<25x144xf32, #tpu.memory_space<vmem_shared>>
    tpu.wait_dma2 semaphore(%arg21 : memref<!tpu.dma_semaphore, #tpu.memory_space<semaphore_mem>>) src(%arg15 : memref<25x144xf32, #tpu.memory_space<vmem>>) dst(%dma_wait3A_15 : memref<25x144xf32, #tpu.memory_space<vmem_shared>>)
    %dma_wait3A_16 = arith.constant 0 : i32
    %dma_wait3A_17 = arith.constant 0 : i32
    %dma_wait3A_18 = tpu.memref_slice %arg18[%dma_wait3A_16, %dma_wait3A_17] : memref<10000x144xf32, #tpu.memory_space<vmem_shared>> -> memref<25x144xf32, #tpu.memory_space<vmem_shared>>
    %dma_wait3A_19 = arith.constant 0 : i32
    %dma_wait3A_20 = arith.constant 0 : i32
    %dma_wait3A_21 = tpu.memref_slice %arg18[%dma_wait3A_19, %dma_wait3A_20] : memref<10000x144xf32, #tpu.memory_space<vmem_shared>> -> memref<25x144xf32, #tpu.memory_space<vmem_shared>>
    tpu.wait_dma2 semaphore(%arg22 : memref<!tpu.dma_semaphore, #tpu.memory_space<semaphore_mem>>) src(%arg16 : memref<25x144xf32, #tpu.memory_space<vmem>>) dst(%dma_wait3A_21 : memref<25x144xf32, #tpu.memory_space<vmem_shared>>)
    %barrier3A_22 = arith.constant 0 : index
    tpu.barrier barrier_id(%barrier3A_22)
    %mul3A_23 = arith.constant 625 : i32
    %mul3A_24 = arith.muli %arg1, %mul3A_23 : i32
    %mul3A_25 = arith.constant 625 : i32
    %mul3A_26 = arith.muli %arg1, %mul3A_25 : i32
    "tpu.region"() ({
      %run_scoped3A = tpu.sem_alloc : memref<!tpu.dma_semaphore, #tpu.memory_space<semaphore_mem>>
      %dma_start3A = arith.constant 0 : i32
      %dma_start3A_27 = tpu.memref_slice %arg8[%arg0, %mul3A_26, %dma_start3A] : memref<2x10000x144xf32, #tpu.memory_space<hbm>> -> memref<1x625x144xf32, #tpu.memory_space<hbm>>
      %dma_start3A_28 = tpu.memref_squeeze %dma_start3A_27 : memref<1x625x144xf32, #tpu.memory_space<hbm>> -> memref<625x144xf32, #tpu.memory_space<hbm>>
      %dma_start3A_29 = arith.constant 0 : i32
      %dma_start3A_30 = tpu.memref_slice %arg18[%mul3A_24, %dma_start3A_29] : memref<10000x144xf32, #tpu.memory_space<vmem_shared>> -> memref<625x144xf32, #tpu.memory_space<vmem_shared>>
      tpu.enqueue_dma source(%dma_start3A_30 : memref<625x144xf32, #tpu.memory_space<vmem_shared>>) target(%dma_start3A_28 : memref<625x144xf32, #tpu.memory_space<hbm>>) target_semaphore(%run_scoped3A : memref<!tpu.dma_semaphore, #tpu.memory_space<semaphore_mem>>)
      %dma_wait3A_31 = arith.constant 0 : i32
      %dma_wait3A_32 = tpu.memref_slice %arg8[%arg0, %mul3A_26, %dma_wait3A_31] : memref<2x10000x144xf32, #tpu.memory_space<hbm>> -> memref<1x625x144xf32, #tpu.memory_space<hbm>>
      %dma_wait3A_33 = tpu.memref_squeeze %dma_wait3A_32 : memref<1x625x144xf32, #tpu.memory_space<hbm>> -> memref<625x144xf32, #tpu.memory_space<hbm>>
      %dma_wait3A_34 = arith.constant 0 : i32
      %dma_wait3A_35 = tpu.memref_slice %arg18[%mul3A_24, %dma_wait3A_34] : memref<10000x144xf32, #tpu.memory_space<vmem_shared>> -> memref<625x144xf32, #tpu.memory_space<vmem_shared>>
      tpu.wait_dma2 semaphore(%run_scoped3A : memref<!tpu.dma_semaphore, #tpu.memory_space<semaphore_mem>>) src(%dma_wait3A_35 : memref<625x144xf32, #tpu.memory_space<vmem_shared>>) dst(%dma_wait3A_33 : memref<625x144xf32, #tpu.memory_space<hbm>>)
      tpu.yield
    }) : () -> ()
    return
  }
}

module attributes {stable_mosaic.version = 14 : i64} {
  func.func @_tables_body(%arg0: i32, %arg1: memref<400x128xf32, #tpu.memory_space<vmem>>, %arg2: memref<400x3xf32, #tpu.memory_space<vmem>>, %arg3: memref<400x8xf32, #tpu.memory_space<vmem>>, %arg4: memref<3x128x128xf32, #tpu.memory_space<vmem>>, %arg5: memref<3x128xf32, #tpu.memory_space<vmem>>, %arg6: memref<3x128x128xf32, #tpu.memory_space<vmem>>, %arg7: memref<3x128xf32, #tpu.memory_space<vmem>>, %arg8: memref<8x64xf32, #tpu.memory_space<vmem>>, %arg9: memref<1x64xf32, #tpu.memory_space<vmem>>, %arg10: memref<8x64xf32, #tpu.memory_space<vmem>>, %arg11: memref<1x64xf32, #tpu.memory_space<vmem>>, %arg12: memref<400x208xf32, #tpu.memory_space<vmem>>, %arg13: memref<400x192xf32, #tpu.memory_space<vmem>>) attributes {dimension_semantics = [#tpu.dimension_semantics<arbitrary>], iteration_bounds = array<i64: 25>, scalar_prefetch = 0 : i64, scratch_operands = 0 : i64, tpu.core_type = #tpu.core_type<tc>, window_params = [{transform_indices = @transform_0, window_bounds = array<i64: 400, 128>}, {transform_indices = @transform_1, window_bounds = array<i64: 400, 3>}, {transform_indices = @transform_2, window_bounds = array<i64: 400, 8>}, {pipeline_mode = #tpu.pipeline_mode<synchronous>, transform_indices = @transform_3, window_bounds = array<i64: 3, 128, 128>}, {pipeline_mode = #tpu.pipeline_mode<synchronous>, transform_indices = @transform_4, window_bounds = array<i64: 3, 128>}, {pipeline_mode = #tpu.pipeline_mode<synchronous>, transform_indices = @transform_5, window_bounds = array<i64: 3, 128, 128>}, {pipeline_mode = #tpu.pipeline_mode<synchronous>, transform_indices = @transform_6, window_bounds = array<i64: 3, 128>}, {pipeline_mode = #tpu.pipeline_mode<synchronous>, transform_indices = @transform_7, window_bounds = array<i64: 8, 64>}, {pipeline_mode = #tpu.pipeline_mode<synchronous>, transform_indices = @transform_8, window_bounds = array<i64: 1, 64>}, {pipeline_mode = #tpu.pipeline_mode<synchronous>, transform_indices = @transform_9, window_bounds = array<i64: 8, 64>}, {pipeline_mode = #tpu.pipeline_mode<synchronous>, transform_indices = @transform_10, window_bounds = array<i64: 1, 64>}, {transform_indices = @transform_11, window_bounds = array<i64: 400, 208>}, {transform_indices = @transform_12, window_bounds = array<i64: 400, 192>}]} {
    %get3A = arith.constant 0 : index
    %get3A_0 = arith.constant 0 : index
    %get3A_1 = vector.load %arg1[%get3A, %get3A_0] : memref<400x128xf32, #tpu.memory_space<vmem>>, vector<400x128xf32>
    %get3A_2 = arith.constant 0 : index
    %get3A_3 = arith.constant 0 : index
    %get3A_4 = vector.load %arg2[%get3A_2, %get3A_3] : memref<400x3xf32, #tpu.memory_space<vmem>>, vector<400x3xf32>
    %get3A_5 = arith.constant 0 : index
    %get3A_6 = arith.constant 0 : index
    %get3A_7 = vector.load %arg5[%get3A_5, %get3A_6] : memref<3x128xf32, #tpu.memory_space<vmem>>, vector<3x128xf32>
    %dot_general3A = arith.constant dense<0.000000e+00> : vector<400x128xf32>
    %dot_general3A_8 = tpu.matmul %get3A_4, %get3A_7, %dot_general3A {dimension_numbers = #tpu.dot_dimension_numbers<[1], [0], [0], [1], [0, 0, 1, 1], [], []>, transpose_lhs_hint = false} : vector<400x3xf32>, vector<3x128xf32>, vector<400x128xf32> -> vector<400x128xf32>
    %get3A_9 = arith.constant 0 : index
    %get3A_10 = arith.constant 0 : index
    %get3A_11 = vector.load %arg7[%get3A_9, %get3A_10] : memref<3x128xf32, #tpu.memory_space<vmem>>, vector<3x128xf32>
    %dot_general3A_12 = arith.constant dense<0.000000e+00> : vector<400x128xf32>
    %dot_general3A_13 = tpu.matmul %get3A_4, %get3A_11, %dot_general3A_12 {dimension_numbers = #tpu.dot_dimension_numbers<[1], [0], [0], [1], [0, 0, 1, 1], [], []>, transpose_lhs_hint = false} : vector<400x3xf32>, vector<3x128xf32>, vector<400x128xf32> -> vector<400x128xf32>
    %slice3A = vector.extract_strided_slice %get3A_4 {offsets = [0, 0], sizes = [400, 1], strides = [1, 1]} : vector<400x3xf32> to vector<400x1xf32>
    %squeeze3A = vector.shape_cast %slice3A : vector<400x1xf32> to vector<400xf32>
    %broadcast_in_dim3A = vector.shape_cast %squeeze3A : vector<400xf32> to vector<400x1xf32>
    %mul3A = vector.broadcast %broadcast_in_dim3A : vector<400x1xf32> to vector<400x128xf32>
    %mul3A_14 = arith.mulf %get3A_1, %mul3A : vector<400x128xf32>
    %get3A_15 = arith.constant 0 : index
    %get3A_16 = arith.constant 0 : index
    %get3A_17 = arith.constant 0 : index
    %get3A_18 = vector.load %arg4[%get3A_15, %get3A_16, %get3A_17] : memref<3x128x128xf32, #tpu.memory_space<vmem>>, vector<1x128x128xf32>
    %get3A_19 = vector.shape_cast %get3A_18 : vector<1x128x128xf32> to vector<128x128xf32>
    %dot_general3A_20 = arith.constant dense<0.000000e+00> : vector<400x128xf32>
    %dot_general3A_21 = tpu.matmul %mul3A_14, %get3A_19, %dot_general3A_20 {dimension_numbers = #tpu.dot_dimension_numbers<[1], [0], [0], [1], [0, 0, 1, 1], [], []>, transpose_lhs_hint = false} : vector<400x128xf32>, vector<128x128xf32>, vector<400x128xf32> -> vector<400x128xf32>
    %add3A = arith.addf %dot_general3A_8, %dot_general3A_21 : vector<400x128xf32>
    %get3A_22 = arith.constant 0 : index
    %get3A_23 = arith.constant 0 : index
    %get3A_24 = arith.constant 0 : index
    %get3A_25 = vector.load %arg6[%get3A_22, %get3A_23, %get3A_24] : memref<3x128x128xf32, #tpu.memory_space<vmem>>, vector<1x128x128xf32>
    %get3A_26 = vector.shape_cast %get3A_25 : vector<1x128x128xf32> to vector<128x128xf32>
    %dot_general3A_27 = arith.constant dense<0.000000e+00> : vector<400x128xf32>
    %dot_general3A_28 = tpu.matmul %mul3A_14, %get3A_26, %dot_general3A_27 {dimension_numbers = #tpu.dot_dimension_numbers<[1], [0], [0], [1], [0, 0, 1, 1], [], []>, transpose_lhs_hint = false} : vector<400x128xf32>, vector<128x128xf32>, vector<400x128xf32> -> vector<400x128xf32>
    %add3A_29 = arith.addf %dot_general3A_13, %dot_general3A_28 : vector<400x128xf32>
    %slice3A_30 = vector.extract_strided_slice %get3A_4 {offsets = [0, 1], sizes = [400, 1], strides = [1, 1]} : vector<400x3xf32> to vector<400x1xf32>
    %squeeze3A_31 = vector.shape_cast %slice3A_30 : vector<400x1xf32> to vector<400xf32>
    %broadcast_in_dim3A_32 = vector.shape_cast %squeeze3A_31 : vector<400xf32> to vector<400x1xf32>
    %mul3A_33 = vector.broadcast %broadcast_in_dim3A_32 : vector<400x1xf32> to vector<400x128xf32>
    %mul3A_34 = arith.mulf %get3A_1, %mul3A_33 : vector<400x128xf32>
    %get3A_35 = arith.constant 1 : index
    %get3A_36 = arith.constant 0 : index
    %get3A_37 = arith.constant 0 : index
    %get3A_38 = vector.load %arg4[%get3A_35, %get3A_36, %get3A_37] : memref<3x128x128xf32, #tpu.memory_space<vmem>>, vector<1x128x128xf32>
    %get3A_39 = vector.shape_cast %get3A_38 : vector<1x128x128xf32> to vector<128x128xf32>
    %dot_general3A_40 = arith.constant dense<0.000000e+00> : vector<400x128xf32>
    %dot_general3A_41 = tpu.matmul %mul3A_34, %get3A_39, %dot_general3A_40 {dimension_numbers = #tpu.dot_dimension_numbers<[1], [0], [0], [1], [0, 0, 1, 1], [], []>, transpose_lhs_hint = false} : vector<400x128xf32>, vector<128x128xf32>, vector<400x128xf32> -> vector<400x128xf32>
    %add3A_42 = arith.addf %add3A, %dot_general3A_41 : vector<400x128xf32>
    %get3A_43 = arith.constant 1 : index
    %get3A_44 = arith.constant 0 : index
    %get3A_45 = arith.constant 0 : index
    %get3A_46 = vector.load %arg6[%get3A_43, %get3A_44, %get3A_45] : memref<3x128x128xf32, #tpu.memory_space<vmem>>, vector<1x128x128xf32>
    %get3A_47 = vector.shape_cast %get3A_46 : vector<1x128x128xf32> to vector<128x128xf32>
    %dot_general3A_48 = arith.constant dense<0.000000e+00> : vector<400x128xf32>
    %dot_general3A_49 = tpu.matmul %mul3A_34, %get3A_47, %dot_general3A_48 {dimension_numbers = #tpu.dot_dimension_numbers<[1], [0], [0], [1], [0, 0, 1, 1], [], []>, transpose_lhs_hint = false} : vector<400x128xf32>, vector<128x128xf32>, vector<400x128xf32> -> vector<400x128xf32>
    %add3A_50 = arith.addf %add3A_29, %dot_general3A_49 : vector<400x128xf32>
    %slice3A_51 = vector.extract_strided_slice %get3A_4 {offsets = [0, 2], sizes = [400, 1], strides = [1, 1]} : vector<400x3xf32> to vector<400x1xf32>
    %squeeze3A_52 = vector.shape_cast %slice3A_51 : vector<400x1xf32> to vector<400xf32>
    %broadcast_in_dim3A_53 = vector.shape_cast %squeeze3A_52 : vector<400xf32> to vector<400x1xf32>
    %mul3A_54 = vector.broadcast %broadcast_in_dim3A_53 : vector<400x1xf32> to vector<400x128xf32>
    %mul3A_55 = arith.mulf %get3A_1, %mul3A_54 : vector<400x128xf32>
    %get3A_56 = arith.constant 2 : index
    %get3A_57 = arith.constant 0 : index
    %get3A_58 = arith.constant 0 : index
    %get3A_59 = vector.load %arg4[%get3A_56, %get3A_57, %get3A_58] : memref<3x128x128xf32, #tpu.memory_space<vmem>>, vector<1x128x128xf32>
    %get3A_60 = vector.shape_cast %get3A_59 : vector<1x128x128xf32> to vector<128x128xf32>
    %dot_general3A_61 = arith.constant dense<0.000000e+00> : vector<400x128xf32>
    %dot_general3A_62 = tpu.matmul %mul3A_55, %get3A_60, %dot_general3A_61 {dimension_numbers = #tpu.dot_dimension_numbers<[1], [0], [0], [1], [0, 0, 1, 1], [], []>, transpose_lhs_hint = false} : vector<400x128xf32>, vector<128x128xf32>, vector<400x128xf32> -> vector<400x128xf32>
    %add3A_63 = arith.addf %add3A_42, %dot_general3A_62 : vector<400x128xf32>
    %get3A_64 = arith.constant 2 : index
    %get3A_65 = arith.constant 0 : index
    %get3A_66 = arith.constant 0 : index
    %get3A_67 = vector.load %arg6[%get3A_64, %get3A_65, %get3A_66] : memref<3x128x128xf32, #tpu.memory_space<vmem>>, vector<1x128x128xf32>
    %get3A_68 = vector.shape_cast %get3A_67 : vector<1x128x128xf32> to vector<128x128xf32>
    %dot_general3A_69 = arith.constant dense<0.000000e+00> : vector<400x128xf32>
    %dot_general3A_70 = tpu.matmul %mul3A_55, %get3A_68, %dot_general3A_69 {dimension_numbers = #tpu.dot_dimension_numbers<[1], [0], [0], [1], [0, 0, 1, 1], [], []>, transpose_lhs_hint = false} : vector<400x128xf32>, vector<128x128xf32>, vector<400x128xf32> -> vector<400x128xf32>
    %add3A_71 = arith.addf %add3A_50, %dot_general3A_70 : vector<400x128xf32>
    %get3A_72 = arith.constant 0 : index
    %get3A_73 = arith.constant 0 : index
    %get3A_74 = vector.load %arg3[%get3A_72, %get3A_73] : memref<400x8xf32, #tpu.memory_space<vmem>>, vector<400x8xf32>
    %get3A_75 = arith.constant 0 : index
    %get3A_76 = arith.constant 0 : index
    %get3A_77 = vector.load %arg8[%get3A_75, %get3A_76] : memref<8x64xf32, #tpu.memory_space<vmem>>, vector<8x64xf32>
    %dot_general3A_78 = arith.constant dense<0.000000e+00> : vector<400x64xf32>
    %dot_general3A_79 = tpu.matmul %get3A_74, %get3A_77, %dot_general3A_78 {dimension_numbers = #tpu.dot_dimension_numbers<[1], [0], [0], [1], [0, 0, 1, 1], [], []>, transpose_lhs_hint = false} : vector<400x8xf32>, vector<8x64xf32>, vector<400x64xf32> -> vector<400x64xf32>
    %get3A_80 = arith.constant 0 : index
    %get3A_81 = arith.constant 0 : index
    %get3A_82 = vector.load %arg9[%get3A_80, %get3A_81] : memref<1x64xf32, #tpu.memory_space<vmem>>, vector<1x64xf32>
    %add3A_83 = vector.broadcast %get3A_82 : vector<1x64xf32> to vector<400x64xf32>
    %add3A_84 = arith.addf %dot_general3A_79, %add3A_83 : vector<400x64xf32>
    %get3A_85 = arith.constant 0 : index
    %get3A_86 = arith.constant 0 : index
    %get3A_87 = vector.load %arg10[%get3A_85, %get3A_86] : memref<8x64xf32, #tpu.memory_space<vmem>>, vector<8x64xf32>
    %dot_general3A_88 = arith.constant dense<0.000000e+00> : vector<400x64xf32>
    %dot_general3A_89 = tpu.matmul %get3A_74, %get3A_87, %dot_general3A_88 {dimension_numbers = #tpu.dot_dimension_numbers<[1], [0], [0], [1], [0, 0, 1, 1], [], []>, transpose_lhs_hint = false} : vector<400x8xf32>, vector<8x64xf32>, vector<400x64xf32> -> vector<400x64xf32>
    %get3A_90 = arith.constant 0 : index
    %get3A_91 = arith.constant 0 : index
    %get3A_92 = vector.load %arg11[%get3A_90, %get3A_91] : memref<1x64xf32, #tpu.memory_space<vmem>>, vector<1x64xf32>
    %add3A_93 = vector.broadcast %get3A_92 : vector<1x64xf32> to vector<400x64xf32>
    %add3A_94 = arith.addf %dot_general3A_89, %add3A_93 : vector<400x64xf32>
    %iota3A = tpu.iota {dimensions = array<i32: 0>} : vector<3x16xi32>
    %convert_element_type3A = arith.sitofp %iota3A : vector<3x16xi32> to vector<3x16xf32>
    %dot_general3A_95 = arith.constant dense<0.000000e+00> : vector<400x16xf32>
    %dot_general3A_96 = tpu.matmul %get3A_4, %convert_element_type3A, %dot_general3A_95 {dimension_numbers = #tpu.dot_dimension_numbers<[1], [0], [0], [1], [0, 0, 1, 1], [], []>, transpose_lhs_hint = false} : vector<400x3xf32>, vector<3x16xf32>, vector<400x16xf32> -> vector<400x16xf32>
    %concatenate3A = tpu.concatenate %add3A_63, %add3A_84, %dot_general3A_96 in 1 : vector<400x128xf32>, vector<400x64xf32>, vector<400x16xf32> -> vector<400x208xf32>
    %swap3A = arith.constant 0 : index
    %swap3A_97 = arith.constant 0 : index
    %swap3A_98 = vector.load %arg12[%swap3A, %swap3A_97] : memref<400x208xf32, #tpu.memory_space<vmem>>, vector<400x208xf32>
    tpu.vector_store %arg12[%swap3A, %swap3A_97], %concatenate3A {strides = array<i32>} : memref<400x208xf32, #tpu.memory_space<vmem>>, vector<400x208xf32>,
    %concatenate3A_99 = tpu.concatenate %add3A_71, %add3A_94 in 1 : vector<400x128xf32>, vector<400x64xf32> -> vector<400x192xf32>
    %swap3A_100 = arith.constant 0 : index
    %swap3A_101 = arith.constant 0 : index
    %swap3A_102 = vector.load %arg13[%swap3A_100, %swap3A_101] : memref<400x192xf32, #tpu.memory_space<vmem>>, vector<400x192xf32>
    tpu.vector_store %arg13[%swap3A_100, %swap3A_101], %concatenate3A_99 {strides = array<i32>} : memref<400x192xf32, #tpu.memory_space<vmem>>, vector<400x192xf32>,
    return
  }
  func.func @transform_0(%arg0: i32) -> (i32, i32) {
    %c0_i32 = arith.constant 0 : i32
    %c0_i32_0 = arith.constant 0 : i32
    return %arg0, %c0_i32 : i32, i32
  }
  func.func @transform_1(%arg0: i32) -> (i32, i32) {
    %c0_i32 = arith.constant 0 : i32
    %c0_i32_0 = arith.constant 0 : i32
    return %arg0, %c0_i32 : i32, i32
  }
  func.func @transform_2(%arg0: i32) -> (i32, i32) {
    %c0_i32 = arith.constant 0 : i32
    %c0_i32_0 = arith.constant 0 : i32
    return %arg0, %c0_i32 : i32, i32
  }
  func.func @transform_3(%arg0: i32) -> (i32, i32, i32) {
    %c0_i32 = arith.constant 0 : i32
    %c0_i32_0 = arith.constant 0 : i32
    %c0_i32_1 = arith.constant 0 : i32
    %c0_i32_2 = arith.constant 0 : i32
    return %c0_i32, %c0_i32_0, %c0_i32_1 : i32, i32, i32
  }
  func.func @transform_4(%arg0: i32) -> (i32, i32) {
    %c0_i32 = arith.constant 0 : i32
    %c0_i32_0 = arith.constant 0 : i32
    %c0_i32_1 = arith.constant 0 : i32
    return %c0_i32, %c0_i32_0 : i32, i32
  }
  func.func @transform_5(%arg0: i32) -> (i32, i32, i32) {
    %c0_i32 = arith.constant 0 : i32
    %c0_i32_0 = arith.constant 0 : i32
    %c0_i32_1 = arith.constant 0 : i32
    %c0_i32_2 = arith.constant 0 : i32
    return %c0_i32, %c0_i32_0, %c0_i32_1 : i32, i32, i32
  }
  func.func @transform_6(%arg0: i32) -> (i32, i32) {
    %c0_i32 = arith.constant 0 : i32
    %c0_i32_0 = arith.constant 0 : i32
    %c0_i32_1 = arith.constant 0 : i32
    return %c0_i32, %c0_i32_0 : i32, i32
  }
  func.func @transform_7(%arg0: i32) -> (i32, i32) {
    %c0_i32 = arith.constant 0 : i32
    %c0_i32_0 = arith.constant 0 : i32
    %c0_i32_1 = arith.constant 0 : i32
    return %c0_i32, %c0_i32_0 : i32, i32
  }
  func.func @transform_8(%arg0: i32) -> (i32, i32) {
    %c0_i32 = arith.constant 0 : i32
    %c0_i32_0 = arith.constant 0 : i32
    %c0_i32_1 = arith.constant 0 : i32
    return %c0_i32, %c0_i32_0 : i32, i32
  }
  func.func @transform_9(%arg0: i32) -> (i32, i32) {
    %c0_i32 = arith.constant 0 : i32
    %c0_i32_0 = arith.constant 0 : i32
    %c0_i32_1 = arith.constant 0 : i32
    return %c0_i32, %c0_i32_0 : i32, i32
  }
  func.func @transform_10(%arg0: i32) -> (i32, i32) {
    %c0_i32 = arith.constant 0 : i32
    %c0_i32_0 = arith.constant 0 : i32
    %c0_i32_1 = arith.constant 0 : i32
    return %c0_i32, %c0_i32_0 : i32, i32
  }
  func.func @transform_11(%arg0: i32) -> (i32, i32) {
    %c0_i32 = arith.constant 0 : i32
    %c0_i32_0 = arith.constant 0 : i32
    return %arg0, %c0_i32 : i32, i32
  }
  func.func @transform_12(%arg0: i32) -> (i32, i32) {
    %c0_i32 = arith.constant 0 : i32
    %c0_i32_0 = arith.constant 0 : i32
    return %arg0, %c0_i32 : i32, i32
  }
}

module attributes {stable_mosaic.version = 14 : i64} {
  func.func @_finish_body(%arg0: i32, %arg1: memref<2x400x144xf32, #tpu.memory_space<vmem>>, %arg2: memref<1x128xf32, #tpu.memory_space<vmem>>, %arg3: memref<1x128xf32, #tpu.memory_space<vmem>>, %arg4: memref<400x128xf32, #tpu.memory_space<vmem>>) attributes {dimension_semantics = [#tpu.dimension_semantics<arbitrary>], iteration_bounds = array<i64: 25>, scalar_prefetch = 0 : i64, scratch_operands = 0 : i64, tpu.core_type = #tpu.core_type<tc>, window_params = [{transform_indices = @transform_0, window_bounds = array<i64: 2, 400, 144>}, {pipeline_mode = #tpu.pipeline_mode<synchronous>, transform_indices = @transform_1, window_bounds = array<i64: 1, 128>}, {pipeline_mode = #tpu.pipeline_mode<synchronous>, transform_indices = @transform_2, window_bounds = array<i64: 1, 128>}, {transform_indices = @transform_3, window_bounds = array<i64: 400, 128>}]} {
    %get3A = arith.constant 0 : index
    %get3A_0 = arith.constant 0 : index
    %get3A_1 = arith.constant 0 : index
    %get3A_2 = vector.load %arg1[%get3A, %get3A_0, %get3A_1] : memref<2x400x144xf32, #tpu.memory_space<vmem>>, vector<1x400x144xf32>
    %get3A_3 = vector.shape_cast %get3A_2 : vector<1x400x144xf32> to vector<400x144xf32>
    %get3A_4 = arith.constant 1 : index
    %get3A_5 = arith.constant 0 : index
    %get3A_6 = arith.constant 0 : index
    %get3A_7 = vector.load %arg1[%get3A_4, %get3A_5, %get3A_6] : memref<2x400x144xf32, #tpu.memory_space<vmem>>, vector<1x400x144xf32>
    %get3A_8 = vector.shape_cast %get3A_7 : vector<1x400x144xf32> to vector<400x144xf32>
    %add3A = arith.addf %get3A_3, %get3A_8 : vector<400x144xf32>
    %iota3A = tpu.iota {dimensions = array<i32: 0>} : vector<128x128xi32>
    %iota3A_9 = tpu.iota {dimensions = array<i32: 1>} : vector<128x128xi32>
    %jit3A = arith.constant 16 : i32
    %eq3A = arith.constant 0 : i32
    %eq3A_10 = arith.cmpi eq, %jit3A, %eq3A : i32
    %jit3A_11 = arith.constant 1 : i32
    %select_n3A = arith.select %eq3A_10, %jit3A_11, %jit3A : i32
    %rem3A = vector.broadcast %select_n3A : i32 to vector<128x128xi32>
    %rem3A_12 = arith.remsi %iota3A, %rem3A : vector<128x128xi32>
    %ne3A = arith.constant 0 : i32
    %ne3A_13 = vector.broadcast %ne3A : i32 to vector<128x128xi32>
    %ne3A_14 = arith.cmpi ne, %rem3A_12, %ne3A_13 : vector<128x128xi32>
    %lt3A = arith.constant 0 : i32
    %lt3A_15 = vector.broadcast %lt3A : i32 to vector<128x128xi32>
    %lt3A_16 = arith.cmpi slt, %rem3A_12, %lt3A_15 : vector<128x128xi32>
    %lt3A_17 = arith.constant 0 : i32
    %lt3A_18 = arith.cmpi slt, %select_n3A, %lt3A_17 : i32
    %ne3A_19 = vector.broadcast %lt3A_18 : i1 to vector<128x128xi1>
    %ne3A_20 = vector.broadcast %ne3A_19 : vector<128x128xi1> to vector<128x128xi1>
    %ne3A_21 = arith.xori %lt3A_16, %ne3A_20 : vector<128x128xi1>
    %and3A = arith.andi %ne3A_21, %ne3A_14 : vector<128x128xi1>
    %add3A_22 = vector.broadcast %select_n3A : i32 to vector<128x128xi32>
    %add3A_23 = arith.addi %rem3A_12, %add3A_22 : vector<128x128xi32>
    %select_n3A_24 = arith.select %and3A, %add3A_23, %rem3A_12 : vector<128x128xi1>, vector<128x128xi32>
    %jit3A_25 = arith.constant 16 : i32
    %div3A = vector.broadcast %jit3A_25 : i32 to vector<128x128xi32>
    %div3A_26 = arith.divsi %iota3A, %div3A : vector<128x128xi32>
    %sign3A = arith.constant 0 : i32
    %sign3A_27 = vector.broadcast %sign3A : i32 to vector<128x128xi32>
    %sign3A_28 = arith.cmpi sgt, %iota3A, %sign3A_27 : vector<128x128xi32>
    %sign3A_29 = arith.extui %sign3A_28 : vector<128x128xi1> to vector<128x128xi32>
    %sign3A_30 = arith.constant 0 : i32
    %sign3A_31 = vector.broadcast %sign3A_30 : i32 to vector<128x128xi32>
    %sign3A_32 = arith.cmpi slt, %iota3A, %sign3A_31 : vector<128x128xi32>
    %sign3A_33 = arith.extui %sign3A_32 : vector<128x128xi1> to vector<128x128xi32>
    %sign3A_34 = arith.subi %sign3A_29, %sign3A_33 : vector<128x128xi32>
    %sign3A_35 = arith.constant 0 : i32
    %sign3A_36 = arith.cmpi sgt, %jit3A_25, %sign3A_35 : i32
    %sign3A_37 = arith.extui %sign3A_36 : i1 to i32
    %sign3A_38 = arith.constant 0 : i32
    %sign3A_39 = arith.cmpi slt, %jit3A_25, %sign3A_38 : i32
    %sign3A_40 = arith.extui %sign3A_39 : i1 to i32
    %sign3A_41 = arith.subi %sign3A_37, %sign3A_40 : i32
    %ne3A_42 = vector.broadcast %sign3A_41 : i32 to vector<128x128xi32>
    %ne3A_43 = arith.cmpi ne, %sign3A_34, %ne3A_42 : vector<128x128xi32>
    %rem3A_44 = vector.broadcast %jit3A_25 : i32 to vector<128x128xi32>
    %rem3A_45 = arith.remsi %iota3A, %rem3A_44 : vector<128x128xi32>
    %ne3A_46 = arith.constant 0 : i32
    %ne3A_47 = vector.broadcast %ne3A_46 : i32 to vector<128x128xi32>
    %ne3A_48 = arith.cmpi ne, %rem3A_45, %ne3A_47 : vector<128x128xi32>
    %and3A_49 = arith.andi %ne3A_43, %ne3A_48 : vector<128x128xi1>
    %sub3A = arith.constant 1 : i32
    %sub3A_50 = vector.broadcast %sub3A : i32 to vector<128x128xi32>
    %sub3A_51 = arith.subi %div3A_26, %sub3A_50 : vector<128x128xi32>
    %select_n3A_52 = arith.select %and3A_49, %sub3A_51, %div3A_26 : vector<128x128xi1>, vector<128x128xi32>
    %mul3A = arith.constant 2 : i32
    %mul3A_53 = vector.broadcast %mul3A : i32 to vector<128x128xi32>
    %mul3A_54 = arith.muli %mul3A_53, %select_n3A_52 : vector<128x128xi32>
    %ge3A = arith.constant 8 : i32
    %ge3A_55 = vector.broadcast %ge3A : i32 to vector<128x128xi32>
    %ge3A_56 = arith.cmpi sge, %select_n3A_24, %ge3A_55 : vector<128x128xi32>
    %convert_element_type3A = arith.extui %ge3A_56 : vector<128x128xi1> to vector<128x128xi32>
    %add3A_57 = arith.addi %mul3A_54, %convert_element_type3A : vector<128x128xi32>
    %lt3A_58 = arith.constant 8 : i32
    %lt3A_59 = vector.broadcast %lt3A_58 : i32 to vector<128x128xi32>
    %lt3A_60 = arith.cmpi slt, %select_n3A_24, %lt3A_59 : vector<128x128xi32>
    %sub3A_61 = arith.constant 15 : i32
    %sub3A_62 = vector.broadcast %sub3A_61 : i32 to vector<128x128xi32>
    %sub3A_63 = arith.subi %sub3A_62, %select_n3A_24 : vector<128x128xi32>
    %select_n3A_64 = arith.select %lt3A_60, %select_n3A_24, %sub3A_63 : vector<128x128xi1>, vector<128x128xi32>
    %mul3A_65 = arith.constant 16 : i32
    %mul3A_66 = vector.broadcast %mul3A_65 : i32 to vector<128x128xi32>
    %mul3A_67 = arith.muli %select_n3A_64, %mul3A_66 : vector<128x128xi32>
    %add3A_68 = arith.addi %mul3A_67, %add3A_57 : vector<128x128xi32>
    %eq3A_69 = arith.cmpi eq, %iota3A_9, %add3A_68 : vector<128x128xi32>
    %slice3A = vector.extract_strided_slice %add3A {offsets = [0, 0], sizes = [400, 128], strides = [1, 1]} : vector<400x144xf32> to vector<400x128xf32>
    %convert_element_type3A_70 = arith.extui %eq3A_69 : vector<128x128xi1> to vector<128x128xi32>
    %convert_element_type3A_71 = arith.sitofp %convert_element_type3A_70 : vector<128x128xi32> to vector<128x128xf32>
    %dot_general3A = arith.constant dense<0.000000e+00> : vector<400x128xf32>
    %dot_general3A_72 = tpu.matmul %slice3A, %convert_element_type3A_71, %dot_general3A {dimension_numbers = #tpu.dot_dimension_numbers<[1], [0], [0], [1], [0, 0, 1, 1], [], []>, transpose_lhs_hint = false} : vector<400x128xf32>, vector<128x128xf32>, vector<400x128xf32> -> vector<400x128xf32>
    %iota3A_73 = tpu.iota {dimensions = array<i32: 0>} : vector<144x128xi32>
    %iota3A_74 = tpu.iota {dimensions = array<i32: 1>} : vector<144x128xi32>
    %jit3A_75 = arith.constant 16 : i32
    %div3A_76 = vector.broadcast %jit3A_75 : i32 to vector<144x128xi32>
    %div3A_77 = arith.divsi %iota3A_74, %div3A_76 : vector<144x128xi32>
    %sign3A_78 = arith.constant 0 : i32
    %sign3A_79 = vector.broadcast %sign3A_78 : i32 to vector<144x128xi32>
    %sign3A_80 = arith.cmpi sgt, %iota3A_74, %sign3A_79 : vector<144x128xi32>
    %sign3A_81 = arith.extui %sign3A_80 : vector<144x128xi1> to vector<144x128xi32>
    %sign3A_82 = arith.constant 0 : i32
    %sign3A_83 = vector.broadcast %sign3A_82 : i32 to vector<144x128xi32>
    %sign3A_84 = arith.cmpi slt, %iota3A_74, %sign3A_83 : vector<144x128xi32>
    %sign3A_85 = arith.extui %sign3A_84 : vector<144x128xi1> to vector<144x128xi32>
    %sign3A_86 = arith.subi %sign3A_81, %sign3A_85 : vector<144x128xi32>
    %sign3A_87 = arith.constant 0 : i32
    %sign3A_88 = arith.cmpi sgt, %jit3A_75, %sign3A_87 : i32
    %sign3A_89 = arith.extui %sign3A_88 : i1 to i32
    %sign3A_90 = arith.constant 0 : i32
    %sign3A_91 = arith.cmpi slt, %jit3A_75, %sign3A_90 : i32
    %sign3A_92 = arith.extui %sign3A_91 : i1 to i32
    %sign3A_93 = arith.subi %sign3A_89, %sign3A_92 : i32
    %ne3A_94 = vector.broadcast %sign3A_93 : i32 to vector<144x128xi32>
    %ne3A_95 = arith.cmpi ne, %sign3A_86, %ne3A_94 : vector<144x128xi32>
    %rem3A_96 = vector.broadcast %jit3A_75 : i32 to vector<144x128xi32>
    %rem3A_97 = arith.remsi %iota3A_74, %rem3A_96 : vector<144x128xi32>
    %ne3A_98 = arith.constant 0 : i32
    %ne3A_99 = vector.broadcast %ne3A_98 : i32 to vector<144x128xi32>
    %ne3A_100 = arith.cmpi ne, %rem3A_97, %ne3A_99 : vector<144x128xi32>
    %and3A_101 = arith.andi %ne3A_95, %ne3A_100 : vector<144x128xi1>
    %sub3A_102 = arith.constant 1 : i32
    %sub3A_103 = vector.broadcast %sub3A_102 : i32 to vector<144x128xi32>
    %sub3A_104 = arith.subi %div3A_77, %sub3A_103 : vector<144x128xi32>
    %select_n3A_105 = arith.select %and3A_101, %sub3A_104, %div3A_77 : vector<144x128xi1>, vector<144x128xi32>
    %add3A_106 = arith.constant 128 : i32
    %add3A_107 = vector.broadcast %add3A_106 : i32 to vector<144x128xi32>
    %add3A_108 = arith.addi %add3A_107, %select_n3A_105 : vector<144x128xi32>
    %eq3A_109 = arith.cmpi eq, %iota3A_73, %add3A_108 : vector<144x128xi32>
    %convert_element_type3A_110 = arith.extui %eq3A_109 : vector<144x128xi1> to vector<144x128xi32>
    %convert_element_type3A_111 = arith.sitofp %convert_element_type3A_110 : vector<144x128xi32> to vector<144x128xf32>
    %dot_general3A_112 = arith.constant dense<0.000000e+00> : vector<400x128xf32>
    %dot_general3A_113 = tpu.matmul %add3A, %convert_element_type3A_111, %dot_general3A_112 {dimension_numbers = #tpu.dot_dimension_numbers<[1], [0], [0], [1], [0, 0, 1, 1], [], []>, transpose_lhs_hint = false} : vector<400x144xf32>, vector<144x128xf32>, vector<400x128xf32> -> vector<400x128xf32>
    %add3A_114 = arith.constant 1.000000e-16 : f32
    %add3A_115 = vector.broadcast %add3A_114 : f32 to vector<400x128xf32>
    %add3A_116 = arith.addf %dot_general3A_113, %add3A_115 : vector<400x128xf32>
    %div3A_117 = arith.divf %dot_general3A_72, %add3A_116 : vector<400x128xf32>
    %mul3A_118 = arith.constant 5.000000e-01 : f32
    %mul3A_119 = vector.broadcast %mul3A_118 : f32 to vector<400x128xf32>
    %mul3A_120 = arith.mulf %mul3A_119, %div3A_117 : vector<400x128xf32>
    %mul3A_121 = arith.constant 0.707106769 : f32
    %mul3A_122 = vector.broadcast %mul3A_121 : f32 to vector<400x128xf32>
    %mul3A_123 = arith.mulf %div3A_117, %mul3A_122 : vector<400x128xf32>
    %erf3A = math.erf %mul3A_123 : vector<400x128xf32>
    %add3A_124 = arith.constant 1.000000e+00 : f32
    %add3A_125 = vector.broadcast %add3A_124 : f32 to vector<400x128xf32>
    %add3A_126 = arith.addf %add3A_125, %erf3A : vector<400x128xf32>
    %mul3A_127 = arith.mulf %mul3A_120, %add3A_126 : vector<400x128xf32>
    %reduce_sum3A = arith.constant dense<0.000000e+00> : vector<400xf32>
    %reduce_sum3A_128 = vector.multi_reduction <add>, %mul3A_127, %reduce_sum3A [1] : vector<400x128xf32> to vector<400xf32>
    %broadcast_in_dim3A = vector.shape_cast %reduce_sum3A_128 : vector<400xf32> to vector<400x1xf32>
    %div3A_129 = arith.constant 1.280000e+02 : f32
    %div3A_130 = vector.broadcast %div3A_129 : f32 to vector<400x1xf32>
    %div3A_131 = arith.divf %broadcast_in_dim3A, %div3A_130 : vector<400x1xf32>
    %sub3A_132 = vector.broadcast %div3A_131 : vector<400x1xf32> to vector<400x128xf32>
    %sub3A_133 = arith.subf %mul3A_127, %sub3A_132 : vector<400x128xf32>
    %integer_pow3A = arith.mulf %sub3A_133, %sub3A_133 : vector<400x128xf32>
    %reduce_sum3A_134 = arith.constant dense<0.000000e+00> : vector<400xf32>
    %reduce_sum3A_135 = vector.multi_reduction <add>, %integer_pow3A, %reduce_sum3A_134 [1] : vector<400x128xf32> to vector<400xf32>
    %broadcast_in_dim3A_136 = vector.shape_cast %reduce_sum3A_135 : vector<400xf32> to vector<400x1xf32>
    %div3A_137 = arith.constant 1.280000e+02 : f32
    %div3A_138 = vector.broadcast %div3A_137 : f32 to vector<400x1xf32>
    %div3A_139 = arith.divf %broadcast_in_dim3A_136, %div3A_138 : vector<400x1xf32>
    %sub3A_140 = vector.broadcast %div3A_131 : vector<400x1xf32> to vector<400x128xf32>
    %sub3A_141 = arith.subf %mul3A_127, %sub3A_140 : vector<400x128xf32>
    %add3A_142 = arith.constant 9.99999974E-6 : f32
    %add3A_143 = vector.broadcast %add3A_142 : f32 to vector<400x1xf32>
    %add3A_144 = arith.addf %div3A_139, %add3A_143 : vector<400x1xf32>
    %sqrt3A = math.sqrt %add3A_144 : vector<400x1xf32>
    %div3A_145 = vector.broadcast %sqrt3A : vector<400x1xf32> to vector<400x128xf32>
    %div3A_146 = arith.divf %sub3A_141, %div3A_145 : vector<400x128xf32>
    %get3A_147 = arith.constant 0 : index
    %get3A_148 = arith.constant 0 : index
    %get3A_149 = vector.load %arg2[%get3A_147, %get3A_148] : memref<1x128xf32, #tpu.memory_space<vmem>>, vector<1x128xf32>
    %mul3A_150 = vector.broadcast %get3A_149 : vector<1x128xf32> to vector<400x128xf32>
    %mul3A_151 = arith.mulf %div3A_146, %mul3A_150 : vector<400x128xf32>
    %get3A_152 = arith.constant 0 : index
    %get3A_153 = arith.constant 0 : index
    %get3A_154 = vector.load %arg3[%get3A_152, %get3A_153] : memref<1x128xf32, #tpu.memory_space<vmem>>, vector<1x128xf32>
    %add3A_155 = vector.broadcast %get3A_154 : vector<1x128xf32> to vector<400x128xf32>
    %add3A_156 = arith.addf %mul3A_151, %add3A_155 : vector<400x128xf32>
    %swap3A = arith.constant 0 : index
    %swap3A_157 = arith.constant 0 : index
    %swap3A_158 = vector.load %arg4[%swap3A, %swap3A_157] : memref<400x128xf32, #tpu.memory_space<vmem>>, vector<400x128xf32>
    tpu.vector_store %arg4[%swap3A, %swap3A_157], %add3A_156 {strides = array<i32>} : memref<400x128xf32, #tpu.memory_space<vmem>>, vector<400x128xf32>,
    return
  }
  func.func @transform_0(%arg0: i32) -> (i32, i32, i32) {
    %c0_i32 = arith.constant 0 : i32
    %c0_i32_0 = arith.constant 0 : i32
    %c0_i32_1 = arith.constant 0 : i32
    return %c0_i32, %arg0, %c0_i32_0 : i32, i32, i32
  }
  func.func @transform_1(%arg0: i32) -> (i32, i32) {
    %c0_i32 = arith.constant 0 : i32
    %c0_i32_0 = arith.constant 0 : i32
    %c0_i32_1 = arith.constant 0 : i32
    return %c0_i32, %c0_i32_0 : i32, i32
  }
  func.func @transform_2(%arg0: i32) -> (i32, i32) {
    %c0_i32 = arith.constant 0 : i32
    %c0_i32_0 = arith.constant 0 : i32
    %c0_i32_1 = arith.constant 0 : i32
    return %c0_i32, %c0_i32_0 : i32, i32
  }
  func.func @transform_3(%arg0: i32) -> (i32, i32) {
    %c0_i32 = arith.constant 0 : i32
    %c0_i32_0 = arith.constant 0 : i32
    return %arg0, %c0_i32 : i32, i32
  }
}

</mosaic_0001>

<sc_bundles>
// kernel: kernel.5.cloned.1.call-start
scs
__scs_entry_jumppad:
0x0: {  	(pc) =	sbr.rel $0x88, $3  }
0x1: {  	(tag) =	ssettag $0x0;
	lr =	simm.s32 $0x1  }
0x2: {  	[smem:$0x3F91] =	sst lr;
	_ =	strace $0xD0000000  }
0x3: {  	_ = 	snop  }
0x4: {  	_ = 	snop  }
0x5: {  	_ = 	snop  }
0x6: {  	_ = 	snop  }
0x7: {  	_ = 	snop  }
__scs_overlays_trampoline_lowered:
0x8: {  	[smem:$0x3FA0] =	sst s0  }
0x9: {  	[smem:$0x3FA1] =	sst s1  }
0xa: {  	[smem:$0x3FA2] =	sst s2  }
0xb: {  	[smem:$0x3FA3] =	sst s3  }
0xc: {  	[smem:$0x3FA4] =	sst s4  }
0xd: {  	[smem:$0x3FA5] =	sst s5  }
0xe: {  	[smem:$0x3FA6] =	sst s6  }
0xf: {  	[smem:$0x3FA7] =	sst s7  }
0x10: {  	[smem:$0x3FA8] =	sst s8  }
0x11: {  	[smem:$0x3FA9] =	sst s9;
	s0 =	simm.s32 @!p0 $0x0  }
0x12: {  	s1 =	sld [smem:$0x3F8F];
	s0 =	simm.s32 @p0 $0x1  }
0x13: {  	[smem:$0x3FAA] =	sst s0;
	s0 =	simm.s32 @!p1 $0x0  }
0x14: {  	s2 =	sld [smem:$0x3F8E];
	s0 =	simm.s32 @p1 $0x1  }
0x15: {  	[smem:$0x3FAB] =	sst s0;
	s0 =	simm.s32 @!p2 $0x0  }
0x16: {  	s3 =	sld [smem:$0x3FDB];
	s0 =	simm.s32 @p2 $0x1  }
0x17: {  	s4 =	simm.s32 $0x1BF5;
	[smem:$0x3FAD] =	sst s0  }
0x18: {  	s0 =	sld [smem:$0x3F90];
	_ =	swait.ge [sflag:s4], $0x0  }
0x19: {  	s7 =	sld [smem:$0x3F91]  }
0x1a: {  	s8 =	sadd.s32 $0xFFFFE003, lr  }
0x1b: {  	s9 =	sadd.s32 $0xFFFFFEF7, lr;
	s5 =	simm.s32 $0xFFFFFFFF;
	p2 =	slt.u32 s8, $0xFFFFF086  }
0x1c: {  	p1 =	slt.u32 s9, $0xF7A;
	s5 =	simm.s32 @!p2 $0x0  }
0x1d: {  	s5 =	simm.s32 @p1 $0x1;
	p0 =	seq.s32 s7, s2  }
0x1e: {  	s7 =	smul.u32 @!p0 $0xF7A, s2;
	p2 =	seq.s32 @!p0 s5, $0x0  }
0x1f: {  	s9 =	smul.u32 $0xF7A, s1;
	s8 =	simm.s32 @!p0 $0x1BF5;
	p2 =	por !p2, p0  }
0x20: {  	[sflag:s8] =	ssyncset.s32 @!p0 $0xFFFFF086;
	s6 =	sadd.s32 @!p0 s3, s7;
	s7 =	simm.s32 @!p0 $0x108  }
0x21: {  	s3 =	sadd.s32 s3, s9;
	s6 =	sadd.s32 @!p0 $0x88, s6;
	s7 =	simm.s32 @p2 $0x1082  }
0x22: {  	[simem:s7], [sflag:s8] =	dma.local @!p0 [hbm:s6], $0xF7A  }
0x23: {  	s9 =	sor.u32 $0xD0000000, s2;
	s6 =	simm.s32 $0x108;
	_ =	swait.ge @!p0 [sflag:s8], $0x0  }
0x24: {  	s3 =	sadd.s32 $0x88, s3;
	s6 =	simm.s32 @!p1 $0x1082;
	[sflag:s4] =	ssyncset.s32 $0xFFFFF086  }
0x25: {  	[simem:s6], [sflag:s4] =	dma.local [hbm:s3], $0xF7A  }
0x26: {  	[smem:$0x3F91] =	sst s1;
	(tag) =	ssettag s2;
	_ =	strace s9  }
0x27: {  	s1 =	sld [smem:$0x3FA1]  }
0x28: {  	s2 =	sld [smem:$0x3FA2]  }
0x29: {  	s4 =	sld [smem:$0x3FA4]  }
0x2a: {  	p0 =	seq.s32 s5, $0x0;
	s5 =	sld [smem:$0x3FA5]  }
0x2b: {  	s6 =	sld [smem:$0x3FA6]  }
0x2c: {  	s7 =	sld [smem:$0x3FA7]  }
0x2d: {  	s3 =	simm.s32 $0x108;
	s8 =	sld [smem:$0x3FA8]  }
0x2e: {  	s3 =	simm.s32 @!p0 $0x1082;
	s9 =	sld [smem:$0x3FA9]  }
0x2f: {  	lr =	sadd.s32 s0, s3;
	s0 =	sld [smem:$0x3FA0]  }
0x30: {  	s3 =	sld [smem:$0x3FA3]  }
0x31: {  	[smem:$0x3FAC] =	sst s10  }
0x32: {  	s10 =	sld [smem:$0x3FAA];
	_ =	sdelay $0x3  }
0x33: {  	p0 =	seq.s32 s10, $0x1;
	s10 =	sld [smem:$0x3FAC];
	_ =	sdelay $0x3  }
0x34: {  	[smem:$0x3FAC] =	sst s10  }
0x35: {  	s10 =	sld [smem:$0x3FAB];
	_ =	sdelay $0x3  }
0x36: {  	p1 =	seq.s32 s10, $0x1;
	s10 =	sld [smem:$0x3FAC];
	_ =	sdelay $0x3  }
0x37: {  	[smem:$0x3FAC] =	sst s10  }
0x38: {  	s10 =	sld [smem:$0x3FAD]  }
0x39: {  	_ = 	snop;
	(pc) =	sbr.ind lr, $3  }
0x3a: {  	_ = 	snop  }
0x3b: {  	_ = 	snop  }
0x3c: {  	p2 =	seq.s32 s10, $0x1;
	s10 =	sld [smem:$0x3FAC]  }
0x3d: {  	_ =	shalt  }
0x3e: {  	_ =	shalt  }
0x3f: {  	_ =	shalt  }
0x40: {  	_ =	shalt  }
0x41: {  	_ =	shalt  }
0x42: {  	_ =	shalt  }
0x43: {  	_ =	shalt  }
0x44: {  	_ =	shalt  }
0x45: {  	_ =	shalt  }
0x46: {  	_ =	shalt  }
0x47: {  	_ =	shalt  }
0x48: {  	_ =	shalt  }
0x49: {  	_ =	shalt  }
0x4a: {  	_ =	shalt  }
0x4b: {  	_ =	shalt  }
0x4c: {  	_ =	shalt  }
0x4d: {  	_ =	shalt  }
0x4e: {  	_ =	shalt  }
0x4f: {  	_ =	shalt  }
0x50: {  	_ =	shalt  }
0x51: {  	_ =	shalt  }
0x52: {  	_ =	shalt  }
0x53: {  	_ =	shalt  }
0x54: {  	_ =	shalt  }
0x55: {  	_ =	shalt  }
0x56: {  	_ =	shalt  }
0x57: {  	_ =	shalt  }
0x58: {  	_ =	shalt  }
0x59: {  	_ =	shalt  }
0x5a: {  	_ =	shalt  }
0x5b: {  	_ =	shalt  }
0x5c: {  	_ =	shalt  }
0x5d: {  	_ =	shalt  }
0x5e: {  	_ =	shalt  }
0x5f: {  	_ =	shalt  }
0x60: {  	_ =	shalt  }
0x61: {  	_ =	shalt  }
0x62: {  	_ =	shalt  }
0x63: {  	_ =	shalt  }
0x64: {  	_ =	shalt  }
0x65: {  	_ =	shalt  }
0x66: {  	_ =	shalt  }
0x67: {  	_ =	shalt  }
0x68: {  	_ =	shalt  }
0x69: {  	_ =	shalt  }
0x6a: {  	_ =	shalt  }
0x6b: {  	_ =	shalt  }
0x6c: {  	_ =	shalt  }
0x6d: {  	_ =	shalt  }
0x6e: {  	_ =	shalt  }
0x6f: {  	_ =	shalt  }
0x70: {  	_ =	shalt  }
0x71: {  	_ =	shalt  }
0x72: {  	_ =	shalt  }
0x73: {  	_ =	shalt  }
0x74: {  	_ =	shalt  }
0x75: {  	_ =	shalt  }
0x76: {  	_ =	shalt  }
0x77: {  	_ =	shalt  }
0x78: {  	_ =	shalt  }
0x79: {  	_ =	shalt  }
0x7a: {  	_ =	shalt  }
0x7b: {  	_ =	shalt  }
0x7c: {  	_ =	shalt  }
0x7d: {  	_ =	shalt  }
0x7e: {  	_ =	shalt  }
0x7f: {  	_ =	shalt  }
0x80: {  	_ =	shalt  }
0x81: {  	_ =	shalt  }
0x82: {  	_ =	shalt  }
0x83: {  	_ =	shalt  }
0x84: {  	_ =	shalt  }
0x85: {  	_ =	shalt  }
0x86: {  	_ =	shalt  }
0x87: {  	_ =	shalt  }
.Lfunc_end0:
.L_simem_size_0:
called_computation_lowered:
.L_overlay_start_0:
0x88: {  	s2 =	sld [smem:$0x3FD9]  }
0x89: {  	s3 =	sld [smem:$0x3FFE];
	_ =	sdelay $0x1  }
0x8a: {  	s1 =	srdreg.scid  }
0x8b: {  	s0 =	sand.u32 $0x1, s1  }
0x8c: {  	s17 =	sshll.u32 s0, $0xA;
	s2 =	sadd.s32 s3, s2  }
0x8d: {  	s2 =	sadd.s32 s2, s17  }
0x8e: {  	[smem:$0x3FB8] =	sst s2  }
0x8f: {  	_ = 	snop  }
0x90: {  	s2 =	sld [smem:$0x3FD0];
	(tm) =	ssettm $0x1  }
0x91: {  	s18 =	sld [smem:$0x3FFB];
	_ =	sdelay $0x3  }
0x92: {  	_ =	strace s18  }
0x93: {  	s3 =	sld [smem:$0x3FFC];
	_ =	sdelay $0x3  }
0x94: {  	_ =	strace s3  }
0x95: {  	s3 =	sld [smem:$0x3FFD];
	_ =	sdelay $0x3  }
0x96: {  	_ =	strace s3  }
0x97: {  	_ =	strace $0x8FFFFFFF  }
0x98: {  	s19 =	sld [smem:$0x3FDB];
	_ =	sdelay $0x1  }
0x99: {  	s4 =	simm.s32 $_scs_section_size  }
0x9a: {  	s5 =	simm.s32 $_size__tile_overlayer_lowered;
	s6 =	simm.s32 $_tile_overlayer_lowered  }
0x9b: {  	s22 =	simm.s32 $0x1BFF;
	s21 =	sshll.u32 s6, $0x1;
	s3 =	sadd.s32 s4, s19  }
0x9c: {  	s7 =	simm.s32 $0x0;
	s20 =	sshll.u32 s5, $0x1;
	s5 =	sadd.s32 s21, s3  }
0x9d: {  	[timem:s7], [sflag:s22] =	dma.local [hbm:s5], s20  }
0x9e: {  	_ =	swait.ge [sflag:s22], s20  }
0x9f: {  	s4 =	ssub.s32 $0x0, s20;
	[sflag:s22] =	ssyncset.done $0x0  }
0xa0: {  	[sflag:s22] =	ssyncadd.s32 s4;
	_ =	sdelay $0x1  }
0xa1: {  	s23 =	simm.s32 $0x1B8B  }
0xa2: {  	_ =	swait.ge [sflag:s23], $0x1  }
0xa3: {  	[sflag:s23] =	ssyncset.done $0x0  }
0xa4: {  	s25 =	simm.s32 $0x1B8E;
	s24 =	sld [smem:$0x3FFE];
	[sflag:s23] =	ssyncadd.s32 $0xFFFFFFFF  }
0xa5: {  	s26 =	simm.s32 $execute0_lowered;
	[smem:$0x3FD2] =	sst s25  }
0xa6: {  	s5 =	sshll.u32 s26, $0x1;
	_ =	strace $0x80000046;
	[dreg:$0x1] =	wrdreg $0xFFFFFFFF  }
0xa7: {  	s28 =	simm.s32 $_size_execute0_lowered;
	s3 =	sadd.s32 s3, s5;
	[dreg:$0x0] =	wrdreg $0x0  }
0xa8: {  	s5 =	sshll.u32 s28, $0x1;
	[dreg:$0x2] =	wrdreg s3  }
0xa9: {  	[dreg:$0x3] =	wrdreg s5  }
0xaa: {  	[dreg:$0x4] =	wrdreg $0xC0  }
0xab: {  	_ =	task [dreg:s7], $0x5FFFF  }
0xac: {  	[dreg:$0x1] =	wrdreg $0xFFFFFFFF  }
0xad: {  	[dreg:$0x0] =	wrdreg $0x60  }
0xae: {  	[dreg:$0x2] =	wrdreg s2  }
0xaf: {  	[dreg:$0x3] =	wrdreg s24  }
0xb0: {  	[dreg:$0x4] =	wrdreg $0x71E00  }
0xb1: {  	[dreg:$0x5] =	wrdreg $0x9  }
0xb2: {  	_ =	task.clear_ibuf [dreg:s7], $0x6FFFF;
	_ =	strace $0x90000046  }
0xb3: {  	s29 =	simm.s32 $0x9;
	_ =	strace $0x80000048  }
0xb4: {  	_ =	swait.ge [sflag:s29], $0x1  }
0xb5: {  	[sflag:s29] =	ssyncadd.s32 $0xFFFFFFFF  }
0xb6: {  	_ =	strace $0x90000048  }
0xb7: {  	_ =	sfence  }
0xb8: {  	s30 =	sld [smem:$0x0];
	_ =	sdelay $0x2  }
0xb9: {  	s31 =	sshll.u32 s1, $0xD;
	s1 =	sshrl.u32 s1, $0x2  }
0xba: {  	s3 =	sand.u32 $0x4000, s31;
	s1 =	sadd.s32 s1, s30  }
0xbb: {  	s0 =	sor.u32 s3, s0;
	s1 =	sshll.u32 s1, $0x11  }
0xbc: {  	s0 =	sor.u32 s1, s0  }
0xbd: {  	s0 =	sadd.s32 $0x8F2B, s0  }
0xbe: {  	[sflag:s0] =	ssyncadd.remote.s32 $0x1  }
0xbf: {  	_ =	sfence.sel $0xFFFF  }
0xc0: {  	[dreg:$0x0] =	wrdreg $0xFFFFFFFF;
	(pc) =	sbr.abs _section_cstart, $3  }
0xc1: {  	[dreg:$0x1] =	wrdreg $0xFFFFFFFF  }
0xc2: {  	_ =	task.clear_ibuf [dreg:s7], $0x2FFFF;
	_ =	strace $0x9FFFFFFF  }
0xc3: {  	(tm) =	ssettm $0x7FFFFFFF  }
tec
execute0_lowered:
.L_overlay_start_1:
0x0: {  	(tag) =	ssettag $0x1  }
0x1: {  	s0 =	rddreg [dreg:$0x1]  }
0x2: {  	s3 =	rddreg [dreg:$0x2];
	s2 =	simm.s32 $0x0  }
0x3: {  	s1 =	srdreg.scid;
	s10 =	stileid.u32;
	s15 =	simm.s32 $0x5  }
0x4: {  	s17 =	simm.s32 $0x280;
	s18 =	simm.s32 $0x19;
	s19 =	simm.s32 $0x500  }
0x5: {  	s28 =	simm.s32 $0x2;
	s29 =	simm.s32 $0x40;
	s30 =	simm.s32 $0x2C0  }
0x6: {  	s31 =	simm.s32 $0x6130;
	[smem:$0x7FF] =	sst s2;
	s1 =	sand.u32 $0x1, s1  }
0x7: {  	s20 =	smul.u32 $0x15F90, s10;
	s5 =	sadd.s32 $0x3C600, s0;
	s6 =	sadd.s32 $0x9DE00, s0  }
0x8: {  	s7 =	sadd.s32 $0x1A00, s0;
	s8 =	sadd.s32 $0x3C400, s0;
	s9 =	sadd.s32 $0x48E00, s0  }
0x9: {  	s24 =	sshll.u32 s10, $0x1;
	s25 =	sshll.u32 s10, $0x6;
	_ =	strace $0x80000047  }
0xa: {  	s4 =	smul.u32 $0x15F900, s1;
	[dreg:$0x4] =	wrdreg s8;
	s21 =	ssub.s32 $0x2, s1  }
0xb: {  	[dreg:$0x5] =	wrdreg s9;
	s1 =	sor.u32 s1, s24;
	s8 =	sor.u32 $0x1C05, s25  }
0xc: {  	s24 =	simm.s32 $0x2A0;
	s25 =	simm.s32 $0x4060;
	s9 =	simm.s32 $0x0  }
0xd: {  	s22 =	sshrl.u32 s21, $0x1;
	s2 =	sadd.s32 s20, s3;
	s11 =	smul.u32 $0x190, s1  }
0xe: {  	[dreg:$0x6] =	wrdreg s8;
	s4 =	sadd.s32 s20, s4;
	s23 =	ssub.s32 s21, s22  }
0xf: {  	s20 =	simm.s32 $0x2DA0;
	s21 =	simm.s32 $0x1;
	s22 =	simm.s32 $0x20  }
0x10: {  	v0 =	vlaneseq.u32;
	s4 =	sshrl.u32 s4, $0x3;
	s26 =	smax.u32 s23, $0x1;
	s23 =	simm.s32 $0x1950  }
0x11: {  	v0 =	vmul.u32 $0xFFFFFFFF, v0;
	s0 =	sadd.s32 s4, s0;
	[dreg:$0x8] =	wrdreg s26;
	s4 =	sshrl.u32 s2, $0x3  }
0x12: {  	s26 =	simm.s32 $0x5320;
	s0 =	sadd.s32 $0xDD600, s0;
	[dreg:$0x9] =	wrdreg s4  }
0x13: {  	vm0 =	vmmov $0xff;
	v0 =	vadd.s32 $0xF, v0;
	s2 =	simm.s32 $0x4;
	[dreg:$0x7] =	wrdreg s0;
	s0 =	simm.s32 $0x3  }
.LBB2_1:
0x14: {  	[dreg:$0xa] =	wrdreg s9  }
0x15: {  	s1 =	rddreg [dreg:$0x5]  }
0x16: {  	[spmem:s4], [sflag:s8] =	dma.local [hbm:s1], $0x2BF2  }
0x17: {  	_ =	swait.ge [sflag:s15], $0x2BF2  }
0x18: {  	s13 =	simm.s32 $0x0;
	[sflag:s15] =	ssyncset.done $0x0  }
0x19: {  	s16 =	simm.s32 $0x6F40;
	s14 =	rddreg [dreg:$0x4];
	[sflag:s15] =	ssyncadd.s32 $0xFFFFD40E  }
0x1a: {  	[tilespmem:s16], [sflag:$0x5] =	stream.linear.gather [hbm4b:s14+s13], $0x2A0, $0x38;
	[tilespmem:$0x1D170] =	vst v63  }
0x1b: {  	_ =	swait.ge [sflag:s15], $0x2A0  }
0x1c: {  	[sflag:s15] =	ssyncset.done $0x0  }
0x1d: {  	[sflag:s15] =	ssyncadd.s32 $0xFFFFFD60  }
0x1e: {  	s4 =	simm.s32 $0x0;
	[bflag:$0x0] =	sbarrier.arrive $0xFFFF  }
.LBB2_2:
0x1f: {  	p0 =	seq.s32 s4, $0x0  }
0x20: {  	s1 =	simm.s32 @!p0 $0x3  }
0x21: {  	_ =	swait.ge @!p0 [sflag:s1], $0xE10  }
0x22: {  	[sflag:s1] =	ssyncset.done @!p0 $0x0  }
0x23: {  	[sflag:s1] =	ssyncadd.s32 @!p0 $0xFFFFF1F0;
	s1 =	simm.s32 @!p0 $0x4  }
0x24: {  	s8 =	smul.u32 $0x14, s4;
	_ =	swait.ge @!p0 [sflag:s1], $0xE10  }
0x25: {  	[sflag:s1] =	ssyncset.done @!p0 $0x0  }
0x26: {  	s8 =	sadd.s32 s11, s8;
	[sflag:s1] =	ssyncadd.s32 @!p0 $0xFFFFF1F0  }
0x27: {  	s9 =	sshll.u32 s8, $0x2;
	s1 =	rddreg [dreg:$0x0]  }
0x28: {  	s8 =	simm.s32 $0x0;
	s1 =	sadd.s32 s1, s9  }
0x29: {  	[tilespmem:s8], [sflag:$0x5] =	stream.linear.gather [hbm4b:s1+s8], $0x280, $0x38;
	[tilespmem:$0x1D170] =	vst v63  }
0x2a: {  	_ =	swait.ge [sflag:s15], $0x280  }
0x2b: {  	[sflag:s15] =	ssyncset.done $0x0  }
0x2c: {  	s14 =	sadd.s32 s5, s9;
	[sflag:s15] =	ssyncadd.s32 $0xFFFFFD80  }
0x2d: {  	[tilespmem:s17], [sflag:$0x5] =	stream.linear.gather [hbm4b:s14+s8], $0x280, $0x38;
	[tilespmem:$0x1D170] =	vst v63  }
0x2e: {  	_ =	swait.ge [sflag:s15], $0x280  }
0x2f: {  	[sflag:s15] =	ssyncset.done $0x0  }
0x30: {  	[sflag:s15] =	ssyncadd.s32 $0xFFFFFD80  }
0x31: {  	[tilespmem:s19], [sflag:$0x1] =	stream.indirect.gather [hbm4b:s6+s18], $0xD0, s8, s18, $0xb8;
	[tilespmem:$0x1D170] =	vst v63  }
0x32: {  	_ = 	snop  }
0x33: {  	[tilespmem:s20], [sflag:$0x1] =	stream.indirect.gather [hbm4b:s7+s18], $0xC0, s17, s18, $0xb8;
	[tilespmem:$0x1D170] =	vst v63  }
0x34: {  	_ =	swait.ge [sflag:s21], $0x1450  }
0x35: {  	[sflag:s21] =	ssyncset.done $0x0  }
0x36: {  	[sflag:s21] =	ssyncadd.s32 $0xFFFFEBB0  }
0x37: {  	_ =	swait.ge [sflag:s21], $0x12C0  }
0x38: {  	[sflag:s21] =	ssyncset.done $0x0  }
0x39: {  	[sflag:s21] =	ssyncadd.s32 $0xFFFFED40  }
0x3a: {  	[tilespmem:s23], [sflag:$0x2] =	stream.indirect.gather [hbm4b:s6+s18], $0xD0, s22, s18, $0xb8;
	[tilespmem:$0x1D170] =	vst v63  }
0x3b: {  	s9 =	simm.s32 $0x2E00  }
0x3c: {  	[tilespmem:s25], [sflag:$0x2] =	stream.indirect.gather [hbm4b:s7+s18], $0xC0, s24, s18, $0xb8;
	[tilespmem:$0x1D170] =	vst v63  }
0x3d: {  	v1 =	vld [tilespmem:s9+$0xFFFFFFF0]  }
0x3e: {  	s10 =	simm.s32 $0x560;
	v8 =	vld [tilespmem:s9+$0x30]  }
0x3f: {  	v7 =	vld [tilespmem:s10+$0x60]  }
0x40: {  	v6 =	vld [tilespmem:s10+$0xFFFFFFA0]  }
0x41: {  	v9 =	vld [tilespmem:s10+$0xFFFFFFB0]  }
0x42: {  	v2 =	vld [tilespmem:s9+$0xFFFFFFB0]  }
0x43: {  	v4 =	vld [tilespmem:s9+$0xFFFFFFA0]  }
0x44: {  	v3 =	vld [tilespmem:s9+$0xFFFFFFC0]  }
0x45: {  	v11 =	vld [tilespmem:s10+$0xFFFFFFC0]  }
0x46: {  	v12 =	vld [tilespmem:s9+$0x20]  }
0x47: {  	v5 =	vld [tilespmem:s9+$0xFFFFFFD0]  }
0x48: {  	v13 =	vld [tilespmem:s10+$0xFFFFFFD0]  }
0x49: {  	v14 =	vld [tilespmem:s10+$0x20]  }
0x4a: {  	v15 =	vld [tilespmem:s10+$0xFFFFFFE0]  }
0x4b: {  	v16 =	vld [tilespmem:s10+$0x30];
	v9 =	vmul.f32 v2, v9;
	v6 =	vmul.f32 v4, v6  }
0x4c: {  	v26 =	vld [tilespmem:s10+$0xFFFFFFF0];
	v11 =	vmul.f32 v3, v11  }
0x4d: {  	v9 =	vmul.f32 $1.442695020e+00, v9;
	v17 =	vmul.f32 $1.442695020e+00, v6;
	v6 =	vld [tilespmem:s9+$0xFFFFFFE0]  }
0x4e: {  	v10 =	vld [tilespmem:s9+$0x40];
	(v2sf) =	vpush v7, $0x0;
	v12 =	vmul.f32 v12, v14;
	v7 =	vmul.f32 $1.442695020e+00, v11  }
0x4f: {  	v11 =	vmul.f32 v5, v13;
	(erf) = vpow2.f32 v9;
	v9 =	vld [tilespmem:s10+$0x40]  }
0x50: {  	v27 =	vmul.f32 v8, v16;
	(erf) = vpow2.f32 v17  }
0x51: {  	v28 =	vld [tilespmem:s10+$0x0];
	v11 =	vmul.f32 $1.442695020e+00, v11;
	(erf) = vpow2.f32 v7  }
0x52: {  	v29 =	vmul.f32 v1, v26;
	v7 =	vld [tilespmem:s9+$0x0];
	v15 =	vmul.f32 v6, v15  }
0x53: {  	v30 =	vld [tilespmem:s10+$0x50];
	v12 =	vmul.f32 $1.442695020e+00, v12;
	(erf) = vpow2.f32 v11  }
0x54: {  	v31 =	vld [tilespmem:s10+$0x10];
	v9 =	vmul.f32 v10, v9;
	v11 =	vmul.f32 $1.442695020e+00, v15  }
0x55: {  	v14 =	vmul.f32 $1.442695020e+00, v27;
	(erf) = vpow2.f32 v12;
	v10 =	vld [tilespmem:s9+$0x50]  }
0x56: {  	v8 =	vld [tilespmem:s9+$0x10];
	v12 =	vmul.f32 $1.442695020e+00, v29;
	v9 =	vmul.f32 $1.442695020e+00, v9  }
0x57: {  	(erf) = vpow2.f32 v11;
	v16 =	vmul.f32 v7, v28  }
0x58: {  	v11 =	vpop (erf);
	(erf) = vpow2.f32 v14  }
0x59: {  	v33 =	vmul.f32 $1.442695020e+00, v16;
	v11 =	vadd.f32 $1.000000000e+00, v11;
	v32 =	vpop (erf);
	(erf) = vpow2.f32 v12  }
0x5a: {  	v10 =	vmul.f32 v10, v30;
	(erf) = vpow2.f32 v9;
	v9 =	vpop (erf)  }
0x5b: {  	v34 =	vmul.f32 v8, v31;
	v9 =	vadd.f32 $1.000000000e+00, v9;
	(erf) = vrcp.f32 v11  }
0x5c: {  	v10 =	vmul.f32 $1.442695020e+00, v10;
	v35 =	vpop (erf);
	(erf) = vpow2.f32 v33  }
0x5d: {  	v11 =	vadd.f32 $1.000000000e+00, v32;
	(erf) = vrcp.f32 v9;
	v9 =	vadd.f32 $1.000000000e+00, v35;
	_ =	sdelay $0x1  }
0x5e: {  	s16 =	spop (v2sf);
	v36 =	vpop (erf);
	(erf) = vrcp.f32 v11;
	v11 =	vmul.f32 $1.442695020e+00, v34  }
0x5f: {  	s1 =	scvt.f32.s32 s16;
	(erf) = vpow2.f32 v10;
	v10 =	vpop (erf)  }
0x60: {  	(erf) = vrcp.f32 v9;
	v10 =	vadd.f32 $1.000000000e+00, v10;
	v9 =	vpop (erf)  }
0x61: {  	s1 =	smul.u32 $0x380, s1;
	(erf) = vpow2.f32 v11;
	v9 =	vadd.f32 $1.000000000e+00, v9  }
0x62: {  	v11 =	vpop (erf)  }
0x63: {  	s1 =	sshra.s32 s1, $0x2;
	v37 =	vpop (erf)  }
0x64: {  	v38 =	vld [tilespmem:s1+$0x6F40];
	(erf) = vrcp.f32 v10;
	v10 =	vpop (erf)  }
0x65: {  	v12 =	vadd.f32 $1.000000000e+00, v36;
	v39 =	vld [tilespmem:s1+$0x6F50];
	(erf) = vrcp.f32 v9;
	v9 =	vpop (erf)  }
0x66: {  	v40 =	vpop (erf)  }
0x67: {  	v11 =	vadd.f32 $1.000000000e+00, v11;
	(erf) = vrcp.f32 v12;
	v41 =	vpop (erf)  }
0x68: {  	v42 =	vld [tilespmem:s1+$0x6F60];
	v13 =	vadd.f32 $1.000000000e+00, v37;
	v18 =	vpop (erf)  }
0x69: {  	(erf) = vrcp.f32 v11;
	v9 =	vadd.f32 $1.000000000e+00, v9;
	v11 =	vmul.f32 v41, v38;
	v43 =	vpop (erf)  }
0x6a: {  	v44 =	vld [tilespmem:s1+$0x6F70];
	v10 =	vmul.f32 v10, v39;
	(erf) = vrcp.f32 v13;
	v45 =	vadd.f32 $1.000000000e+00, v18;
	v46 =	vpop (erf)  }
0x6b: {  	v47 =	vld [tilespmem:s1+$0x6FC0];
	v11 =	vadd.f32 $0.0e+00, v11;
	(erf) = vrcp.f32 v9;
	v9 =	vadd.f32 $1.000000000e+00, v46  }
0x6c: {  	v48 =	vld [tilespmem:s1+$0x6F80];
	(erf) = vrcp.f32 v45  }
0x6d: {  	v49 =	vld [tilespmem:s1+$0x6FD0];
	v12 =	vmul.f32 v40, v42;
	v50 =	vpop (erf);
	v10 =	vadd.f32 v10, v11;
	(erf) = vrcp.f32 v9  }
0x6e: {  	v9 =	vld [tilespmem:s1+$0x6F90]  }
0x6f: {  	v51 =	vld [tilespmem:s1+$0x6FE0];
	v14 =	vmul.f32 v43, v44;
	v11 =	vpop (erf);
	v10 =	vadd.f32 v12, v10  }
0x70: {  	v53 =	vld [tilespmem:s1+$0x6FA0];
	v19 =	vpop (erf)  }
0x71: {  	v54 =	vld [tilespmem:s1+$0x6FF0];
	v15 =	vmul.f32 v50, v48;
	v52 =	vmul.f32 v19, v47;
	v10 =	vadd.f32 v14, v10  }
0x72: {  	v56 =	vld [tilespmem:s1+$0x6FB0];
	v11 =	vmul.f32 v11, v49;
	v55 =	vpop (erf)  }
0x73: {  	v57 =	vpop (erf);
	v12 =	vadd.f32 $0.0e+00, v52;
	v9 =	vmul.f32 v55, v9;
	v10 =	vadd.f32 v15, v10  }
0x74: {  	v13 =	vmul.f32 v57, v51;
	v58 =	vpop (erf)  }
0x75: {  	v11 =	vadd.f32 v11, v12;
	v9 =	vadd.f32 v9, v10;
	v10 =	vmul.f32 v58, v53;
	v59 =	vpop (erf)  }
0x76: {  	v12 =	vmul.f32 v59, v54;
	v60 =	vpop (erf)  }
0x77: {  	v11 =	vadd.f32 v13, v11;
	v9 =	vadd.f32 v10, v9;
	v10 =	vmul.f32 v60, v56;
	_ =	sdelay $0x1  }
0x78: {  	v61 =	vld [tilespmem:s1+$0x7010];
	v11 =	vadd.f32 v12, v11;
	v9 =	vadd.f32 v10, v9  }
0x79: {  	v10 =	vld [tilespmem:s1+$0x7000]  }
0x7a: {  	v62 =	vperm.xlane v11, v0;
	v63 =	vperm.xlane v9, v0;
	_ =	sdelay $0x1  }
0x7b: {  	v11 =	vadd.f32 v11, v62;
	v9 =	vadd.f32 v9, v63;
	_ =	sdelay $0x1  }
0x7c: {  	v11 =	vsub.f32 v61, v11;
	v9 =	vsub.f32 v10, v9;
	_ =	sdelay $0x1  }
0x7d: {  	v9 =	vmul.f32 v9, v11;
	_ =	sdelay $0x1  }
0x7e: {  	v9 =	vmax.f32 v9, $-6.000000000e+01  }
0x7f: {  	v9 =	vmin.f32 v9, $6.000000000e+01  }
0x80: {  	v9 =	vmul.f32 $1.442695020e+00, v9;
	_ =	sdelay $0x1  }
0x81: {  	s12 =	simm.s32 $0x240;
	(erf) = vpow2.f32 v9  }
.LBB2_3:
0x82: {  	_ =	sdelay $0x7  }
0x83: {  	p0 =	sne.s32 s12, $0x3600;
	s9 =	sadd.s32 $0xC0, s9;
	s10 =	sadd.s32 $0xD0, s10;
	v9 =	vpop (erf)  }
0x84: {  	s1 =	sshra.s32 s8, $0x2;
	s8 =	smov.u32 s12;
	s12 =	sadd.s32 $0x240, s12;
	v9 =	vnsel vm0, $0x0, v9  }
0x85: {  	v10 =	vperm.xlane v9, v0;
	[tilespmem:s1+$0x53A0] =	vst v9;
	_ =	sdelay $0x1  }
0x86: {  	v9 =	vadd.f32 v9, v10;
	_ =	sdelay $0x1  }
0x87: {  	v4 =	vmul.f32 v9, v4;
	v2 =	vmul.f32 v9, v2  }
0x88: {  	v3 =	vmul.f32 v9, v3;
	v5 =	vmul.f32 v9, v5  }
0x89: {  	v1 =	vmul.f32 v9, v1;
	[tilespmem:s1+$0x5320] =	vst v4;
	v4 =	vmul.f32 v9, v6  }
0x8a: {  	v6 =	vmul.f32 v9, v8;
	[tilespmem:s1+$0x5340] =	vst v3;
	v3 =	vmul.f32 v9, v7  }
0x8b: {  	[tilespmem:s1+$0x5350] =	vst v5  }
0x8c: {  	[tilespmem:s1+$0x5360] =	vst v4  }
0x8d: {  	[tilespmem:s1+$0x5380] =	vst v3  }
0x8e: {  	[tilespmem:s1+$0x5390] =	vst v6  }
0x8f: {  	[tilespmem:s1+$0x5370] =	vst v1  }
0x90: {  	[tilespmem:s1+$0x5330] =	vst v2  }
0x91: {  	v1 =	vld [tilespmem:s9+$0xFFFFFFF0]  }
0x92: {  	v8 =	vld [tilespmem:s9+$0x30]  }
0x93: {  	v3 =	vld [tilespmem:s10+$0x60]  }
0x94: {  	v6 =	vld [tilespmem:s10+$0xFFFFFFA0]  }
0x95: {  	v7 =	vld [tilespmem:s10+$0xFFFFFFB0]  }
0x96: {  	v2 =	vld [tilespmem:s9+$0xFFFFFFB0]  }
0x97: {  	v9 =	vld [tilespmem:s9+$0x40]  }
0x98: {  	v4 =	vld [tilespmem:s9+$0xFFFFFFA0];
	(v2sf) =	vpush v3, $0x0  }
0x99: {  	v3 =	vld [tilespmem:s9+$0xFFFFFFC0]  }
0x9a: {  	v10 =	vld [tilespmem:s10+$0xFFFFFFC0]  }
0x9b: {  	v11 =	vld [tilespmem:s9+$0x20]  }
0x9c: {  	v5 =	vld [tilespmem:s9+$0xFFFFFFD0]  }
0x9d: {  	v7 =	vmul.f32 v2, v7;
	v6 =	vmul.f32 v4, v6;
	v12 =	vld [tilespmem:s10+$0xFFFFFFD0]  }
0x9e: {  	v13 =	vld [tilespmem:s10+$0x20]  }
0x9f: {  	v7 =	vmul.f32 $1.442695020e+00, v7;
	v14 =	vmul.f32 $1.442695020e+00, v6;
	v15 =	vld [tilespmem:s10+$0xFFFFFFE0]  }
0xa0: {  	v10 =	vmul.f32 v3, v10;
	v16 =	vld [tilespmem:s10+$0x30]  }
0xa1: {  	v6 =	vld [tilespmem:s9+$0xFFFFFFE0];
	(erf) = vpow2.f32 v7  }
0xa2: {  	v10 =	vmul.f32 $1.442695020e+00, v10;
	v17 =	vld [tilespmem:s10+$0x40];
	v7 =	vmul.f32 v5, v12  }
0xa3: {  	v11 =	vmul.f32 v11, v13;
	v12 =	vld [tilespmem:s10+$0xFFFFFFF0];
	(erf) = vpow2.f32 v14  }
0xa4: {  	v13 =	vmul.f32 $1.442695020e+00, v7;
	v7 =	vld [tilespmem:s9+$0x0];
	(erf) = vpow2.f32 v10  }
0xa5: {  	v10 =	vmul.f32 $1.442695020e+00, v11;
	v11 =	vmul.f32 v8, v16;
	v14 =	vld [tilespmem:s10+$0x0]  }
0xa6: {  	v15 =	vmul.f32 v6, v15;
	v8 =	vld [tilespmem:s9+$0x10];
	(erf) = vpow2.f32 v13  }
0xa7: {  	v9 =	vmul.f32 v9, v17;
	v13 =	vld [tilespmem:s9+$0x50];
	s1 =	spop (v2sf);
	(erf) = vpow2.f32 v10  }
0xa8: {  	s1 =	scvt.f32.s32 s1;
	v10 =	vld [tilespmem:s10+$0x50];
	v15 =	vmul.f32 $1.442695020e+00, v15;
	v12 =	vmul.f32 v1, v12  }
0xa9: {  	v18 =	vmul.f32 $1.442695020e+00, v11;
	v9 =	vmul.f32 $1.442695020e+00, v9;
	v16 =	vld [tilespmem:s10+$0x10]  }
0xaa: {  	s1 =	smul.u32 $0x380, s1;
	v12 =	vmul.f32 $1.442695020e+00, v12;
	v17 =	vpop (erf);
	(erf) = vpow2.f32 v15  }
0xab: {  	v14 =	vmul.f32 v7, v14;
	v15 =	vadd.f32 $1.000000000e+00, v17;
	(erf) = vpow2.f32 v18  }
0xac: {  	s13 =	sshra.s32 s1, $0x2;
	v11 =	vpop (erf);
	(erf) = vpow2.f32 v12  }
0xad: {  	v10 =	vmul.f32 v13, v10;
	v11 =	vadd.f32 $1.000000000e+00, v11;
	(erf) = vpow2.f32 v9;
	v9 =	vpop (erf)  }
0xae: {  	v12 =	vmul.f32 $1.442695020e+00, v14;
	v9 =	vadd.f32 $1.000000000e+00, v9;
	v13 =	vmul.f32 v8, v16  }
0xaf: {  	v10 =	vmul.f32 $1.442695020e+00, v10;
	(erf) = vrcp.f32 v15;
	v14 =	vpop (erf)  }
0xb0: {  	v14 =	vadd.f32 $1.000000000e+00, v14;
	v13 =	vmul.f32 $1.442695020e+00, v13;
	v15 =	vpop (erf);
	(erf) = vpow2.f32 v12  }
0xb1: {  	v12 =	vadd.f32 $1.000000000e+00, v15;
	(erf) = vrcp.f32 v9  }
0xb2: {  	(erf) = vrcp.f32 v11  }
0xb3: {  	(erf) = vpow2.f32 v10;
	v9 =	vpop (erf)  }
0xb4: {  	v10 =	vld [tilespmem:s13+$0x6F40];
	v9 =	vadd.f32 $1.000000000e+00, v9;
	v11 =	vpop (erf);
	(erf) = vrcp.f32 v14  }
0xb5: {  	v11 =	vadd.f32 $1.000000000e+00, v11;
	v14 =	vld [tilespmem:s13+$0x6F50];
	v15 =	vpop (erf);
	(erf) = vpow2.f32 v13  }
0xb6: {  	v13 =	vld [tilespmem:s13+$0x6F70];
	v16 =	vpop (erf);
	(erf) = vrcp.f32 v9  }
0xb7: {  	v9 =	vld [tilespmem:s13+$0x6F60];
	(erf) = vrcp.f32 v11  }
0xb8: {  	v15 =	vadd.f32 $1.000000000e+00, v15;
	v11 =	vld [tilespmem:s13+$0x6FC0];
	(erf) = vrcp.f32 v12;
	v12 =	vpop (erf)  }
0xb9: {  	v18 =	vadd.f32 $1.000000000e+00, v16;
	v17 =	vpop (erf)  }
0xba: {  	v12 =	vmul.f32 v12, v14;
	v14 =	vpop (erf);
	(erf) = vrcp.f32 v15  }
0xbb: {  	v15 =	vld [tilespmem:s13+$0x6F80];
	(erf) = vrcp.f32 v18;
	v16 =	vpop (erf)  }
0xbc: {  	v19 =	vadd.f32 $1.000000000e+00, v17;
	v18 =	vld [tilespmem:s13+$0x6FD0];
	v10 =	vmul.f32 v16, v10;
	v9 =	vmul.f32 v14, v9;
	v16 =	vpop (erf)  }
0xbd: {  	v20 =	vadd.f32 $1.000000000e+00, v16;
	v17 =	vpop (erf)  }
0xbe: {  	v10 =	vadd.f32 $0.0e+00, v10;
	v13 =	vmul.f32 v17, v13;
	(erf) = vrcp.f32 v19;
	v14 =	vpop (erf)  }
0xbf: {  	v17 =	vld [tilespmem:s13+$0x6F90];
	v14 =	vadd.f32 $1.000000000e+00, v14;
	(erf) = vrcp.f32 v20;
	v16 =	vpop (erf)  }
0xc0: {  	v19 =	vld [tilespmem:s13+$0x6FE0];
	v10 =	vadd.f32 v12, v10;
	v12 =	vmul.f32 v16, v15;
	v15 =	vpop (erf)  }
0xc1: {  	v15 =	vmul.f32 v15, v18;
	v16 =	vpop (erf);
	(erf) = vrcp.f32 v14  }
0xc2: {  	v11 =	vmul.f32 v16, v11;
	v9 =	vadd.f32 v9, v10  }
0xc3: {  	v10 =	vld [tilespmem:s13+$0x6FA0];
	v14 =	vpop (erf)  }
0xc4: {  	v11 =	vadd.f32 $0.0e+00, v11;
	v16 =	vld [tilespmem:s13+$0x6FF0];
	v9 =	vadd.f32 v13, v9;
	v13 =	vmul.f32 v14, v17;
	v14 =	vpop (erf)  }
0xc5: {  	v14 =	vmul.f32 v14, v19  }
0xc6: {  	v11 =	vadd.f32 v15, v11;
	v9 =	vadd.f32 v12, v9;
	v12 =	vld [tilespmem:s13+$0x6FB0]  }
0xc7: {  	v15 =	vpop (erf)  }
0xc8: {  	v11 =	vadd.f32 v14, v11;
	v9 =	vadd.f32 v13, v9;
	v14 =	vmul.f32 v15, v10;
	v13 =	vpop (erf)  }
0xc9: {  	v13 =	vmul.f32 v13, v16  }
0xca: {  	v9 =	vadd.f32 v14, v9;
	v10 =	vpop (erf)  }
0xcb: {  	v11 =	vadd.f32 v13, v11;
	v10 =	vmul.f32 v10, v12;
	_ =	sdelay $0x1  }
0xcc: {  	v9 =	vadd.f32 v10, v9;
	v10 =	vld [tilespmem:s13+$0x7000]  }
0xcd: {  	v12 =	vld [tilespmem:s13+$0x7010]  }
0xce: {  	v13 =	vperm.xlane v11, v0;
	v14 =	vperm.xlane v9, v0;
	_ =	sdelay $0x1  }
0xcf: {  	v11 =	vadd.f32 v11, v13;
	v9 =	vadd.f32 v9, v14;
	_ =	sdelay $0x1  }
0xd0: {  	v11 =	vsub.f32 v12, v11;
	v9 =	vsub.f32 v10, v9;
	_ =	sdelay $0x1  }
0xd1: {  	v9 =	vmul.f32 v9, v11;
	_ =	sdelay $0x1  }
.Ltmp0:
0xd2: {  	v9 =	vmax.f32 v9, $-6.000000000e+01;
	(pc) =	sbr.rel @p0 .LBB2_3-.Ltmp0, $3  }
0xd3: {  	v9 =	vmin.f32 v9, $6.000000000e+01  }
0xd4: {  	v9 =	vmul.f32 $1.442695020e+00, v9;
	_ =	sdelay $0x1  }
0xd5: {  	(erf) = vpow2.f32 v9  }
0xd6: {  	_ =	sdelay $0x7  }
0xd7: {  	v9 =	vpop (erf)  }
0xd8: {  	v9 =	vnsel vm0, $0x0, v9  }
0xd9: {  	v10 =	vperm.xlane v9, v0;
	_ =	sdelay $0x1  }
0xda: {  	v10 =	vadd.f32 v9, v10;
	_ =	sdelay $0x1  }
0xdb: {  	s1 =	sshra.s32 s8, $0x2;
	v4 =	vmul.f32 v10, v4  }
0xdc: {  	[tilespmem:s1+$0x53A0] =	vst v9;
	v3 =	vmul.f32 v10, v3  }
0xdd: {  	v5 =	vmul.f32 v10, v5;
	[tilespmem:s1+$0x5320] =	vst v4  }
0xde: {  	v1 =	vmul.f32 v10, v1;
	[tilespmem:s1+$0x5340] =	vst v3  }
0xdf: {  	v2 =	vmul.f32 v10, v2;
	[tilespmem:s1+$0x5350] =	vst v5  }
0xe0: {  	v4 =	vmul.f32 v10, v6;
	[tilespmem:s1+$0x5370] =	vst v1  }
0xe1: {  	v3 =	vmul.f32 v10, v7;
	[tilespmem:s1+$0x5330] =	vst v2  }
0xe2: {  	v5 =	vmul.f32 v10, v8;
	[tilespmem:s1+$0x5360] =	vst v4  }
0xe3: {  	[tilespmem:s1+$0x5380] =	vst v3  }
0xe4: {  	s8 =	simm.s32 $0x0;
	[tilespmem:s1+$0x5390] =	vst v5  }
0xe5: {  	[spmem:s3] =	stream.indirect.scatter.add.f32 [tilespmem:s26], [sflag:$0x3], $0x90, s8, s18, $0xb8;
	[tilespmem:$0x1D170] =	vst v63  }
0xe6: {  	_ =	swait.ge [sflag:s28], $0x1450  }
0xe7: {  	[sflag:s28] =	ssyncset.done $0x0  }
0xe8: {  	[sflag:s28] =	ssyncadd.s32 $0xFFFFEBB0  }
0xe9: {  	_ =	swait.ge [sflag:s28], $0x12C0  }
0xea: {  	[sflag:s28] =	ssyncset.done $0x0  }
0xeb: {  	[sflag:s28] =	ssyncadd.s32 $0xFFFFED40  }
0xec: {  	[tilespmem:s19], [sflag:$0x1] =	stream.indirect.gather [hbm4b:s6+s18], $0xD0, s29, s18, $0xb8;
	[tilespmem:$0x1D170] =	vst v63  }
0xed: {  	s9 =	simm.s32 $0x40C0  }
0xee: {  	[tilespmem:s20], [sflag:$0x1] =	stream.indirect.gather [hbm4b:s7+s18], $0xC0, s30, s18, $0xb8;
	[tilespmem:$0x1D170] =	vst v63  }
0xef: {  	v1 =	vld [tilespmem:s9+$0xFFFFFFF0]  }
0xf0: {  	s10 =	simm.s32 $0x19B0;
	v8 =	vld [tilespmem:s9+$0x30]  }
0xf1: {  	v7 =	vld [tilespmem:s10+$0x60]  }
0xf2: {  	v6 =	vld [tilespmem:s10+$0xFFFFFFA0]  }
0xf3: {  	v9 =	vld [tilespmem:s10+$0xFFFFFFB0]  }
0xf4: {  	v2 =	vld [tilespmem:s9+$0xFFFFFFB0]  }
0xf5: {  	v4 =	vld [tilespmem:s9+$0xFFFFFFA0]  }
0xf6: {  	v3 =	vld [tilespmem:s9+$0xFFFFFFC0]  }
0xf7: {  	v11 =	vld [tilespmem:s10+$0xFFFFFFC0]  }
0xf8: {  	v12 =	vld [tilespmem:s9+$0x20]  }
0xf9: {  	v5 =	vld [tilespmem:s9+$0xFFFFFFD0]  }
0xfa: {  	v13 =	vld [tilespmem:s10+$0xFFFFFFD0]  }
0xfb: {  	v14 =	vld [tilespmem:s10+$0x20]  }
0xfc: {  	v15 =	vld [tilespmem:s10+$0xFFFFFFE0]  }
0xfd: {  	v16 =	vld [tilespmem:s10+$0x30];
	v9 =	vmul.f32 v2, v9;
	v6 =	vmul.f32 v4, v6  }
0xfe: {  	v26 =	vld [tilespmem:s10+$0xFFFFFFF0];
	v11 =	vmul.f32 v3, v11  }
0xff: {  	v9 =	vmul.f32 $1.442695020e+00, v9;
	v17 =	vmul.f32 $1.442695020e+00, v6;
	v6 =	vld [tilespmem:s9+$0xFFFFFFE0]  }
0x100: {  	v10 =	vld [tilespmem:s9+$0x40];
	(v2sf) =	vpush v7, $0x0;
	v12 =	vmul.f32 v12, v14;
	v7 =	vmul.f32 $1.442695020e+00, v11  }
0x101: {  	v11 =	vmul.f32 v5, v13;
	(erf) = vpow2.f32 v9;
	v9 =	vld [tilespmem:s10+$0x40]  }
0x102: {  	v27 =	vmul.f32 v8, v16;
	(erf) = vpow2.f32 v17  }
0x103: {  	v28 =	vld [tilespmem:s10+$0x0];
	v11 =	vmul.f32 $1.442695020e+00, v11;
	(erf) = vpow2.f32 v7  }
0x104: {  	v29 =	vmul.f32 v1, v26;
	v7 =	vld [tilespmem:s9+$0x0];
	v15 =	vmul.f32 v6, v15  }
0x105: {  	v30 =	vld [tilespmem:s10+$0x50];
	v12 =	vmul.f32 $1.442695020e+00, v12;
	(erf) = vpow2.f32 v11  }
0x106: {  	v31 =	vld [tilespmem:s10+$0x10];
	v9 =	vmul.f32 v10, v9;
	v11 =	vmul.f32 $1.442695020e+00, v15  }
0x107: {  	v14 =	vmul.f32 $1.442695020e+00, v27;
	(erf) = vpow2.f32 v12;
	v10 =	vld [tilespmem:s9+$0x50]  }
0x108: {  	v8 =	vld [tilespmem:s9+$0x10];
	v12 =	vmul.f32 $1.442695020e+00, v29;
	v9 =	vmul.f32 $1.442695020e+00, v9  }
0x109: {  	(erf) = vpow2.f32 v11;
	v16 =	vmul.f32 v7, v28  }
0x10a: {  	(erf) = vpow2.f32 v14;
	v11 =	vpop (erf)  }
0x10b: {  	v33 =	vmul.f32 $1.442695020e+00, v16;
	v11 =	vadd.f32 $1.000000000e+00, v11;
	v32 =	vpop (erf);
	(erf) = vpow2.f32 v12  }
0x10c: {  	v10 =	vmul.f32 v10, v30;
	(erf) = vpow2.f32 v9;
	v9 =	vpop (erf)  }
0x10d: {  	v34 =	vmul.f32 v8, v31;
	v9 =	vadd.f32 $1.000000000e+00, v9;
	(erf) = vrcp.f32 v11  }
0x10e: {  	v10 =	vmul.f32 $1.442695020e+00, v10;
	v35 =	vpop (erf);
	(erf) = vpow2.f32 v33  }
0x10f: {  	v11 =	vadd.f32 $1.000000000e+00, v32;
	(erf) = vrcp.f32 v9;
	v9 =	vadd.f32 $1.000000000e+00, v35;
	_ =	sdelay $0x1  }
0x110: {  	s16 =	spop (v2sf);
	v36 =	vpop (erf);
	(erf) = vrcp.f32 v11;
	v11 =	vmul.f32 $1.442695020e+00, v34  }
0x111: {  	s1 =	scvt.f32.s32 s16;
	(erf) = vpow2.f32 v10;
	v10 =	vpop (erf)  }
0x112: {  	(erf) = vrcp.f32 v9;
	v10 =	vadd.f32 $1.000000000e+00, v10;
	v9 =	vpop (erf)  }
0x113: {  	s1 =	smul.u32 $0x380, s1;
	(erf) = vpow2.f32 v11;
	v9 =	vadd.f32 $1.000000000e+00, v9  }
0x114: {  	v11 =	vpop (erf)  }
0x115: {  	s1 =	sshra.s32 s1, $0x2;
	v37 =	vpop (erf)  }
0x116: {  	v38 =	vld [tilespmem:s1+$0x6F40];
	(erf) = vrcp.f32 v10;
	v10 =	vpop (erf)  }
0x117: {  	v12 =	vadd.f32 $1.000000000e+00, v36;
	v39 =	vld [tilespmem:s1+$0x6F50];
	(erf) = vrcp.f32 v9;
	v9 =	vpop (erf)  }
0x118: {  	v40 =	vpop (erf)  }
0x119: {  	v11 =	vadd.f32 $1.000000000e+00, v11;
	(erf) = vrcp.f32 v12;
	v41 =	vpop (erf)  }
0x11a: {  	v42 =	vld [tilespmem:s1+$0x6F60];
	v13 =	vadd.f32 $1.000000000e+00, v37;
	v18 =	vpop (erf)  }
0x11b: {  	(erf) = vrcp.f32 v11;
	v9 =	vadd.f32 $1.000000000e+00, v9;
	v11 =	vmul.f32 v41, v38;
	v43 =	vpop (erf)  }
0x11c: {  	v44 =	vld [tilespmem:s1+$0x6F70];
	v10 =	vmul.f32 v10, v39;
	(erf) = vrcp.f32 v13;
	v45 =	vadd.f32 $1.000000000e+00, v18;
	v46 =	vpop (erf)  }
0x11d: {  	v47 =	vld [tilespmem:s1+$0x6FC0];
	v11 =	vadd.f32 $0.0e+00, v11;
	(erf) = vrcp.f32 v9;
	v9 =	vadd.f32 $1.000000000e+00, v46  }
0x11e: {  	v48 =	vld [tilespmem:s1+$0x6F80];
	(erf) = vrcp.f32 v45  }
0x11f: {  	v49 =	vld [tilespmem:s1+$0x6FD0];
	v12 =	vmul.f32 v40, v42;
	v50 =	vpop (erf);
	v10 =	vadd.f32 v10, v11;
	(erf) = vrcp.f32 v9  }
0x120: {  	v9 =	vld [tilespmem:s1+$0x6F90]  }
0x121: {  	v51 =	vld [tilespmem:s1+$0x6FE0];
	v14 =	vmul.f32 v43, v44;
	v11 =	vpop (erf);
	v10 =	vadd.f32 v12, v10  }
0x122: {  	v53 =	vld [tilespmem:s1+$0x6FA0];
	v19 =	vpop (erf)  }
0x123: {  	v54 =	vld [tilespmem:s1+$0x6FF0];
	v15 =	vmul.f32 v50, v48;
	v52 =	vmul.f32 v19, v47;
	v10 =	vadd.f32 v14, v10  }
0x124: {  	v56 =	vld [tilespmem:s1+$0x6FB0];
	v11 =	vmul.f32 v11, v49;
	v55 =	vpop (erf)  }
0x125: {  	v57 =	vpop (erf);
	v12 =	vadd.f32 $0.0e+00, v52;
	v9 =	vmul.f32 v55, v9;
	v10 =	vadd.f32 v15, v10  }
0x126: {  	v13 =	vmul.f32 v57, v51;
	v58 =	vpop (erf)  }
0x127: {  	v11 =	vadd.f32 v11, v12;
	v9 =	vadd.f32 v9, v10;
	v10 =	vmul.f32 v58, v53;
	v59 =	vpop (erf)  }
0x128: {  	v12 =	vmul.f32 v59, v54;
	v60 =	vpop (erf)  }
0x129: {  	v11 =	vadd.f32 v13, v11;
	v9 =	vadd.f32 v10, v9;
	v10 =	vmul.f32 v60, v56;
	_ =	sdelay $0x1  }
0x12a: {  	v61 =	vld [tilespmem:s1+$0x7010];
	v11 =	vadd.f32 v12, v11;
	v9 =	vadd.f32 v10, v9  }
0x12b: {  	v10 =	vld [tilespmem:s1+$0x7000]  }
0x12c: {  	v62 =	vperm.xlane v11, v0;
	v63 =	vperm.xlane v9, v0;
	_ =	sdelay $0x1  }
0x12d: {  	v11 =	vadd.f32 v11, v62;
	v9 =	vadd.f32 v9, v63;
	_ =	sdelay $0x1  }
0x12e: {  	v11 =	vsub.f32 v61, v11;
	v9 =	vsub.f32 v10, v9;
	_ =	sdelay $0x1  }
0x12f: {  	v9 =	vmul.f32 v9, v11;
	_ =	sdelay $0x1  }
0x130: {  	v9 =	vmax.f32 v9, $-6.000000000e+01  }
0x131: {  	v9 =	vmin.f32 v9, $6.000000000e+01  }
0x132: {  	v9 =	vmul.f32 $1.442695020e+00, v9;
	_ =	sdelay $0x1  }
0x133: {  	s12 =	simm.s32 $0x240;
	(erf) = vpow2.f32 v9  }
.LBB2_5:
0x134: {  	_ =	sdelay $0x7  }
0x135: {  	p0 =	sne.s32 s12, $0x3600;
	s9 =	sadd.s32 $0xC0, s9;
	s10 =	sadd.s32 $0xD0, s10;
	v9 =	vpop (erf)  }
0x136: {  	s1 =	sshra.s32 s8, $0x2;
	s8 =	smov.u32 s12;
	s12 =	sadd.s32 $0x240, s12;
	v9 =	vnsel vm0, $0x0, v9  }
0x137: {  	v10 =	vperm.xlane v9, v0;
	[tilespmem:s1+$0x61B0] =	vst v9;
	_ =	sdelay $0x1  }
0x138: {  	v9 =	vadd.f32 v9, v10;
	_ =	sdelay $0x1  }
0x139: {  	v4 =	vmul.f32 v9, v4;
	v2 =	vmul.f32 v9, v2  }
0x13a: {  	v3 =	vmul.f32 v9, v3;
	v5 =	vmul.f32 v9, v5  }
0x13b: {  	v1 =	vmul.f32 v9, v1;
	[tilespmem:s1+$0x6130] =	vst v4;
	v4 =	vmul.f32 v9, v6  }
0x13c: {  	v6 =	vmul.f32 v9, v8;
	[tilespmem:s1+$0x6150] =	vst v3;
	v3 =	vmul.f32 v9, v7  }
0x13d: {  	[tilespmem:s1+$0x6160] =	vst v5  }
0x13e: {  	[tilespmem:s1+$0x6170] =	vst v4  }
0x13f: {  	[tilespmem:s1+$0x6190] =	vst v3  }
0x140: {  	[tilespmem:s1+$0x61A0] =	vst v6  }
0x141: {  	[tilespmem:s1+$0x6180] =	vst v1  }
0x142: {  	[tilespmem:s1+$0x6140] =	vst v2  }
0x143: {  	v1 =	vld [tilespmem:s9+$0xFFFFFFF0]  }
0x144: {  	v8 =	vld [tilespmem:s9+$0x30]  }
0x145: {  	v3 =	vld [tilespmem:s10+$0x60]  }
0x146: {  	v6 =	vld [tilespmem:s10+$0xFFFFFFA0]  }
0x147: {  	v7 =	vld [tilespmem:s10+$0xFFFFFFB0]  }
0x148: {  	v2 =	vld [tilespmem:s9+$0xFFFFFFB0]  }
0x149: {  	v9 =	vld [tilespmem:s9+$0x40]  }
0x14a: {  	v4 =	vld [tilespmem:s9+$0xFFFFFFA0];
	(v2sf) =	vpush v3, $0x0  }
0x14b: {  	v3 =	vld [tilespmem:s9+$0xFFFFFFC0]  }
0x14c: {  	v10 =	vld [tilespmem:s10+$0xFFFFFFC0]  }
0x14d: {  	v11 =	vld [tilespmem:s9+$0x20]  }
0x14e: {  	v5 =	vld [tilespmem:s9+$0xFFFFFFD0]  }
0x14f: {  	v7 =	vmul.f32 v2, v7;
	v6 =	vmul.f32 v4, v6;
	v12 =	vld [tilespmem:s10+$0xFFFFFFD0]  }
0x150: {  	v13 =	vld [tilespmem:s10+$0x20]  }
0x151: {  	v7 =	vmul.f32 $1.442695020e+00, v7;
	v14 =	vmul.f32 $1.442695020e+00, v6;
	v15 =	vld [tilespmem:s10+$0xFFFFFFE0]  }
0x152: {  	v10 =	vmul.f32 v3, v10;
	v16 =	vld [tilespmem:s10+$0x30]  }
0x153: {  	v6 =	vld [tilespmem:s9+$0xFFFFFFE0];
	(erf) = vpow2.f32 v7  }
0x154: {  	v10 =	vmul.f32 $1.442695020e+00, v10;
	v17 =	vld [tilespmem:s10+$0x40];
	v7 =	vmul.f32 v5, v12  }
0x155: {  	v11 =	vmul.f32 v11, v13;
	v12 =	vld [tilespmem:s10+$0xFFFFFFF0];
	(erf) = vpow2.f32 v14  }
0x156: {  	v13 =	vmul.f32 $1.442695020e+00, v7;
	v7 =	vld [tilespmem:s9+$0x0];
	(erf) = vpow2.f32 v10  }
0x157: {  	v10 =	vmul.f32 $1.442695020e+00, v11;
	v11 =	vmul.f32 v8, v16;
	v14 =	vld [tilespmem:s10+$0x0]  }
0x158: {  	v15 =	vmul.f32 v6, v15;
	v8 =	vld [tilespmem:s9+$0x10];
	(erf) = vpow2.f32 v13  }
0x159: {  	v9 =	vmul.f32 v9, v17;
	v13 =	vld [tilespmem:s9+$0x50];
	s1 =	spop (v2sf);
	(erf) = vpow2.f32 v10  }
0x15a: {  	s1 =	scvt.f32.s32 s1;
	v10 =	vld [tilespmem:s10+$0x50];
	v15 =	vmul.f32 $1.442695020e+00, v15;
	v12 =	vmul.f32 v1, v12  }
0x15b: {  	v18 =	vmul.f32 $1.442695020e+00, v11;
	v9 =	vmul.f32 $1.442695020e+00, v9;
	v16 =	vld [tilespmem:s10+$0x10]  }
0x15c: {  	s1 =	smul.u32 $0x380, s1;
	v12 =	vmul.f32 $1.442695020e+00, v12;
	v17 =	vpop (erf);
	(erf) = vpow2.f32 v15  }
0x15d: {  	v14 =	vmul.f32 v7, v14;
	v15 =	vadd.f32 $1.000000000e+00, v17;
	(erf) = vpow2.f32 v18  }
0x15e: {  	s13 =	sshra.s32 s1, $0x2;
	v11 =	vpop (erf);
	(erf) = vpow2.f32 v12  }
0x15f: {  	v10 =	vmul.f32 v13, v10;
	v11 =	vadd.f32 $1.000000000e+00, v11;
	(erf) = vpow2.f32 v9;
	v9 =	vpop (erf)  }
0x160: {  	v12 =	vmul.f32 $1.442695020e+00, v14;
	v9 =	vadd.f32 $1.000000000e+00, v9;
	v13 =	vmul.f32 v8, v16  }
0x161: {  	v10 =	vmul.f32 $1.442695020e+00, v10;
	(erf) = vrcp.f32 v15;
	v14 =	vpop (erf)  }
0x162: {  	v14 =	vadd.f32 $1.000000000e+00, v14;
	v13 =	vmul.f32 $1.442695020e+00, v13;
	v15 =	vpop (erf);
	(erf) = vpow2.f32 v12  }
0x163: {  	v12 =	vadd.f32 $1.000000000e+00, v15;
	(erf) = vrcp.f32 v9  }
0x164: {  	(erf) = vrcp.f32 v11  }
0x165: {  	(erf) = vpow2.f32 v10;
	v9 =	vpop (erf)  }
0x166: {  	v10 =	vld [tilespmem:s13+$0x6F40];
	v9 =	vadd.f32 $1.000000000e+00, v9;
	v11 =	vpop (erf);
	(erf) = vrcp.f32 v14  }
0x167: {  	v11 =	vadd.f32 $1.000000000e+00, v11;
	v14 =	vld [tilespmem:s13+$0x6F50];
	v15 =	vpop (erf);
	(erf) = vpow2.f32 v13  }
0x168: {  	v13 =	vld [tilespmem:s13+$0x6F70];
	v16 =	vpop (erf);
	(erf) = vrcp.f32 v9  }
0x169: {  	v9 =	vld [tilespmem:s13+$0x6F60];
	(erf) = vrcp.f32 v11  }
0x16a: {  	v15 =	vadd.f32 $1.000000000e+00, v15;
	v11 =	vld [tilespmem:s13+$0x6FC0];
	(erf) = vrcp.f32 v12;
	v12 =	vpop (erf)  }
0x16b: {  	v18 =	vadd.f32 $1.000000000e+00, v16;
	v17 =	vpop (erf)  }
0x16c: {  	v12 =	vmul.f32 v12, v14;
	v14 =	vpop (erf);
	(erf) = vrcp.f32 v15  }
0x16d: {  	v15 =	vld [tilespmem:s13+$0x6F80];
	(erf) = vrcp.f32 v18;
	v16 =	vpop (erf)  }
0x16e: {  	v19 =	vadd.f32 $1.000000000e+00, v17;
	v18 =	vld [tilespmem:s13+$0x6FD0];
	v10 =	vmul.f32 v16, v10;
	v9 =	vmul.f32 v14, v9;
	v16 =	vpop (erf)  }
0x16f: {  	v20 =	vadd.f32 $1.000000000e+00, v16;
	v17 =	vpop (erf)  }
0x170: {  	v10 =	vadd.f32 $0.0e+00, v10;
	v13 =	vmul.f32 v17, v13;
	(erf) = vrcp.f32 v19;
	v14 =	vpop (erf)  }
0x171: {  	v17 =	vld [tilespmem:s13+$0x6F90];
	v14 =	vadd.f32 $1.000000000e+00, v14;
	(erf) = vrcp.f32 v20;
	v16 =	vpop (erf)  }
0x172: {  	v19 =	vld [tilespmem:s13+$0x6FE0];
	v10 =	vadd.f32 v12, v10;
	v12 =	vmul.f32 v16, v15;
	v15 =	vpop (erf)  }
0x173: {  	v15 =	vmul.f32 v15, v18;
	v16 =	vpop (erf);
	(erf) = vrcp.f32 v14  }
0x174: {  	v11 =	vmul.f32 v16, v11;
	v9 =	vadd.f32 v9, v10  }
0x175: {  	v10 =	vld [tilespmem:s13+$0x6FA0];
	v14 =	vpop (erf)  }
0x176: {  	v11 =	vadd.f32 $0.0e+00, v11;
	v16 =	vld [tilespmem:s13+$0x6FF0];
	v9 =	vadd.f32 v13, v9;
	v13 =	vmul.f32 v14, v17;
	v14 =	vpop (erf)  }
0x177: {  	v14 =	vmul.f32 v14, v19  }
0x178: {  	v11 =	vadd.f32 v15, v11;
	v9 =	vadd.f32 v12, v9;
	v12 =	vld [tilespmem:s13+$0x6FB0]  }
0x179: {  	v15 =	vpop (erf)  }
0x17a: {  	v11 =	vadd.f32 v14, v11;
	v9 =	vadd.f32 v13, v9;
	v14 =	vmul.f32 v15, v10;
	v13 =	vpop (erf)  }
0x17b: {  	v13 =	vmul.f32 v13, v16  }
0x17c: {  	v9 =	vadd.f32 v14, v9;
	v10 =	vpop (erf)  }
0x17d: {  	v11 =	vadd.f32 v13, v11;
	v10 =	vmul.f32 v10, v12;
	_ =	sdelay $0x1  }
0x17e: {  	v9 =	vadd.f32 v10, v9;
	v10 =	vld [tilespmem:s13+$0x7000]  }
0x17f: {  	v12 =	vld [tilespmem:s13+$0x7010]  }
0x180: {  	v13 =	vperm.xlane v11, v0;
	v14 =	vperm.xlane v9, v0;
	_ =	sdelay $0x1  }
0x181: {  	v11 =	vadd.f32 v11, v13;
	v9 =	vadd.f32 v9, v14;
	_ =	sdelay $0x1  }
0x182: {  	v11 =	vsub.f32 v12, v11;
	v9 =	vsub.f32 v10, v9;
	_ =	sdelay $0x1  }
0x183: {  	v9 =	vmul.f32 v9, v11;
	_ =	sdelay $0x1  }
.Ltmp1:
0x184: {  	v9 =	vmax.f32 v9, $-6.000000000e+01;
	(pc) =	sbr.rel @p0 .LBB2_5-.Ltmp1, $3  }
0x185: {  	v9 =	vmin.f32 v9, $6.000000000e+01  }
0x186: {  	v9 =	vmul.f32 $1.442695020e+00, v9;
	_ =	sdelay $0x1  }
0x187: {  	(erf) = vpow2.f32 v9  }
0x188: {  	_ =	sdelay $0x7  }
0x189: {  	v9 =	vpop (erf)  }
0x18a: {  	v9 =	vnsel vm0, $0x0, v9  }
0x18b: {  	v10 =	vperm.xlane v9, v0;
	_ =	sdelay $0x1  }
0x18c: {  	v10 =	vadd.f32 v9, v10;
	_ =	sdelay $0x1  }
0x18d: {  	s1 =	sshra.s32 s8, $0x2;
	v4 =	vmul.f32 v10, v4  }
0x18e: {  	[tilespmem:s1+$0x61B0] =	vst v9;
	v3 =	vmul.f32 v10, v3  }
0x18f: {  	v5 =	vmul.f32 v10, v5;
	[tilespmem:s1+$0x6130] =	vst v4  }
0x190: {  	v62 =	vmul.f32 v10, v6;
	[tilespmem:s1+$0x6150] =	vst v3  }
0x191: {  	v63 =	vmul.f32 v10, v8;
	[tilespmem:s1+$0x6160] =	vst v5  }
0x192: {  	v1 =	vmul.f32 v10, v1;
	[tilespmem:s1+$0x6170] =	vst v62  }
0x193: {  	v2 =	vmul.f32 v10, v2;
	[tilespmem:s1+$0x61A0] =	vst v63  }
0x194: {  	v3 =	vmul.f32 v10, v7;
	[tilespmem:s1+$0x6180] =	vst v1  }
0x195: {  	[tilespmem:s1+$0x6140] =	vst v2  }
0x196: {  	s8 =	simm.s32 $0x1;
	[tilespmem:s1+$0x6190] =	vst v3  }
0x197: {  	[spmem:s3] =	stream.indirect.scatter.add.f32 [tilespmem:s31], [sflag:$0x4], $0x90, s22, s18, $0xb8;
	[tilespmem:$0x1D170] =	vst v63  }
.LBB2_7:
0x198: {  	_ =	swait.ge [sflag:s21], $0x1450  }
0x199: {  	[sflag:s21] =	ssyncset.done $0x0  }
0x19a: {  	[sflag:s21] =	ssyncadd.s32 $0xFFFFEBB0  }
0x19b: {  	_ =	swait.ge [sflag:s21], $0x12C0  }
0x19c: {  	s12 =	sshll.u32 s8, $0x6;
	[sflag:s21] =	ssyncset.done $0x0  }
0x19d: {  	s9 =	sor.u32 $0x20, s12;
	[sflag:s21] =	ssyncadd.s32 $0xFFFFED40  }
0x19e: {  	[tilespmem:s23], [sflag:$0x2] =	stream.indirect.gather [hbm4b:s6+s18], $0xD0, s9, s18, $0xb8;
	[tilespmem:$0x1D170] =	vst v63  }
0x19f: {  	s1 =	sadd.s32 $0x2A0, s12  }
0x1a0: {  	[tilespmem:s25], [sflag:$0x2] =	stream.indirect.gather [hbm4b:s7+s18], $0xC0, s1, s18, $0xb8;
	[tilespmem:$0x1D170] =	vst v63  }
0x1a1: {  	_ =	swait.ge [sflag:s0], $0xE10  }
0x1a2: {  	[sflag:s0] =	ssyncset.done $0x0  }
0x1a3: {  	s13 =	simm.s32 $0x2E00;
	[sflag:s0] =	ssyncadd.s32 $0xFFFFF1F0  }
0x1a4: {  	v1 =	vld [tilespmem:s13+$0xFFFFFFF0]  }
0x1a5: {  	s10 =	simm.s32 $0x560;
	v8 =	vld [tilespmem:s13+$0x30]  }
0x1a6: {  	v7 =	vld [tilespmem:s10+$0x60]  }
0x1a7: {  	v6 =	vld [tilespmem:s10+$0xFFFFFFA0]  }
0x1a8: {  	v9 =	vld [tilespmem:s10+$0xFFFFFFB0]  }
0x1a9: {  	v2 =	vld [tilespmem:s13+$0xFFFFFFB0]  }
0x1aa: {  	v4 =	vld [tilespmem:s13+$0xFFFFFFA0]  }
0x1ab: {  	v3 =	vld [tilespmem:s13+$0xFFFFFFC0]  }
0x1ac: {  	v11 =	vld [tilespmem:s10+$0xFFFFFFC0]  }
0x1ad: {  	v12 =	vld [tilespmem:s13+$0x20]  }
0x1ae: {  	v5 =	vld [tilespmem:s13+$0xFFFFFFD0]  }
0x1af: {  	v13 =	vld [tilespmem:s10+$0xFFFFFFD0]  }
0x1b0: {  	v14 =	vld [tilespmem:s10+$0x20]  }
0x1b1: {  	v15 =	vld [tilespmem:s10+$0xFFFFFFE0]  }
0x1b2: {  	v16 =	vld [tilespmem:s10+$0x30];
	v9 =	vmul.f32 v2, v9;
	v6 =	vmul.f32 v4, v6  }
0x1b3: {  	v26 =	vld [tilespmem:s10+$0xFFFFFFF0];
	v11 =	vmul.f32 v3, v11  }
0x1b4: {  	v9 =	vmul.f32 $1.442695020e+00, v9;
	v17 =	vmul.f32 $1.442695020e+00, v6;
	v6 =	vld [tilespmem:s13+$0xFFFFFFE0]  }
0x1b5: {  	v10 =	vld [tilespmem:s13+$0x40];
	(v2sf) =	vpush v7, $0x0;
	v12 =	vmul.f32 v12, v14;
	v7 =	vmul.f32 $1.442695020e+00, v11  }
0x1b6: {  	v11 =	vmul.f32 v5, v13;
	(erf) = vpow2.f32 v9;
	v9 =	vld [tilespmem:s10+$0x40]  }
0x1b7: {  	v27 =	vmul.f32 v8, v16;
	(erf) = vpow2.f32 v17  }
0x1b8: {  	v28 =	vld [tilespmem:s10+$0x0];
	v11 =	vmul.f32 $1.442695020e+00, v11;
	(erf) = vpow2.f32 v7  }
0x1b9: {  	v29 =	vmul.f32 v1, v26;
	v7 =	vld [tilespmem:s13+$0x0];
	v15 =	vmul.f32 v6, v15  }
0x1ba: {  	v30 =	vld [tilespmem:s10+$0x50];
	v12 =	vmul.f32 $1.442695020e+00, v12;
	(erf) = vpow2.f32 v11  }
0x1bb: {  	v31 =	vld [tilespmem:s10+$0x10];
	v9 =	vmul.f32 v10, v9;
	v11 =	vmul.f32 $1.442695020e+00, v15  }
0x1bc: {  	v14 =	vmul.f32 $1.442695020e+00, v27;
	(erf) = vpow2.f32 v12;
	v10 =	vld [tilespmem:s13+$0x50]  }
0x1bd: {  	v8 =	vld [tilespmem:s13+$0x10];
	v12 =	vmul.f32 $1.442695020e+00, v29;
	v9 =	vmul.f32 $1.442695020e+00, v9  }
0x1be: {  	(erf) = vpow2.f32 v11;
	v16 =	vmul.f32 v7, v28  }
0x1bf: {  	v11 =	vpop (erf);
	(erf) = vpow2.f32 v14  }
0x1c0: {  	v33 =	vmul.f32 $1.442695020e+00, v16;
	v11 =	vadd.f32 $1.000000000e+00, v11;
	v32 =	vpop (erf);
	(erf) = vpow2.f32 v12  }
0x1c1: {  	v10 =	vmul.f32 v10, v30;
	(erf) = vpow2.f32 v9;
	v9 =	vpop (erf)  }
0x1c2: {  	v34 =	vmul.f32 v8, v31;
	v9 =	vadd.f32 $1.000000000e+00, v9;
	(erf) = vrcp.f32 v11  }
0x1c3: {  	v10 =	vmul.f32 $1.442695020e+00, v10;
	v35 =	vpop (erf);
	(erf) = vpow2.f32 v33  }
0x1c4: {  	v11 =	vadd.f32 $1.000000000e+00, v32;
	(erf) = vrcp.f32 v9;
	v9 =	vadd.f32 $1.000000000e+00, v35;
	_ =	sdelay $0x1  }
0x1c5: {  	s16 =	spop (v2sf);
	v36 =	vpop (erf);
	(erf) = vrcp.f32 v11;
	v11 =	vmul.f32 $1.442695020e+00, v34  }
0x1c6: {  	s1 =	scvt.f32.s32 s16;
	(erf) = vpow2.f32 v10;
	v10 =	vpop (erf)  }
0x1c7: {  	(erf) = vrcp.f32 v9;
	v10 =	vadd.f32 $1.000000000e+00, v10;
	v9 =	vpop (erf)  }
0x1c8: {  	s1 =	smul.u32 $0x380, s1;
	(erf) = vpow2.f32 v11;
	v9 =	vadd.f32 $1.000000000e+00, v9  }
0x1c9: {  	v11 =	vpop (erf)  }
0x1ca: {  	s1 =	sshra.s32 s1, $0x2;
	v37 =	vpop (erf)  }
0x1cb: {  	v38 =	vld [tilespmem:s1+$0x6F40];
	(erf) = vrcp.f32 v10;
	v10 =	vpop (erf)  }
0x1cc: {  	v12 =	vadd.f32 $1.000000000e+00, v36;
	v39 =	vld [tilespmem:s1+$0x6F50];
	(erf) = vrcp.f32 v9;
	v9 =	vpop (erf)  }
0x1cd: {  	v40 =	vpop (erf)  }
0x1ce: {  	v11 =	vadd.f32 $1.000000000e+00, v11;
	(erf) = vrcp.f32 v12;
	v41 =	vpop (erf)  }
0x1cf: {  	v42 =	vld [tilespmem:s1+$0x6F60];
	v13 =	vadd.f32 $1.000000000e+00, v37;
	v18 =	vpop (erf)  }
0x1d0: {  	(erf) = vrcp.f32 v11;
	v9 =	vadd.f32 $1.000000000e+00, v9;
	v11 =	vmul.f32 v41, v38;
	v43 =	vpop (erf)  }
0x1d1: {  	v44 =	vld [tilespmem:s1+$0x6F70];
	v10 =	vmul.f32 v10, v39;
	(erf) = vrcp.f32 v13;
	v45 =	vadd.f32 $1.000000000e+00, v18;
	v46 =	vpop (erf)  }
0x1d2: {  	v47 =	vld [tilespmem:s1+$0x6FC0];
	v11 =	vadd.f32 $0.0e+00, v11;
	(erf) = vrcp.f32 v9;
	v9 =	vadd.f32 $1.000000000e+00, v46  }
0x1d3: {  	v48 =	vld [tilespmem:s1+$0x6F80];
	(erf) = vrcp.f32 v45  }
0x1d4: {  	v49 =	vld [tilespmem:s1+$0x6FD0];
	v12 =	vmul.f32 v40, v42;
	v50 =	vpop (erf);
	v10 =	vadd.f32 v10, v11;
	(erf) = vrcp.f32 v9  }
0x1d5: {  	v9 =	vld [tilespmem:s1+$0x6F90]  }
0x1d6: {  	v51 =	vld [tilespmem:s1+$0x6FE0];
	v14 =	vmul.f32 v43, v44;
	v11 =	vpop (erf);
	v10 =	vadd.f32 v12, v10  }
0x1d7: {  	v53 =	vld [tilespmem:s1+$0x6FA0];
	v19 =	vpop (erf)  }
0x1d8: {  	v54 =	vld [tilespmem:s1+$0x6FF0];
	v15 =	vmul.f32 v50, v48;
	v52 =	vmul.f32 v19, v47;
	v10 =	vadd.f32 v14, v10  }
0x1d9: {  	v56 =	vld [tilespmem:s1+$0x6FB0];
	v11 =	vmul.f32 v11, v49;
	v55 =	vpop (erf)  }
0x1da: {  	v57 =	vpop (erf);
	v12 =	vadd.f32 $0.0e+00, v52;
	v9 =	vmul.f32 v55, v9;
	v10 =	vadd.f32 v15, v10  }
0x1db: {  	v13 =	vmul.f32 v57, v51;
	v58 =	vpop (erf)  }
0x1dc: {  	v11 =	vadd.f32 v11, v12;
	v9 =	vadd.f32 v9, v10;
	v10 =	vmul.f32 v58, v53;
	v59 =	vpop (erf)  }
0x1dd: {  	v12 =	vmul.f32 v59, v54;
	v60 =	vpop (erf)  }
0x1de: {  	v11 =	vadd.f32 v13, v11;
	v9 =	vadd.f32 v10, v9;
	v10 =	vmul.f32 v60, v56;
	_ =	sdelay $0x1  }
0x1df: {  	v61 =	vld [tilespmem:s1+$0x7010];
	v11 =	vadd.f32 v12, v11;
	v9 =	vadd.f32 v10, v9  }
0x1e0: {  	v10 =	vld [tilespmem:s1+$0x7000]  }
0x1e1: {  	v62 =	vperm.xlane v11, v0;
	v63 =	vperm.xlane v9, v0;
	_ =	sdelay $0x1  }
0x1e2: {  	v11 =	vadd.f32 v11, v62;
	v9 =	vadd.f32 v9, v63;
	_ =	sdelay $0x1  }
0x1e3: {  	v11 =	vsub.f32 v61, v11;
	v9 =	vsub.f32 v10, v9;
	_ =	sdelay $0x1  }
0x1e4: {  	v9 =	vmul.f32 v9, v11;
	_ =	sdelay $0x1  }
0x1e5: {  	v9 =	vmax.f32 v9, $-6.000000000e+01  }
0x1e6: {  	v9 =	vmin.f32 v9, $6.000000000e+01  }
0x1e7: {  	v9 =	vmul.f32 $1.442695020e+00, v9;
	_ =	sdelay $0x1  }
0x1e8: {  	s14 =	simm.s32 $0x0;
	s16 =	simm.s32 $0x240;
	(erf) = vpow2.f32 v9  }
.LBB2_8:
0x1e9: {  	_ =	sdelay $0x7  }
0x1ea: {  	p0 =	sne.s32 s16, $0x3600;
	s13 =	sadd.s32 $0xC0, s13;
	s10 =	sadd.s32 $0xD0, s10;
	v9 =	vpop (erf)  }
0x1eb: {  	s1 =	sshra.s32 s14, $0x2;
	s14 =	smov.u32 s16;
	s16 =	sadd.s32 $0x240, s16;
	v9 =	vnsel vm0, $0x0, v9  }
0x1ec: {  	v10 =	vperm.xlane v9, v0;
	[tilespmem:s1+$0x53A0] =	vst v9;
	_ =	sdelay $0x1  }
0x1ed: {  	v9 =	vadd.f32 v9, v10;
	_ =	sdelay $0x1  }
0x1ee: {  	v4 =	vmul.f32 v9, v4;
	v2 =	vmul.f32 v9, v2  }
0x1ef: {  	v3 =	vmul.f32 v9, v3;
	v5 =	vmul.f32 v9, v5  }
0x1f0: {  	v1 =	vmul.f32 v9, v1;
	[tilespmem:s1+$0x5320] =	vst v4;
	v4 =	vmul.f32 v9, v6  }
0x1f1: {  	v6 =	vmul.f32 v9, v8;
	[tilespmem:s1+$0x5340] =	vst v3;
	v3 =	vmul.f32 v9, v7  }
0x1f2: {  	[tilespmem:s1+$0x5350] =	vst v5  }
0x1f3: {  	[tilespmem:s1+$0x5360] =	vst v4  }
0x1f4: {  	[tilespmem:s1+$0x5380] =	vst v3  }
0x1f5: {  	[tilespmem:s1+$0x5390] =	vst v6  }
0x1f6: {  	[tilespmem:s1+$0x5370] =	vst v1  }
0x1f7: {  	[tilespmem:s1+$0x5330] =	vst v2  }
0x1f8: {  	v1 =	vld [tilespmem:s13+$0xFFFFFFF0]  }
0x1f9: {  	v8 =	vld [tilespmem:s13+$0x30]  }
0x1fa: {  	v3 =	vld [tilespmem:s10+$0x60]  }
0x1fb: {  	v6 =	vld [tilespmem:s10+$0xFFFFFFA0]  }
0x1fc: {  	v7 =	vld [tilespmem:s10+$0xFFFFFFB0]  }
0x1fd: {  	v2 =	vld [tilespmem:s13+$0xFFFFFFB0]  }
0x1fe: {  	v9 =	vld [tilespmem:s13+$0x40]  }
0x1ff: {  	v4 =	vld [tilespmem:s13+$0xFFFFFFA0];
	(v2sf) =	vpush v3, $0x0  }
0x200: {  	v3 =	vld [tilespmem:s13+$0xFFFFFFC0]  }
0x201: {  	v10 =	vld [tilespmem:s10+$0xFFFFFFC0]  }
0x202: {  	v11 =	vld [tilespmem:s13+$0x20]  }
0x203: {  	v5 =	vld [tilespmem:s13+$0xFFFFFFD0]  }
0x204: {  	v7 =	vmul.f32 v2, v7;
	v6 =	vmul.f32 v4, v6;
	v12 =	vld [tilespmem:s10+$0xFFFFFFD0]  }
0x205: {  	v13 =	vld [tilespmem:s10+$0x20]  }
0x206: {  	v7 =	vmul.f32 $1.442695020e+00, v7;
	v14 =	vmul.f32 $1.442695020e+00, v6;
	v15 =	vld [tilespmem:s10+$0xFFFFFFE0]  }
0x207: {  	v10 =	vmul.f32 v3, v10;
	v16 =	vld [tilespmem:s10+$0x30]  }
0x208: {  	v6 =	vld [tilespmem:s13+$0xFFFFFFE0];
	(erf) = vpow2.f32 v7  }
0x209: {  	v10 =	vmul.f32 $1.442695020e+00, v10;
	v17 =	vld [tilespmem:s10+$0x40];
	v7 =	vmul.f32 v5, v12  }
0x20a: {  	v11 =	vmul.f32 v11, v13;
	v12 =	vld [tilespmem:s10+$0xFFFFFFF0];
	(erf) = vpow2.f32 v14  }
0x20b: {  	v13 =	vmul.f32 $1.442695020e+00, v7;
	v7 =	vld [tilespmem:s13+$0x0];
	(erf) = vpow2.f32 v10  }
0x20c: {  	v10 =	vmul.f32 $1.442695020e+00, v11;
	v11 =	vmul.f32 v8, v16;
	v14 =	vld [tilespmem:s10+$0x0]  }
0x20d: {  	v15 =	vmul.f32 v6, v15;
	v8 =	vld [tilespmem:s13+$0x10];
	(erf) = vpow2.f32 v13  }
0x20e: {  	v9 =	vmul.f32 v9, v17;
	v13 =	vld [tilespmem:s13+$0x50];
	s1 =	spop (v2sf);
	(erf) = vpow2.f32 v10  }
0x20f: {  	s1 =	scvt.f32.s32 s1;
	v10 =	vld [tilespmem:s10+$0x50];
	v15 =	vmul.f32 $1.442695020e+00, v15;
	v12 =	vmul.f32 v1, v12  }
0x210: {  	v18 =	vmul.f32 $1.442695020e+00, v11;
	v9 =	vmul.f32 $1.442695020e+00, v9;
	v16 =	vld [tilespmem:s10+$0x10]  }
0x211: {  	s1 =	smul.u32 $0x380, s1;
	v12 =	vmul.f32 $1.442695020e+00, v12;
	v17 =	vpop (erf);
	(erf) = vpow2.f32 v15  }
0x212: {  	v14 =	vmul.f32 v7, v14;
	v15 =	vadd.f32 $1.000000000e+00, v17;
	(erf) = vpow2.f32 v18  }
0x213: {  	s1 =	sshra.s32 s1, $0x2;
	v11 =	vpop (erf);
	(erf) = vpow2.f32 v12  }
0x214: {  	v10 =	vmul.f32 v13, v10;
	v11 =	vadd.f32 $1.000000000e+00, v11;
	(erf) = vpow2.f32 v9;
	v9 =	vpop (erf)  }
0x215: {  	v12 =	vmul.f32 $1.442695020e+00, v14;
	v9 =	vadd.f32 $1.000000000e+00, v9;
	v13 =	vmul.f32 v8, v16  }
0x216: {  	v10 =	vmul.f32 $1.442695020e+00, v10;
	(erf) = vrcp.f32 v15;
	v14 =	vpop (erf)  }
0x217: {  	v14 =	vadd.f32 $1.000000000e+00, v14;
	v13 =	vmul.f32 $1.442695020e+00, v13;
	v15 =	vpop (erf);
	(erf) = vpow2.f32 v12  }
0x218: {  	v12 =	vadd.f32 $1.000000000e+00, v15;
	(erf) = vrcp.f32 v9  }
0x219: {  	(erf) = vrcp.f32 v11  }
0x21a: {  	(erf) = vpow2.f32 v10;
	v9 =	vpop (erf)  }
0x21b: {  	v10 =	vld [tilespmem:s1+$0x6F40];
	v9 =	vadd.f32 $1.000000000e+00, v9;
	v11 =	vpop (erf);
	(erf) = vrcp.f32 v14  }
0x21c: {  	v11 =	vadd.f32 $1.000000000e+00, v11;
	v14 =	vld [tilespmem:s1+$0x6F50];
	v15 =	vpop (erf);
	(erf) = vpow2.f32 v13  }
0x21d: {  	v13 =	vld [tilespmem:s1+$0x6F70];
	v16 =	vpop (erf);
	(erf) = vrcp.f32 v9  }
0x21e: {  	v9 =	vld [tilespmem:s1+$0x6F60];
	(erf) = vrcp.f32 v11  }
0x21f: {  	v15 =	vadd.f32 $1.000000000e+00, v15;
	v11 =	vld [tilespmem:s1+$0x6FC0];
	(erf) = vrcp.f32 v12;
	v12 =	vpop (erf)  }
0x220: {  	v18 =	vadd.f32 $1.000000000e+00, v16;
	v17 =	vpop (erf)  }
0x221: {  	v12 =	vmul.f32 v12, v14;
	v14 =	vpop (erf);
	(erf) = vrcp.f32 v15  }
0x222: {  	v15 =	vld [tilespmem:s1+$0x6F80];
	(erf) = vrcp.f32 v18;
	v16 =	vpop (erf)  }
0x223: {  	v19 =	vadd.f32 $1.000000000e+00, v17;
	v18 =	vld [tilespmem:s1+$0x6FD0];
	v10 =	vmul.f32 v16, v10;
	v9 =	vmul.f32 v14, v9;
	v16 =	vpop (erf)  }
0x224: {  	v20 =	vadd.f32 $1.000000000e+00, v16;
	v17 =	vpop (erf)  }
0x225: {  	v10 =	vadd.f32 $0.0e+00, v10;
	v13 =	vmul.f32 v17, v13;
	(erf) = vrcp.f32 v19;
	v14 =	vpop (erf)  }
0x226: {  	v17 =	vld [tilespmem:s1+$0x6F90];
	v14 =	vadd.f32 $1.000000000e+00, v14;
	(erf) = vrcp.f32 v20;
	v16 =	vpop (erf)  }
0x227: {  	v19 =	vld [tilespmem:s1+$0x6FE0];
	v10 =	vadd.f32 v12, v10;
	v12 =	vmul.f32 v16, v15;
	v15 =	vpop (erf)  }
0x228: {  	v15 =	vmul.f32 v15, v18;
	v16 =	vpop (erf);
	(erf) = vrcp.f32 v14  }
0x229: {  	v11 =	vmul.f32 v16, v11;
	v9 =	vadd.f32 v9, v10  }
0x22a: {  	v10 =	vld [tilespmem:s1+$0x6FA0];
	v14 =	vpop (erf)  }
0x22b: {  	v11 =	vadd.f32 $0.0e+00, v11;
	v16 =	vld [tilespmem:s1+$0x6FF0];
	v9 =	vadd.f32 v13, v9;
	v13 =	vmul.f32 v14, v17;
	v14 =	vpop (erf)  }
0x22c: {  	v14 =	vmul.f32 v14, v19  }
0x22d: {  	v11 =	vadd.f32 v15, v11;
	v9 =	vadd.f32 v12, v9;
	v12 =	vld [tilespmem:s1+$0x6FB0]  }
0x22e: {  	v15 =	vpop (erf)  }
0x22f: {  	v11 =	vadd.f32 v14, v11;
	v9 =	vadd.f32 v13, v9;
	v14 =	vmul.f32 v15, v10;
	v13 =	vpop (erf)  }
0x230: {  	v13 =	vmul.f32 v13, v16  }
0x231: {  	v9 =	vadd.f32 v14, v9;
	v10 =	vpop (erf)  }
0x232: {  	v11 =	vadd.f32 v13, v11;
	v10 =	vmul.f32 v10, v12;
	_ =	sdelay $0x1  }
0x233: {  	v9 =	vadd.f32 v10, v9;
	v10 =	vld [tilespmem:s1+$0x7000]  }
0x234: {  	v12 =	vld [tilespmem:s1+$0x7010]  }
0x235: {  	v13 =	vperm.xlane v11, v0;
	v14 =	vperm.xlane v9, v0;
	_ =	sdelay $0x1  }
0x236: {  	v11 =	vadd.f32 v11, v13;
	v9 =	vadd.f32 v9, v14;
	_ =	sdelay $0x1  }
0x237: {  	v11 =	vsub.f32 v12, v11;
	v9 =	vsub.f32 v10, v9;
	_ =	sdelay $0x1  }
0x238: {  	v9 =	vmul.f32 v9, v11;
	_ =	sdelay $0x1  }
.Ltmp2:
0x239: {  	v9 =	vmax.f32 v9, $-6.000000000e+01;
	(pc) =	sbr.rel @p0 .LBB2_8-.Ltmp2, $3  }
0x23a: {  	v9 =	vmin.f32 v9, $6.000000000e+01  }
0x23b: {  	v9 =	vmul.f32 $1.442695020e+00, v9;
	_ =	sdelay $0x1  }
0x23c: {  	(erf) = vpow2.f32 v9  }
0x23d: {  	_ =	sdelay $0x7  }
0x23e: {  	v9 =	vpop (erf)  }
0x23f: {  	v9 =	vnsel vm0, $0x0, v9  }
0x240: {  	v10 =	vperm.xlane v9, v0;
	_ =	sdelay $0x1  }
0x241: {  	v10 =	vadd.f32 v9, v10;
	_ =	sdelay $0x1  }
0x242: {  	s1 =	sshra.s32 s14, $0x2;
	v4 =	vmul.f32 v10, v4  }
0x243: {  	[tilespmem:s1+$0x53A0] =	vst v9;
	v3 =	vmul.f32 v10, v3  }
0x244: {  	v5 =	vmul.f32 v10, v5;
	[tilespmem:s1+$0x5320] =	vst v4  }
0x245: {  	v1 =	vmul.f32 v10, v1;
	[tilespmem:s1+$0x5340] =	vst v3  }
0x246: {  	v2 =	vmul.f32 v10, v2;
	[tilespmem:s1+$0x5350] =	vst v5  }
0x247: {  	v4 =	vmul.f32 v10, v6;
	[tilespmem:s1+$0x5370] =	vst v1  }
0x248: {  	v3 =	vmul.f32 v10, v7;
	[tilespmem:s1+$0x5330] =	vst v2  }
0x249: {  	v5 =	vmul.f32 v10, v8;
	[tilespmem:s1+$0x5360] =	vst v4  }
0x24a: {  	[tilespmem:s1+$0x5380] =	vst v3  }
0x24b: {  	s14 =	sand.u32 $0x3FFFFFC0, s12;
	[tilespmem:s1+$0x5390] =	vst v5  }
0x24c: {  	[spmem:s3] =	stream.indirect.scatter.add.f32 [tilespmem:s26], [sflag:$0x3], $0x90, s14, s18, $0xb8;
	[tilespmem:$0x1D170] =	vst v63  }
0x24d: {  	_ =	swait.ge [sflag:s28], $0x1450  }
0x24e: {  	[sflag:s28] =	ssyncset.done $0x0  }
0x24f: {  	[sflag:s28] =	ssyncadd.s32 $0xFFFFEBB0  }
0x250: {  	p0 =	seq.s32 s8, $0x9;
	_ =	swait.ge [sflag:s28], $0x12C0  }
0x251: {  	s10 =	simm.s32 @!p0 $0x19;
	[sflag:s28] =	ssyncset.done $0x0  }
0x252: {  	s13 =	simm.s32 @!p0 $0x500;
	s1 =	sadd.s32 @!p0 $0x40, s12;
	[sflag:s28] =	ssyncadd.s32 $0xFFFFED40  }
0x253: {  	[tilespmem:s13], [sflag:$0x1] =	stream.indirect.gather @!p0 [hbm4b:s6+s10], $0xD0, s1, s10, $0xb8;
	[tilespmem:$0x1D170] =	vst v63  }
0x254: {  	s1 =	sadd.s32 @!p0 $0x2C0, s12;
	s12 =	simm.s32 @!p0 $0x2DA0  }
0x255: {  	[tilespmem:s12], [sflag:$0x1] =	stream.indirect.gather @!p0 [hbm4b:s7+s10], $0xC0, s1, s10, $0xb8;
	[tilespmem:$0x1D170] =	vst v63  }
0x256: {  	_ =	swait.ge [sflag:s2], $0xE10  }
0x257: {  	[sflag:s2] =	ssyncset.done $0x0  }
0x258: {  	s12 =	simm.s32 $0x40C0;
	[sflag:s2] =	ssyncadd.s32 $0xFFFFF1F0  }
0x259: {  	v1 =	vld [tilespmem:s12+$0xFFFFFFF0]  }
0x25a: {  	s10 =	simm.s32 $0x19B0;
	v8 =	vld [tilespmem:s12+$0x30]  }
0x25b: {  	v7 =	vld [tilespmem:s10+$0x60]  }
0x25c: {  	v6 =	vld [tilespmem:s10+$0xFFFFFFA0]  }
0x25d: {  	v9 =	vld [tilespmem:s10+$0xFFFFFFB0]  }
0x25e: {  	v2 =	vld [tilespmem:s12+$0xFFFFFFB0]  }
0x25f: {  	v4 =	vld [tilespmem:s12+$0xFFFFFFA0]  }
0x260: {  	v3 =	vld [tilespmem:s12+$0xFFFFFFC0]  }
0x261: {  	v11 =	vld [tilespmem:s10+$0xFFFFFFC0]  }
0x262: {  	v12 =	vld [tilespmem:s12+$0x20]  }
0x263: {  	v5 =	vld [tilespmem:s12+$0xFFFFFFD0]  }
0x264: {  	v13 =	vld [tilespmem:s10+$0xFFFFFFD0]  }
0x265: {  	v14 =	vld [tilespmem:s10+$0x20]  }
0x266: {  	v15 =	vld [tilespmem:s10+$0xFFFFFFE0]  }
0x267: {  	v16 =	vld [tilespmem:s10+$0x30];
	v9 =	vmul.f32 v2, v9;
	v6 =	vmul.f32 v4, v6  }
0x268: {  	v26 =	vld [tilespmem:s10+$0xFFFFFFF0];
	v11 =	vmul.f32 v3, v11  }
0x269: {  	v9 =	vmul.f32 $1.442695020e+00, v9;
	v17 =	vmul.f32 $1.442695020e+00, v6;
	v6 =	vld [tilespmem:s12+$0xFFFFFFE0]  }
0x26a: {  	v10 =	vld [tilespmem:s12+$0x40];
	(v2sf) =	vpush v7, $0x0;
	v12 =	vmul.f32 v12, v14;
	v7 =	vmul.f32 $1.442695020e+00, v11  }
0x26b: {  	v11 =	vmul.f32 v5, v13;
	(erf) = vpow2.f32 v9;
	v9 =	vld [tilespmem:s10+$0x40]  }
0x26c: {  	v27 =	vmul.f32 v8, v16;
	(erf) = vpow2.f32 v17  }
0x26d: {  	v28 =	vld [tilespmem:s10+$0x0];
	v11 =	vmul.f32 $1.442695020e+00, v11;
	(erf) = vpow2.f32 v7  }
0x26e: {  	v29 =	vmul.f32 v1, v26;
	v7 =	vld [tilespmem:s12+$0x0];
	v15 =	vmul.f32 v6, v15  }
0x26f: {  	v30 =	vld [tilespmem:s10+$0x50];
	v12 =	vmul.f32 $1.442695020e+00, v12;
	(erf) = vpow2.f32 v11  }
0x270: {  	v31 =	vld [tilespmem:s10+$0x10];
	v9 =	vmul.f32 v10, v9;
	v11 =	vmul.f32 $1.442695020e+00, v15  }
0x271: {  	v14 =	vmul.f32 $1.442695020e+00, v27;
	(erf) = vpow2.f32 v12;
	v10 =	vld [tilespmem:s12+$0x50]  }
0x272: {  	v8 =	vld [tilespmem:s12+$0x10];
	v12 =	vmul.f32 $1.442695020e+00, v29;
	v9 =	vmul.f32 $1.442695020e+00, v9  }
0x273: {  	(erf) = vpow2.f32 v11;
	v16 =	vmul.f32 v7, v28  }
0x274: {  	(erf) = vpow2.f32 v14;
	v11 =	vpop (erf)  }
0x275: {  	v33 =	vmul.f32 $1.442695020e+00, v16;
	v11 =	vadd.f32 $1.000000000e+00, v11;
	v32 =	vpop (erf);
	(erf) = vpow2.f32 v12  }
0x276: {  	v10 =	vmul.f32 v10, v30;
	(erf) = vpow2.f32 v9;
	v9 =	vpop (erf)  }
0x277: {  	v34 =	vmul.f32 v8, v31;
	v9 =	vadd.f32 $1.000000000e+00, v9;
	(erf) = vrcp.f32 v11  }
0x278: {  	v10 =	vmul.f32 $1.442695020e+00, v10;
	v35 =	vpop (erf);
	(erf) = vpow2.f32 v33  }
0x279: {  	v11 =	vadd.f32 $1.000000000e+00, v32;
	(erf) = vrcp.f32 v9;
	v9 =	vadd.f32 $1.000000000e+00, v35;
	_ =	sdelay $0x1  }
0x27a: {  	s16 =	spop (v2sf);
	v36 =	vpop (erf);
	(erf) = vrcp.f32 v11;
	v11 =	vmul.f32 $1.442695020e+00, v34  }
0x27b: {  	s1 =	scvt.f32.s32 s16;
	(erf) = vpow2.f32 v10;
	v10 =	vpop (erf)  }
0x27c: {  	(erf) = vrcp.f32 v9;
	v10 =	vadd.f32 $1.000000000e+00, v10;
	v9 =	vpop (erf)  }
0x27d: {  	s1 =	smul.u32 $0x380, s1;
	(erf) = vpow2.f32 v11;
	v9 =	vadd.f32 $1.000000000e+00, v9  }
0x27e: {  	v11 =	vpop (erf)  }
0x27f: {  	s1 =	sshra.s32 s1, $0x2;
	v37 =	vpop (erf)  }
0x280: {  	v38 =	vld [tilespmem:s1+$0x6F40];
	(erf) = vrcp.f32 v10;
	v10 =	vpop (erf)  }
0x281: {  	v12 =	vadd.f32 $1.000000000e+00, v36;
	v39 =	vld [tilespmem:s1+$0x6F50];
	(erf) = vrcp.f32 v9;
	v9 =	vpop (erf)  }
0x282: {  	v40 =	vpop (erf)  }
0x283: {  	v11 =	vadd.f32 $1.000000000e+00, v11;
	(erf) = vrcp.f32 v12;
	v41 =	vpop (erf)  }
0x284: {  	v42 =	vld [tilespmem:s1+$0x6F60];
	v13 =	vadd.f32 $1.000000000e+00, v37;
	v18 =	vpop (erf)  }
0x285: {  	(erf) = vrcp.f32 v11;
	v9 =	vadd.f32 $1.000000000e+00, v9;
	v11 =	vmul.f32 v41, v38;
	v43 =	vpop (erf)  }
0x286: {  	v44 =	vld [tilespmem:s1+$0x6F70];
	v10 =	vmul.f32 v10, v39;
	(erf) = vrcp.f32 v13;
	v45 =	vadd.f32 $1.000000000e+00, v18;
	v46 =	vpop (erf)  }
0x287: {  	v47 =	vld [tilespmem:s1+$0x6FC0];
	v11 =	vadd.f32 $0.0e+00, v11;
	(erf) = vrcp.f32 v9;
	v9 =	vadd.f32 $1.000000000e+00, v46  }
0x288: {  	v48 =	vld [tilespmem:s1+$0x6F80];
	(erf) = vrcp.f32 v45  }
0x289: {  	v49 =	vld [tilespmem:s1+$0x6FD0];
	v12 =	vmul.f32 v40, v42;
	v50 =	vpop (erf);
	v10 =	vadd.f32 v10, v11;
	(erf) = vrcp.f32 v9  }
0x28a: {  	v9 =	vld [tilespmem:s1+$0x6F90]  }
0x28b: {  	v51 =	vld [tilespmem:s1+$0x6FE0];
	v14 =	vmul.f32 v43, v44;
	v11 =	vpop (erf);
	v10 =	vadd.f32 v12, v10  }
0x28c: {  	v53 =	vld [tilespmem:s1+$0x6FA0];
	v19 =	vpop (erf)  }
0x28d: {  	v54 =	vld [tilespmem:s1+$0x6FF0];
	v15 =	vmul.f32 v50, v48;
	v52 =	vmul.f32 v19, v47;
	v10 =	vadd.f32 v14, v10  }
0x28e: {  	v56 =	vld [tilespmem:s1+$0x6FB0];
	v11 =	vmul.f32 v11, v49;
	v55 =	vpop (erf)  }
0x28f: {  	v57 =	vpop (erf);
	v12 =	vadd.f32 $0.0e+00, v52;
	v9 =	vmul.f32 v55, v9;
	v10 =	vadd.f32 v15, v10  }
0x290: {  	v13 =	vmul.f32 v57, v51;
	v58 =	vpop (erf)  }
0x291: {  	v11 =	vadd.f32 v11, v12;
	v9 =	vadd.f32 v9, v10;
	v10 =	vmul.f32 v58, v53;
	v59 =	vpop (erf)  }
0x292: {  	v12 =	vmul.f32 v59, v54;
	v60 =	vpop (erf)  }
0x293: {  	v11 =	vadd.f32 v13, v11;
	v9 =	vadd.f32 v10, v9;
	v10 =	vmul.f32 v60, v56;
	_ =	sdelay $0x1  }
0x294: {  	v61 =	vld [tilespmem:s1+$0x7010];
	v11 =	vadd.f32 v12, v11;
	v9 =	vadd.f32 v10, v9  }
0x295: {  	v10 =	vld [tilespmem:s1+$0x7000]  }
0x296: {  	v62 =	vperm.xlane v11, v0;
	v63 =	vperm.xlane v9, v0;
	_ =	sdelay $0x1  }
0x297: {  	v11 =	vadd.f32 v11, v62;
	v9 =	vadd.f32 v9, v63;
	_ =	sdelay $0x1  }
0x298: {  	v11 =	vsub.f32 v61, v11;
	v9 =	vsub.f32 v10, v9;
	_ =	sdelay $0x1  }
0x299: {  	v9 =	vmul.f32 v9, v11;
	_ =	sdelay $0x1  }
0x29a: {  	v9 =	vmax.f32 v9, $-6.000000000e+01  }
0x29b: {  	v9 =	vmin.f32 v9, $6.000000000e+01  }
0x29c: {  	v9 =	vmul.f32 $1.442695020e+00, v9;
	_ =	sdelay $0x1  }
0x29d: {  	s14 =	simm.s32 $0x240;
	s13 =	simm.s32 $0x0;
	(erf) = vpow2.f32 v9  }
.LBB2_10:
0x29e: {  	_ =	sdelay $0x7  }
0x29f: {  	p0 =	sne.s32 s14, $0x3600;
	s12 =	sadd.s32 $0xC0, s12;
	s10 =	sadd.s32 $0xD0, s10;
	v9 =	vpop (erf)  }
0x2a0: {  	s1 =	sshra.s32 s13, $0x2;
	s13 =	smov.u32 s14;
	s14 =	sadd.s32 $0x240, s14;
	v9 =	vnsel vm0, $0x0, v9  }
0x2a1: {  	v10 =	vperm.xlane v9, v0;
	[tilespmem:s1+$0x61B0] =	vst v9;
	_ =	sdelay $0x1  }
0x2a2: {  	v9 =	vadd.f32 v9, v10;
	_ =	sdelay $0x1  }
0x2a3: {  	v4 =	vmul.f32 v9, v4;
	v2 =	vmul.f32 v9, v2  }
0x2a4: {  	v3 =	vmul.f32 v9, v3;
	v5 =	vmul.f32 v9, v5  }
0x2a5: {  	v1 =	vmul.f32 v9, v1;
	[tilespmem:s1+$0x6130] =	vst v4;
	v4 =	vmul.f32 v9, v6  }
0x2a6: {  	v6 =	vmul.f32 v9, v8;
	[tilespmem:s1+$0x6150] =	vst v3;
	v3 =	vmul.f32 v9, v7  }
0x2a7: {  	[tilespmem:s1+$0x6160] =	vst v5  }
0x2a8: {  	[tilespmem:s1+$0x6170] =	vst v4  }
0x2a9: {  	[tilespmem:s1+$0x6190] =	vst v3  }
0x2aa: {  	[tilespmem:s1+$0x61A0] =	vst v6  }
0x2ab: {  	[tilespmem:s1+$0x6180] =	vst v1  }
0x2ac: {  	[tilespmem:s1+$0x6140] =	vst v2  }
0x2ad: {  	v1 =	vld [tilespmem:s12+$0xFFFFFFF0]  }
0x2ae: {  	v8 =	vld [tilespmem:s12+$0x30]  }
0x2af: {  	v3 =	vld [tilespmem:s10+$0x60]  }
0x2b0: {  	v6 =	vld [tilespmem:s10+$0xFFFFFFA0]  }
0x2b1: {  	v7 =	vld [tilespmem:s10+$0xFFFFFFB0]  }
0x2b2: {  	v2 =	vld [tilespmem:s12+$0xFFFFFFB0]  }
0x2b3: {  	v9 =	vld [tilespmem:s12+$0x40]  }
0x2b4: {  	v4 =	vld [tilespmem:s12+$0xFFFFFFA0];
	(v2sf) =	vpush v3, $0x0  }
0x2b5: {  	v3 =	vld [tilespmem:s12+$0xFFFFFFC0]  }
0x2b6: {  	v10 =	vld [tilespmem:s10+$0xFFFFFFC0]  }
0x2b7: {  	v11 =	vld [tilespmem:s12+$0x20]  }
0x2b8: {  	v5 =	vld [tilespmem:s12+$0xFFFFFFD0]  }
0x2b9: {  	v7 =	vmul.f32 v2, v7;
	v6 =	vmul.f32 v4, v6;
	v12 =	vld [tilespmem:s10+$0xFFFFFFD0]  }
0x2ba: {  	v13 =	vld [tilespmem:s10+$0x20]  }
0x2bb: {  	v7 =	vmul.f32 $1.442695020e+00, v7;
	v14 =	vmul.f32 $1.442695020e+00, v6;
	v15 =	vld [tilespmem:s10+$0xFFFFFFE0]  }
0x2bc: {  	v10 =	vmul.f32 v3, v10;
	v16 =	vld [tilespmem:s10+$0x30]  }
0x2bd: {  	v6 =	vld [tilespmem:s12+$0xFFFFFFE0];
	(erf) = vpow2.f32 v7  }
0x2be: {  	v10 =	vmul.f32 $1.442695020e+00, v10;
	v17 =	vld [tilespmem:s10+$0x40];
	v7 =	vmul.f32 v5, v12  }
0x2bf: {  	v11 =	vmul.f32 v11, v13;
	v12 =	vld [tilespmem:s10+$0xFFFFFFF0];
	(erf) = vpow2.f32 v14  }
0x2c0: {  	v13 =	vmul.f32 $1.442695020e+00, v7;
	v7 =	vld [tilespmem:s12+$0x0];
	(erf) = vpow2.f32 v10  }
0x2c1: {  	v10 =	vmul.f32 $1.442695020e+00, v11;
	v11 =	vmul.f32 v8, v16;
	v14 =	vld [tilespmem:s10+$0x0]  }
0x2c2: {  	v15 =	vmul.f32 v6, v15;
	v8 =	vld [tilespmem:s12+$0x10];
	(erf) = vpow2.f32 v13  }
0x2c3: {  	v9 =	vmul.f32 v9, v17;
	v13 =	vld [tilespmem:s12+$0x50];
	s1 =	spop (v2sf);
	(erf) = vpow2.f32 v10  }
0x2c4: {  	s1 =	scvt.f32.s32 s1;
	v10 =	vld [tilespmem:s10+$0x50];
	v15 =	vmul.f32 $1.442695020e+00, v15;
	v12 =	vmul.f32 v1, v12  }
0x2c5: {  	v18 =	vmul.f32 $1.442695020e+00, v11;
	v9 =	vmul.f32 $1.442695020e+00, v9;
	v16 =	vld [tilespmem:s10+$0x10]  }
0x2c6: {  	s1 =	smul.u32 $0x380, s1;
	v12 =	vmul.f32 $1.442695020e+00, v12;
	v17 =	vpop (erf);
	(erf) = vpow2.f32 v15  }
0x2c7: {  	v14 =	vmul.f32 v7, v14;
	v15 =	vadd.f32 $1.000000000e+00, v17;
	(erf) = vpow2.f32 v18  }
0x2c8: {  	s1 =	sshra.s32 s1, $0x2;
	v11 =	vpop (erf);
	(erf) = vpow2.f32 v12  }
0x2c9: {  	v10 =	vmul.f32 v13, v10;
	v11 =	vadd.f32 $1.000000000e+00, v11;
	(erf) = vpow2.f32 v9;
	v9 =	vpop (erf)  }
0x2ca: {  	v12 =	vmul.f32 $1.442695020e+00, v14;
	v9 =	vadd.f32 $1.000000000e+00, v9;
	v13 =	vmul.f32 v8, v16  }
0x2cb: {  	v10 =	vmul.f32 $1.442695020e+00, v10;
	(erf) = vrcp.f32 v15;
	v14 =	vpop (erf)  }
0x2cc: {  	v14 =	vadd.f32 $1.000000000e+00, v14;
	v13 =	vmul.f32 $1.442695020e+00, v13;
	v15 =	vpop (erf);
	(erf) = vpow2.f32 v12  }
0x2cd: {  	v12 =	vadd.f32 $1.000000000e+00, v15;
	(erf) = vrcp.f32 v9  }
0x2ce: {  	(erf) = vrcp.f32 v11  }
0x2cf: {  	(erf) = vpow2.f32 v10;
	v9 =	vpop (erf)  }
0x2d0: {  	v10 =	vld [tilespmem:s1+$0x6F40];
	v9 =	vadd.f32 $1.000000000e+00, v9;
	v11 =	vpop (erf);
	(erf) = vrcp.f32 v14  }
0x2d1: {  	v11 =	vadd.f32 $1.000000000e+00, v11;
	v14 =	vld [tilespmem:s1+$0x6F50];
	v15 =	vpop (erf);
	(erf) = vpow2.f32 v13  }
0x2d2: {  	v13 =	vld [tilespmem:s1+$0x6F70];
	v16 =	vpop (erf);
	(erf) = vrcp.f32 v9  }
0x2d3: {  	v9 =	vld [tilespmem:s1+$0x6F60];
	(erf) = vrcp.f32 v11  }
0x2d4: {  	v15 =	vadd.f32 $1.000000000e+00, v15;
	v11 =	vld [tilespmem:s1+$0x6FC0];
	(erf) = vrcp.f32 v12;
	v12 =	vpop (erf)  }
0x2d5: {  	v18 =	vadd.f32 $1.000000000e+00, v16;
	v17 =	vpop (erf)  }
0x2d6: {  	v12 =	vmul.f32 v12, v14;
	v14 =	vpop (erf);
	(erf) = vrcp.f32 v15  }
0x2d7: {  	v15 =	vld [tilespmem:s1+$0x6F80];
	(erf) = vrcp.f32 v18;
	v16 =	vpop (erf)  }
0x2d8: {  	v19 =	vadd.f32 $1.000000000e+00, v17;
	v18 =	vld [tilespmem:s1+$0x6FD0];
	v10 =	vmul.f32 v16, v10;
	v9 =	vmul.f32 v14, v9;
	v16 =	vpop (erf)  }
0x2d9: {  	v20 =	vadd.f32 $1.000000000e+00, v16;
	v17 =	vpop (erf)  }
0x2da: {  	v10 =	vadd.f32 $0.0e+00, v10;
	v13 =	vmul.f32 v17, v13;
	(erf) = vrcp.f32 v19;
	v14 =	vpop (erf)  }
0x2db: {  	v17 =	vld [tilespmem:s1+$0x6F90];
	v14 =	vadd.f32 $1.000000000e+00, v14;
	(erf) = vrcp.f32 v20;
	v16 =	vpop (erf)  }
0x2dc: {  	v19 =	vld [tilespmem:s1+$0x6FE0];
	v10 =	vadd.f32 v12, v10;
	v12 =	vmul.f32 v16, v15;
	v15 =	vpop (erf)  }
0x2dd: {  	v15 =	vmul.f32 v15, v18;
	v16 =	vpop (erf);
	(erf) = vrcp.f32 v14  }
0x2de: {  	v11 =	vmul.f32 v16, v11;
	v9 =	vadd.f32 v9, v10  }
0x2df: {  	v10 =	vld [tilespmem:s1+$0x6FA0];
	v14 =	vpop (erf)  }
0x2e0: {  	v11 =	vadd.f32 $0.0e+00, v11;
	v16 =	vld [tilespmem:s1+$0x6FF0];
	v9 =	vadd.f32 v13, v9;
	v13 =	vmul.f32 v14, v17;
	v14 =	vpop (erf)  }
0x2e1: {  	v14 =	vmul.f32 v14, v19  }
0x2e2: {  	v11 =	vadd.f32 v15, v11;
	v9 =	vadd.f32 v12, v9;
	v12 =	vld [tilespmem:s1+$0x6FB0]  }
0x2e3: {  	v15 =	vpop (erf)  }
0x2e4: {  	v11 =	vadd.f32 v14, v11;
	v9 =	vadd.f32 v13, v9;
	v14 =	vmul.f32 v15, v10;
	v13 =	vpop (erf)  }
0x2e5: {  	v13 =	vmul.f32 v13, v16  }
0x2e6: {  	v9 =	vadd.f32 v14, v9;
	v10 =	vpop (erf)  }
0x2e7: {  	v11 =	vadd.f32 v13, v11;
	v10 =	vmul.f32 v10, v12;
	_ =	sdelay $0x1  }
0x2e8: {  	v9 =	vadd.f32 v10, v9;
	v10 =	vld [tilespmem:s1+$0x7000]  }
0x2e9: {  	v12 =	vld [tilespmem:s1+$0x7010]  }
0x2ea: {  	v13 =	vperm.xlane v11, v0;
	v14 =	vperm.xlane v9, v0;
	_ =	sdelay $0x1  }
0x2eb: {  	v11 =	vadd.f32 v11, v13;
	v9 =	vadd.f32 v9, v14;
	_ =	sdelay $0x1  }
0x2ec: {  	v11 =	vsub.f32 v12, v11;
	v9 =	vsub.f32 v10, v9;
	_ =	sdelay $0x1  }
0x2ed: {  	v9 =	vmul.f32 v9, v11;
	_ =	sdelay $0x1  }
.Ltmp3:
0x2ee: {  	v9 =	vmax.f32 v9, $-6.000000000e+01;
	(pc) =	sbr.rel @p0 .LBB2_10-.Ltmp3, $3  }
0x2ef: {  	v9 =	vmin.f32 v9, $6.000000000e+01  }
0x2f0: {  	v9 =	vmul.f32 $1.442695020e+00, v9;
	_ =	sdelay $0x1  }
0x2f1: {  	(erf) = vpow2.f32 v9  }
0x2f2: {  	_ =	sdelay $0x7  }
0x2f3: {  	v9 =	vpop (erf)  }
0x2f4: {  	v9 =	vnsel vm0, $0x0, v9  }
0x2f5: {  	v10 =	vperm.xlane v9, v0;
	_ =	sdelay $0x1  }
0x2f6: {  	v10 =	vadd.f32 v9, v10;
	_ =	sdelay $0x1  }
0x2f7: {  	s1 =	sshra.s32 s13, $0x2;
	v4 =	vmul.f32 v10, v4  }
0x2f8: {  	[tilespmem:s1+$0x61B0] =	vst v9;
	v3 =	vmul.f32 v10, v3  }
0x2f9: {  	v5 =	vmul.f32 v10, v5;
	[tilespmem:s1+$0x6130] =	vst v4  }
0x2fa: {  	v62 =	vmul.f32 v10, v6;
	[tilespmem:s1+$0x6150] =	vst v3  }
0x2fb: {  	s8 =	sadd.s32 $0x1, s8;
	v63 =	vmul.f32 v10, v8;
	[tilespmem:s1+$0x6160] =	vst v5  }
0x2fc: {  	p0 =	sne.s32 s8, $0xA;
	v1 =	vmul.f32 v10, v1;
	[tilespmem:s1+$0x6170] =	vst v62  }
.Ltmp4:
0x2fd: {  	v2 =	vmul.f32 v10, v2;
	[tilespmem:s1+$0x61A0] =	vst v63;
	(pc) =	sbr.rel @p0 .LBB2_7-.Ltmp4, $4  }
0x2fe: {  	v3 =	vmul.f32 v10, v7;
	[tilespmem:s1+$0x6180] =	vst v1  }
0x2ff: {  	[tilespmem:s1+$0x6140] =	vst v2  }
0x300: {  	[tilespmem:s1+$0x6190] =	vst v3  }
0x301: {  	[spmem:s3] =	stream.indirect.scatter.add.f32 [tilespmem:s31], [sflag:$0x4], $0x90, s9, s18, $0xb8;
	[tilespmem:$0x1D170] =	vst v63  }
0x302: {  	s4 =	sadd.s32 $0x1, s4  }
0x303: {  	p0 =	sne.s32 s4, $0x14  }
.Ltmp5:
0x304: {  	_ = 	snop;
	(pc) =	sbr.rel @p0 .LBB2_2-.Ltmp5, $1  }
0x305: {  	_ =	sdelay $0x3  }
0x306: {  	_ =	swait.ge [sflag:s0], $0xE10  }
0x307: {  	[sflag:s0] =	ssyncset.done $0x0  }
0x308: {  	[sflag:s0] =	ssyncadd.s32 $0xFFFFF1F0  }
0x309: {  	_ =	swait.ge [sflag:s2], $0xE10  }
0x30a: {  	[sflag:s2] =	ssyncset.done $0x0  }
0x30b: {  	[sflag:s2] =	ssyncadd.s32 $0xFFFFF1F0  }
0x30c: {  	[bflag:$0x0] =	sbarrier.arrive $0xFFFF  }
0x30d: {  	s8 =	rddreg [dreg:$0x6]  }
0x30e: {  	s1 =	rddreg [dreg:$0x7]  }
0x30f: {  	s4 =	rddreg [dreg:$0x9]  }
0x310: {  	[hbm:s1], [sflag:s8] =	dma.local [spmem:s4], $0x2BF2  }
0x311: {  	_ =	swait.ge [sflag:s15], $0x2BF2  }
0x312: {  	s9 =	rddreg [dreg:$0xa]  }
0x313: {  	s16 =	rddreg [dreg:$0x8];
	s9 =	sadd.s32 $0x1, s9  }
0x314: {  	p0 =	sne.s32 s9, s16  }
.Ltmp6:
0x315: {  	_ = 	snop;
	(pc) =	sbr.rel @p0 .LBB2_1-.Ltmp6, $3  }
0x316: {  	_ =	sdelay $0x1  }
0x317: {  	[sflag:s15] =	ssyncset.done $0x0  }
0x318: {  	[sflag:s15] =	ssyncadd.s32 $0xFFFFD40E  }
0x319: {  	_ =	sfence.sel $0x180000  }
0x31a: {  	[bflag:$0x0] =	sbarrier.arrive $0xFFFF  }
0x31b: {  	_ =	strace $0x90000047  }
0x31c: {  	s0 =	stileid.u32;
	[bflag:$0x2] =	sbarrier.arrive $0xFFFF  }
0x31d: {  	p0 =	sne.s32 s0, $0x0;
	s0 =	rddreg [dreg:$0x3]  }
0x31e: {  	s0 =	sadd.s32 @!p0 $0x100000, s0  }
0x31f: {  	[sflag:s0] =	ssyncadd.tile.s32 @!p0 $0x1;
	_ =	shalt  }
.Lfunc_end2:
_tile_overlayer_lowered:
.L_overlay_start_2:
0x320: {  	(tag) =	ssettag $0x2  }
0x321: {  	s0 =	rddreg [dreg:$0x0];
	s2 =	stileid.u32  }
0x322: {  	s1 =	rddreg [dreg:$0x1];
	p0 =	sne.s32 s2, $0x0  }
0x323: {  	s3 =	rddreg [dreg:$0x2];
	[bflag:$0x3] =	sbarrier.arrive $0xFFFF;
	s2 =	simm.s32 @!p0 $0x1C05  }
0x324: {  	[timem:s3], [sflag:s2] =	dma.local @!p0 [hbm:s0], s1  }
0x325: {  	s0 =	simm.s32 @!p0 $0x5  }
0x326: {  	_ =	swait.ge @!p0 [sflag:s0], s1  }
0x327: {  	s1 =	ssub.s32 @!p0 $0x0, s1;
	[sflag:s0] =	ssyncset.done @!p0 $0x0  }
0x328: {  	[sflag:s0] =	ssyncadd.s32 @!p0 s1  }
0x329: {  	[bflag:$0x3] =	sbarrier.arrive $0xFFFF  }
0x32a: {  	_ =	shalt  }

</sc_bundles>
